<compile_context>
chip_gen: v7x
topology: tpu7x:2x2x1
jax: 0.10.2.dev20260603
libtpu: 0.0.44.dev20260713+nightly
codegen_flags: <defaults>
</compile_context>

<pallas_src>
import functools

import jax
import jax.numpy as jnp
from jax import lax
from jax.experimental import pallas as pl
from jax.experimental.pallas import tpu as pltpu
from jax.experimental.pallas import tpu_sc as plsc

NCORES = 2
NSUB = 16
NW = NCORES * NSUB
EPSBN = 1e-5
NORMC = 100.0


def _sc_pass1(row, col, attr_bf, h_bf, n, e, hdim):
    ept = e // NW
    ch = 400
    npt = 1000
    nslices = n // npt
    nchunks = ept // ch

    mesh = plsc.VectorSubcoreMesh(core_axis_name="c", subcore_axis_name="s")

    @functools.partial(
        pl.kernel,
        out_type=(
            jax.ShapeDtypeStruct((NCORES, n, hdim), jnp.bfloat16),
            jax.ShapeDtypeStruct((NCORES, n, 32), jnp.bfloat16),
            jax.ShapeDtypeStruct((NCORES, n, 32), jnp.bfloat16),
        ),
        mesh=mesh,
        compiler_params=pltpu.CompilerParams(use_tc_tiling_on_sc=False,
                                             needs_layout_passes=False),
        scratch_types=(
            pltpu.VMEM_SHARED((n, hdim), jnp.bfloat16),
            pltpu.VMEM_SHARED((n, 32), jnp.bfloat16),
            pltpu.VMEM_SHARED((n, 32), jnp.bfloat16),
            pltpu.VMEM((2, ch), jnp.int32),
            pltpu.VMEM((2, ch), jnp.int32),
            pltpu.VMEM((2, ch, hdim), jnp.bfloat16),
            pltpu.VMEM((2, ch, 32), jnp.bfloat16),
            pltpu.SemaphoreType.DMA,
            pltpu.SemaphoreType.DMA,
            pltpu.SemaphoreType.DMA,
        ),
    )
    def k(row_hbm, col_hbm, attr_hbm, h_hbm, z128_hbm, z32_hbm, ones_hbm,
          u_out, ac_out, ar_out,
          u_sp, ac_sp, ar_sp, rowbuf, colbuf, hrows, attr1, sem_idx, sem_g,
          sem_sc):
        cid = lax.axis_index("c")
        sid = lax.axis_index("s")
        wid = cid * NSUB + sid
        nsl = pl.ds(sid * npt, npt)

        @pl.when(sid < nslices)
        def _():
            pltpu.sync_copy(z128_hbm, u_sp.at[nsl, :])
            pltpu.sync_copy(z32_hbm, ac_sp.at[nsl, :])
            pltpu.sync_copy(z32_hbm, ar_sp.at[nsl, :])

        pltpu.sync_copy(ones_hbm, attr1.at[0, :, 16:32])
        pltpu.sync_copy(ones_hbm, attr1.at[1, :, 16:32])
        plsc.subcore_barrier()

        def load_idx(i, slot):
            esl = pl.ds(wid * ept + i * ch, ch)
            pltpu.async_copy(row_hbm.at[esl], rowbuf.at[slot], sem_idx)
            pltpu.async_copy(col_hbm.at[esl], colbuf.at[slot], sem_idx)
            pltpu.async_copy(attr_hbm.at[esl, :], attr1.at[slot, :, 0:16],
                             sem_idx)

        load_idx(0, 0)

        def wait_scatters(slot):
            pltpu.make_async_copy(hrows.at[slot], u_sp.at[pl.ds(0, ch), :],
                                  sem_sc).wait()
            pltpu.make_async_copy(attr1.at[slot], ac_sp.at[pl.ds(0, ch), :],
                                  sem_sc).wait()
            pltpu.make_async_copy(attr1.at[slot], ar_sp.at[pl.ds(0, ch), :],
                                  sem_sc).wait()

        def body(i, carry):
            slot = lax.rem(i, 2)
            nxt = 1 - slot

            @pl.when(i >= 2)
            def _():
                wait_scatters(slot)

            pltpu.make_async_copy(row_hbm.at[pl.ds(0, ch)], rowbuf.at[slot],
                                  sem_idx).wait()
            pltpu.make_async_copy(col_hbm.at[pl.ds(0, ch)], colbuf.at[slot],
                                  sem_idx).wait()
            pltpu.make_async_copy(attr_hbm.at[pl.ds(0, ch), :],
                                  attr1.at[slot, :, 0:16], sem_idx).wait()
            gather = pltpu.async_copy(h_hbm.at[rowbuf.at[slot]],
                                      hrows.at[slot], sem_g)

            @pl.when(i + 1 < nchunks)
            def _():
                load_idx(i + 1, nxt)

            gather.wait()
            pltpu.async_copy(hrows.at[slot], u_sp.at[colbuf.at[slot]], sem_sc,
                             add=True)
            pltpu.async_copy(attr1.at[slot], ac_sp.at[colbuf.at[slot]], sem_sc,
                             add=True)
            pltpu.async_copy(attr1.at[slot], ar_sp.at[rowbuf.at[slot]], sem_sc,
                             add=True)
            return carry

        lax.fori_loop(0, nchunks, body, 0)
        wait_scatters(lax.rem(nchunks, 2))
        wait_scatters(1 - lax.rem(nchunks, 2))
        plsc.subcore_barrier()

        @pl.when(sid < nslices)
        def _():
            pltpu.sync_copy(u_sp.at[nsl, :], u_out.at[cid, nsl, :])
            pltpu.sync_copy(ac_sp.at[nsl, :], ac_out.at[cid, nsl, :])
            pltpu.sync_copy(ar_sp.at[nsl, :], ar_out.at[cid, nsl, :])

    z128 = jnp.zeros((npt, hdim), jnp.bfloat16)
    z32 = jnp.zeros((npt, 32), jnp.bfloat16)
    ones = jnp.ones((ch, 16), jnp.bfloat16)
    return k(row, col, attr_bf, h_bf, z128, z32, ones)


def _tc_moments(edge_attr, h, u_p, ac_p, ar_p, n, hdim, e):
    be = 16000
    grid = e // be
    nb = 2000
    ngrid = n // nb

    def body(attr_ref, h_ref, u_ref, ac_ref, ar_ref,
             gaa_ref, sa_ref, gcc_ref, grr_ref, gcr_ref, gca_ref, gra_ref,
             sc_ref, sr_ref):
        i = pl.program_id(0)
        a = attr_ref[...]
        gaa = lax.dot_general(a, a, (((0,), (0,)), ((), ())),
                              preferred_element_type=jnp.float32)
        sa = jnp.sum(a, axis=0, keepdims=True)

        @pl.when(i == 0)
        def _():
            gaa_ref[...] = gaa
            sa_ref[...] = sa

        @pl.when(i > 0)
        def _():
            gaa_ref[...] += gaa
            sa_ref[...] += sa

        @pl.when(i < ngrid)
        def _():
            hv = h_ref[...]
            u = (u_ref[0] + u_ref[1]).astype(jnp.float32)
            ac = (ac_ref[0] + ac_ref[1]).astype(jnp.float32)
            ar = (ar_ref[0] + ar_ref[1]).astype(jnp.float32)
            cntc = ac[:, 16:17]
            cntr = ar[:, 16:17]
            hc = hv * cntc
            hr = hv * cntr
            dg = lambda x, y: lax.dot_general(
                x, y, (((0,), (0,)), ((), ())),
                preferred_element_type=jnp.float32)
            gcc = dg(hc, hv)
            grr = dg(hr, hv)
            gcr = dg(hv, u)
            gca = dg(hv, ac[:, 0:16])
            gra = dg(hv, ar[:, 0:16])
            scv = jnp.sum(hc, axis=0, keepdims=True)
            srv = jnp.sum(hr, axis=0, keepdims=True)

            @pl.when(i == 0)
            def _():
                gcc_ref[...] = gcc
                grr_ref[...] = grr
                gcr_ref[...] = gcr
                gca_ref[...] = gca
                gra_ref[...] = gra
                sc_ref[...] = scv
                sr_ref[...] = srv

            @pl.when(i > 0)
            def _():
                gcc_ref[...] += gcc
                grr_ref[...] += grr
                gcr_ref[...] += gcr
                gca_ref[...] += gca
                gra_ref[...] += gra
                sc_ref[...] += scv
                sr_ref[...] += srv

    z = lambda i: (0, 0)
    nmap = lambda i: (jnp.minimum(i, ngrid - 1), 0)
    nmap3 = lambda i: (0, jnp.minimum(i, ngrid - 1), 0)
    return pl.pallas_call(
        body,
        grid=(grid,),
        in_specs=[
            pl.BlockSpec((be, 16), lambda i: (i, 0)),
            pl.BlockSpec((nb, hdim), nmap),
            pl.BlockSpec((2, nb, hdim), nmap3),
            pl.BlockSpec((2, nb, 32), nmap3),
            pl.BlockSpec((2, nb, 32), nmap3),
        ],
        out_specs=(pl.BlockSpec((16, 16), z), pl.BlockSpec((1, 16), z),
                   pl.BlockSpec((hdim, hdim), z), pl.BlockSpec((hdim, hdim), z),
                   pl.BlockSpec((hdim, hdim), z), pl.BlockSpec((hdim, 16), z),
                   pl.BlockSpec((hdim, 16), z), pl.BlockSpec((1, hdim), z),
                   pl.BlockSpec((1, hdim), z)),
        out_shape=(jax.ShapeDtypeStruct((16, 16), jnp.float32),
                   jax.ShapeDtypeStruct((1, 16), jnp.float32),
                   jax.ShapeDtypeStruct((hdim, hdim), jnp.float32),
                   jax.ShapeDtypeStruct((hdim, hdim), jnp.float32),
                   jax.ShapeDtypeStruct((hdim, hdim), jnp.float32),
                   jax.ShapeDtypeStruct((hdim, 16), jnp.float32),
                   jax.ShapeDtypeStruct((hdim, 16), jnp.float32),
                   jax.ShapeDtypeStruct((1, hdim), jnp.float32),
                   jax.ShapeDtypeStruct((1, hdim), jnp.float32)),
    )(edge_attr, h, u_p, ac_p, ar_p)


def _tc_collapse(h, edge_attr, gaa, sav, gcc, grr, gcr, gca, gra, scv, srv,
                 W1, b1, g1, be1, W2, b2, g2, be2, W3, n, hdim, e):
    be = 16000
    grid = e // be

    def body(h_ref, attr_ref, gaa_ref, sa_ref, gcc_ref, grr_ref, gcr_ref,
             gca_ref, gra_ref, sc_ref, sr_ref, w1_ref, b1_ref, g1_ref,
             be1_ref, w2_ref, b2_ref, g2_ref, be2_ref, w3_ref,
             pq_ref, rp_ref, va_sc):
        f32 = jnp.float32
        mm = lambda x, y: lax.dot_general(
            x, y, (((1,), (0,)), ((), ())), preferred_element_type=f32)
        mmT = lambda x, y: lax.dot_general(
            x, y, (((1,), (1,)), ((), ())), preferred_element_type=f32)
        Tmv = lambda A, v: lax.dot_general(
            v, A, (((1,), (0,)), ((), ())), preferred_element_type=f32)

        @pl.when(pl.program_id(0) == 0)
        def _():
            W1v = w1_ref[...]
            Pc = W1v[:, 0:hdim]
            Pr = W1v[:, hdim:2 * hdim]
            Pa = W1v[:, 2 * hdim:2 * hdim + 16]
            b1v = b1_ref[...]
            g1v = g1_ref[...]
            be1v = be1_ref[...]
            W2v = w2_ref[...]
            b2v = b2_ref[...]
            g2v = g2_ref[...]
            be2v = be2_ref[...]
            W3v = w3_ref[...]

            einv = f32(1.0 / e)
            t = (mmT(sc_ref[...], Pc) + mmT(sr_ref[...], Pr)
                 + mmT(sa_ref[...], Pa)) * einv
            mu1 = t + b1v
            pgp = (mmT(mm(Pc, gcc_ref[...]), Pc)
                   + mmT(mm(Pr, grr_ref[...]), Pr)
                   + mmT(mm(Pa, gaa_ref[...]), Pa))
            x_cr = mmT(mm(Pc, gcr_ref[...]), Pr)
            x_ca = mmT(mm(Pc, gca_ref[...]), Pa)
            x_ra = mmT(mm(Pr, gra_ref[...]), Pa)
            pgp = pgp + x_cr + x_cr.T + x_ca + x_ca.T + x_ra + x_ra.T
            cov1 = pgp * einv - mmT(t.T, t.T)
            eye = jnp.eye(hdim, dtype=f32)
            var1 = jnp.sum(cov1 * eye, axis=1, keepdims=True).T
            inv1 = lax.rsqrt(var1 + EPSBN)
            a1 = g1v * inv1
            b1n = be1v - mu1 * a1
            B2m = W2v * a1
            mu2 = mmT(mu1 * a1 + b1n, W2v) + b2v
            M2 = mmT(B2m, cov1.T)
            var2 = jnp.sum(M2 * B2m, axis=1, keepdims=True).T
            inv2 = lax.rsqrt(var2 + EPSBN)
            a2 = g2v * inv2
            b2n = be2v - mu2 * a2
            w2x = a2 * W3v
            c2 = jnp.sum(b2n * W3v)
            w1x = Tmv(B2m, w2x)
            c1 = jnp.sum((b2v + mmT(b1n, W2v)) * w2x) + c2
            vc = Tmv(Pc, w1x)
            vr = Tmv(Pr, w1x)
            va = Tmv(Pa, w1x)
            cconst = jnp.sum(b1v * w1x) + c1

            hv = h_ref[...]
            pq_ref[0:1, :] = mmT(vc, hv) + cconst
            pq_ref[1:2, :] = mmT(vr, hv)
            va_sc[...] = va

        rp_ref[...] = lax.dot_general(
            va_sc[...], attr_ref[...], (((1,), (1,)), ((), ())),
            preferred_element_type=f32)

    z = lambda i: (0, 0)
    return pl.pallas_call(
        body,
        grid=(grid,),
        in_specs=[
            pl.BlockSpec((n, hdim), z), pl.BlockSpec((be, 16), lambda i: (i, 0)),
            pl.BlockSpec((16, 16), z), pl.BlockSpec((1, 16), z),
            pl.BlockSpec((hdim, hdim), z), pl.BlockSpec((hdim, hdim), z),
            pl.BlockSpec((hdim, hdim), z), pl.BlockSpec((hdim, 16), z),
            pl.BlockSpec((hdim, 16), z), pl.BlockSpec((1, hdim), z),
            pl.BlockSpec((1, hdim), z),
            pl.BlockSpec((hdim, 2 * hdim + 16), z), pl.BlockSpec((1, hdim), z),
            pl.BlockSpec((1, hdim), z), pl.BlockSpec((1, hdim), z),
            pl.BlockSpec((hdim, hdim), z), pl.BlockSpec((1, hdim), z),
            pl.BlockSpec((1, hdim), z), pl.BlockSpec((1, hdim), z),
            pl.BlockSpec((1, hdim), z),
        ],
        out_specs=(pl.BlockSpec((2, n), z),
                   pl.BlockSpec((1, be), lambda i: (0, i))),
        out_shape=(jax.ShapeDtypeStruct((2, n), jnp.float32),
                   jax.ShapeDtypeStruct((1, e), jnp.float32)),
        scratch_shapes=[pltpu.VMEM((1, 16), jnp.float32)],
    )(h, edge_attr, gaa, sav, gcc, grr, gcr, gca, gra, scv, srv,
      W1, b1.reshape(1, -1), g1.reshape(1, -1), be1.reshape(1, -1),
      W2, b2.reshape(1, -1), g2.reshape(1, -1), be2.reshape(1, -1), W3)


def _sc_pass2(row, col, p, q, rplus, cdx, cdy, cdz, n, e):
    ept = e // NW
    ch = 2000
    npt = 1000
    nslices = n // npt
    nchunks = ept // ch
    ngrp = ch // 16

    mesh = plsc.VectorSubcoreMesh(core_axis_name="c", subcore_axis_name="s")

    @functools.partial(
        pl.kernel,
        out_type=jax.ShapeDtypeStruct((NCORES, n, 16), jnp.float32),
        mesh=mesh,
        compiler_params=pltpu.CompilerParams(use_tc_tiling_on_sc=False, needs_layout_passes=False),
        scratch_types=(
            pltpu.VMEM_SHARED((n, 16), jnp.float32),
            pltpu.VMEM((n,), jnp.float32),
            pltpu.VMEM((n,), jnp.float32),
            pltpu.VMEM((2, ch), jnp.int32),
            pltpu.VMEM((2, ch), jnp.int32),
            pltpu.VMEM((2, ch), jnp.float32),
            pltpu.VMEM((2, ch), jnp.float32),
            pltpu.VMEM((2, ch), jnp.float32),
            pltpu.VMEM((2, ch), jnp.float32),
            pltpu.VMEM((ch, 16), jnp.float32),
            pltpu.SemaphoreType.DMA,
        ),
    )
    def k(row_hbm, col_hbm, p_hbm, q_hbm, rp_hbm, cdx_hbm, cdy_hbm, cdz_hbm,
          z16_hbm, agg_out,
          agg_sp, pbuf, qbuf, rowbuf, colbuf, rpbuf, cdxbuf, cdybuf, cdzbuf,
          t3buf, sem_in):
        cid = lax.axis_index("c")
        sid = lax.axis_index("s")
        wid = cid * NSUB + sid
        nsl = pl.ds(sid * npt, npt)

        @pl.when(sid < nslices)
        def _():
            pltpu.sync_copy(z16_hbm.at[0:npt, :], agg_sp.at[nsl, :])

        pltpu.sync_copy(z16_hbm, t3buf)
        pltpu.sync_copy(p_hbm, pbuf)
        pltpu.sync_copy(q_hbm, qbuf)
        plsc.subcore_barrier()

        lane = lax.iota(jnp.int32, 16)
        czero = jnp.zeros((16,), jnp.int32)
        cone = czero + 1
        ctwo = czero + 2

        def load_chunk(ci, slot):
            esl = pl.ds(wid * ept + ci * ch, ch)
            pltpu.async_copy(row_hbm.at[esl], rowbuf.at[slot], sem_in)
            pltpu.async_copy(col_hbm.at[esl], colbuf.at[slot], sem_in)
            pltpu.async_copy(rp_hbm.at[esl], rpbuf.at[slot], sem_in)
            pltpu.async_copy(cdx_hbm.at[esl], cdxbuf.at[slot], sem_in)
            pltpu.async_copy(cdy_hbm.at[esl], cdybuf.at[slot], sem_in)
            pltpu.async_copy(cdz_hbm.at[esl], cdzbuf.at[slot], sem_in)

        def wait_chunk(slot):
            pltpu.make_async_copy(row_hbm.at[pl.ds(0, ch)], rowbuf.at[slot],
                                  sem_in).wait()
            pltpu.make_async_copy(col_hbm.at[pl.ds(0, ch)], colbuf.at[slot],
                                  sem_in).wait()
            for b in (rpbuf, cdxbuf, cdybuf, cdzbuf):
                pltpu.make_async_copy(rp_hbm.at[pl.ds(0, ch)], b.at[slot],
                                      sem_in).wait()

        load_chunk(0, 0)

        def chunk(ci, carry):
            slot = lax.rem(ci, 2)
            wait_chunk(slot)

            @pl.when(ci + 1 < nchunks)
            def _():
                load_chunk(ci + 1, 1 - slot)

            def grp(i, c2):
                sl = pl.ds(i * 16, 16)
                c16 = colbuf[slot, sl]
                r16 = rowbuf[slot, sl]
                m16 = (plsc.load_gather(pbuf, [c16])
                       + plsc.load_gather(qbuf, [r16])
                       + rpbuf[slot, sl])
                rid = i * 16 + lane
                plsc.store_scatter(t3buf, [rid, czero],
                                   cdxbuf[slot, sl] * m16)
                plsc.store_scatter(t3buf, [rid, cone],
                                   cdybuf[slot, sl] * m16)
                plsc.store_scatter(t3buf, [rid, ctwo],
                                   cdzbuf[slot, sl] * m16)
                return c2

            lax.fori_loop(0, ngrp, grp, 0)
            pltpu.sync_copy(t3buf, agg_sp.at[colbuf.at[slot]], add=True)
            return carry

        lax.fori_loop(0, nchunks, chunk, 0)
        plsc.subcore_barrier()

        @pl.when(sid < nslices)
        def _():
            pltpu.sync_copy(agg_sp.at[nsl, :], agg_out.at[cid, nsl, :])

    z16 = jnp.zeros((ch, 16), jnp.float32)
    return k(row, col, p, q, rplus, cdx, cdy, cdz, z16)


def _tc_finish(coord, agg_p, n):
    def body(coord_ref, agg_ref, out_ref):
        agg = agg_ref[0] + agg_ref[1]
        out_ref[...] = coord_ref[...] + agg[:, 0:3] * jnp.float32(1.0 / NORMC)

    full = lambda shp: pl.BlockSpec(shp, lambda: tuple(0 for _ in shp))
    return pl.pallas_call(
        body,
        in_specs=[full((n, 3)), full((2, n, 16))],
        out_specs=full((n, 3)),
        out_shape=jax.ShapeDtypeStruct((n, 3), jnp.float32),
    )(coord, agg_p)


def kernel(h, coord, edge_index, coord_diff, edge_attr,
           W1, b1, g1, be1, W2, b2, g2, be2, W3):
    n, hdim = h.shape
    e = edge_index.shape[1]

    row = edge_index[0]
    col = edge_index[1]
    u_p, ac_p, ar_p = _sc_pass1(row, col, edge_attr.astype(jnp.bfloat16),
                                h.astype(jnp.bfloat16), n, e, hdim)
    gaa, sav, gcc, grr, gcr, gca, gra, scv, srv = _tc_moments(
        edge_attr, h, u_p, ac_p, ar_p, n, hdim, e)
    pq, rplus = _tc_collapse(h, edge_attr, gaa, sav, gcc, grr, gcr, gca, gra,
                             scv, srv, W1, b1, g1, be1, W2, b2, g2, be2, W3,
                             n, hdim, e)
    rplus = rplus.reshape(e)
    p = pq[0]
    q = pq[1]
    cdx = coord_diff[:, 0]
    cdy = coord_diff[:, 1]
    cdz = coord_diff[:, 2]
    agg_p = _sc_pass2(row, col, p, q, rplus, cdx, cdy, cdz, n, e)
    return _tc_finish(coord, agg_p, n)

# --- scband reference (transcript-rebuilt; emitter-appended) ---
"""Pipeline reference for scband-equivariant-update-67851893342732 (READ-ONLY COPY).

The authoritative reference and input builder live on the scoring server;
editing this copy changes nothing except your own understanding.
"""

import jax, jax.numpy as jnp
import numpy as np

N = 10000
E = 320000
H = 128
DE = 16
IN = 2 * H + DE
NORM = 100.0


def _bn(x, gamma, beta, eps=1e-5):
    # BatchNorm1d in training mode: batch statistics over dim 0, biased variance
    mu = jnp.mean(x, axis=0)
    var = jnp.var(x, axis=0)
    return (x - mu) / jnp.sqrt(var + eps) * gamma + beta


def setup_inputs(seed: int = 0) -> dict:
    key = jax.random.key(seed)
    ks = jax.random.split(key, 10)
    h = jax.random.normal(ks[0], (N, H), dtype=jnp.float32)
    coord = jax.random.normal(ks[1], (N, 3), dtype=jnp.float32)
    edge_index = jax.random.randint(ks[2], (2, E), 0, N, dtype=jnp.int32)
    coord_diff = jax.random.normal(ks[3], (E, 3), dtype=jnp.float32)
    edge_attr = jax.random.normal(ks[4], (E, DE), dtype=jnp.float32)
    # parameters (DenseLayer has no forward override in torch, so it is a plain Linear)
    W1 = jax.random.normal(ks[5], (H, IN), dtype=jnp.float32) * (1.0 / np.sqrt(IN))
    b1 = jnp.zeros((H,), dtype=jnp.float32)
    g1 = jnp.ones((H,), dtype=jnp.float32)
    be1 = jnp.zeros((H,), dtype=jnp.float32)
    W2 = jax.random.normal(ks[6], (H, H), dtype=jnp.float32) * (1.0 / np.sqrt(H))
    b2 = jnp.zeros((H,), dtype=jnp.float32)
    g2 = jnp.ones((H,), dtype=jnp.float32)
    be2 = jnp.zeros((H,), dtype=jnp.float32)
    W3 = jax.random.normal(ks[7], (1, H), dtype=jnp.float32) * 0.001  # xavier gain=0.001
    return {"h": h, "coord": coord, "edge_index": edge_index, "coord_diff": coord_diff,
            "edge_attr": edge_attr, "W1": W1, "b1": b1, "g1": g1, "be1": be1,
            "W2": W2, "b2": b2, "g2": g2, "be2": be2, "W3": W3}


def reference(h, coord, edge_index, coord_diff, edge_attr, W1, b1, g1, be1, W2, b2, g2, be2, W3):
    row = edge_index[0]
    col = edge_index[1]
    inp = jnp.concatenate([h[col], h[row], edge_attr], axis=1)  # [E, 2H+DE]
    x = inp @ W1.T + b1
    x = _bn(x, g1, be1)
    x = x @ W2.T + b2
    x = _bn(x, g2, be2)
    m = x @ W3.T  # [E, 1]
    trans = coord_diff * m  # tanh=False branch
    agg = jax.ops.segment_sum(trans, col, num_segments=N) / NORM
    return coord + agg

if __name__ == "__main__":
    import jax
    _d = setup_inputs()
    print(jax.jit(kernel)(*tuple(_d.values())))

</pallas_src>

<mosaic_0001>
#map = affine_map<(d0, d1) -> (0)>
#map1 = affine_map<(d0, d1) -> (0, 0)>
#map2 = affine_map<(d0, d1) -> (0, 0, 0)>
module attributes {stable_mosaic.version = 14 : i64} {
  func.func @k(%arg0: i32, %arg1: i32, %arg2: memref<320000xi32, #tpu.memory_space<hbm>>, %arg3: memref<320000xi32, #tpu.memory_space<hbm>>, %arg4: memref<10000xf32, #tpu.memory_space<hbm>>, %arg5: memref<10000xf32, #tpu.memory_space<hbm>>, %arg6: memref<320000xf32, #tpu.memory_space<hbm>>, %arg7: memref<320000xf32, #tpu.memory_space<hbm>>, %arg8: memref<320000xf32, #tpu.memory_space<hbm>>, %arg9: memref<320000xf32, #tpu.memory_space<hbm>>, %arg10: memref<2000x16xf32, #tpu.memory_space<hbm>>, %arg11: memref<2x10000x16xf32, #tpu.memory_space<hbm>>, %arg12: memref<10000x16xf32, #tpu.memory_space<vmem_shared>>, %arg13: memref<10000xf32, #tpu.memory_space<vmem>>, %arg14: memref<10000xf32, #tpu.memory_space<vmem>>, %arg15: memref<2x2000xi32, #tpu.memory_space<vmem>>, %arg16: memref<2x2000xi32, #tpu.memory_space<vmem>>, %arg17: memref<2x2000xf32, #tpu.memory_space<vmem>>, %arg18: memref<2x2000xf32, #tpu.memory_space<vmem>>, %arg19: memref<2x2000xf32, #tpu.memory_space<vmem>>, %arg20: memref<2x2000xf32, #tpu.memory_space<vmem>>, %arg21: memref<2000x16xf32, #tpu.memory_space<vmem>>, %arg22: memref<!tpu.dma_semaphore, #tpu.memory_space<semaphore_mem>>) attributes {dimension_semantics = [#tpu.dimension_semantics<core_parallel>, #tpu.dimension_semantics<subcore_parallel>], iteration_bounds = array<i64: 2, 16>, scalar_prefetch = 0 : i64, scratch_operands = 11 : i64, tpu.core_type = #tpu.core_type<sc_vector_subcore>, window_params = [{transform_indices = #map}, {transform_indices = #map}, {transform_indices = #map}, {transform_indices = #map}, {transform_indices = #map}, {transform_indices = #map}, {transform_indices = #map}, {transform_indices = #map}, {transform_indices = #map1}, {transform_indices = #map2}]} {
    %mul3A = arith.constant 16 : i32
    %mul3A_0 = arith.muli %arg0, %mul3A : i32
    %add3A = arith.addi %mul3A_0, %arg1 : i32
    %mul3A_1 = arith.constant 1000 : i32
    %mul3A_2 = arith.muli %arg1, %mul3A_1 : i32
    %lt3A = arith.constant 10 : i32
    %lt3A_3 = arith.cmpi slt, %arg1, %lt3A : i32
    %convert_element_type3A = arith.extui %lt3A_3 : i1 to i32
    %cond3A = arith.constant 0 : i32
    %cond3A_4 = arith.cmpi ne, %convert_element_type3A, %cond3A : i32
    scf.if %cond3A_4 {
      "tpu.region"() ({
        %run_scoped3A = tpu.sem_alloc : memref<!tpu.dma_semaphore, #tpu.memory_space<semaphore_mem>>
        %dma_start3A_80 = arith.constant 0 : i32
        %dma_start3A_81 = tpu.memref_slice %arg12[%mul3A_2, %dma_start3A_80] : memref<10000x16xf32, #tpu.memory_space<vmem_shared>> -> memref<1000x16xf32, #tpu.memory_space<vmem_shared>>
        %dma_start3A_82 = arith.constant 0 : i32
        %dma_start3A_83 = arith.constant 0 : i32
        %dma_start3A_84 = tpu.memref_slice %arg10[%dma_start3A_82, %dma_start3A_83] : memref<2000x16xf32, #tpu.memory_space<hbm>> -> memref<1000x16xf32, #tpu.memory_space<hbm>>
        tpu.enqueue_dma source(%dma_start3A_84 : memref<1000x16xf32, #tpu.memory_space<hbm>>) target(%dma_start3A_81 : memref<1000x16xf32, #tpu.memory_space<vmem_shared>>) target_semaphore(%run_scoped3A : memref<!tpu.dma_semaphore, #tpu.memory_space<semaphore_mem>>)
        %dma_wait3A = arith.constant 0 : i32
        %dma_wait3A_85 = tpu.memref_slice %arg12[%mul3A_2, %dma_wait3A] : memref<10000x16xf32, #tpu.memory_space<vmem_shared>> -> memref<1000x16xf32, #tpu.memory_space<vmem_shared>>
        %dma_wait3A_86 = arith.constant 0 : i32
        %dma_wait3A_87 = arith.constant 0 : i32
        %dma_wait3A_88 = tpu.memref_slice %arg10[%dma_wait3A_86, %dma_wait3A_87] : memref<2000x16xf32, #tpu.memory_space<hbm>> -> memref<1000x16xf32, #tpu.memory_space<hbm>>
        tpu.wait_dma2 semaphore(%run_scoped3A : memref<!tpu.dma_semaphore, #tpu.memory_space<semaphore_mem>>) src(%dma_wait3A_88 : memref<1000x16xf32, #tpu.memory_space<hbm>>) dst(%dma_wait3A_85 : memref<1000x16xf32, #tpu.memory_space<vmem_shared>>)
        tpu.yield
      }) : () -> ()
    } else {
    }
    "tpu.region"() ({
      %run_scoped3A = tpu.sem_alloc : memref<!tpu.dma_semaphore, #tpu.memory_space<semaphore_mem>>
      tpu.enqueue_dma source(%arg10 : memref<2000x16xf32, #tpu.memory_space<hbm>>) target(%arg21 : memref<2000x16xf32, #tpu.memory_space<vmem>>) target_semaphore(%run_scoped3A : memref<!tpu.dma_semaphore, #tpu.memory_space<semaphore_mem>>)
      tpu.wait_dma2 semaphore(%run_scoped3A : memref<!tpu.dma_semaphore, #tpu.memory_space<semaphore_mem>>) src(%arg10 : memref<2000x16xf32, #tpu.memory_space<hbm>>) dst(%arg21 : memref<2000x16xf32, #tpu.memory_space<vmem>>)
      tpu.yield
    }) : () -> ()
    "tpu.region"() ({
      %run_scoped3A = tpu.sem_alloc : memref<!tpu.dma_semaphore, #tpu.memory_space<semaphore_mem>>
      tpu.enqueue_dma source(%arg4 : memref<10000xf32, #tpu.memory_space<hbm>>) target(%arg13 : memref<10000xf32, #tpu.memory_space<vmem>>) target_semaphore(%run_scoped3A : memref<!tpu.dma_semaphore, #tpu.memory_space<semaphore_mem>>)
      tpu.wait_dma2 semaphore(%run_scoped3A : memref<!tpu.dma_semaphore, #tpu.memory_space<semaphore_mem>>) src(%arg4 : memref<10000xf32, #tpu.memory_space<hbm>>) dst(%arg13 : memref<10000xf32, #tpu.memory_space<vmem>>)
      tpu.yield
    }) : () -> ()
    "tpu.region"() ({
      %run_scoped3A = tpu.sem_alloc : memref<!tpu.dma_semaphore, #tpu.memory_space<semaphore_mem>>
      tpu.enqueue_dma source(%arg5 : memref<10000xf32, #tpu.memory_space<hbm>>) target(%arg14 : memref<10000xf32, #tpu.memory_space<vmem>>) target_semaphore(%run_scoped3A : memref<!tpu.dma_semaphore, #tpu.memory_space<semaphore_mem>>)
      tpu.wait_dma2 semaphore(%run_scoped3A : memref<!tpu.dma_semaphore, #tpu.memory_space<semaphore_mem>>) src(%arg5 : memref<10000xf32, #tpu.memory_space<hbm>>) dst(%arg14 : memref<10000xf32, #tpu.memory_space<vmem>>)
      tpu.yield
    }) : () -> ()
    %barrier3A = arith.constant 0 : index
    tpu.barrier barrier_id(%barrier3A)
    %iota3A = tpu.iota {dimensions = array<i32: 0>} : vector<16xi32>
    %broadcast_in_dim3A = arith.constant 0 : i32
    %broadcast_in_dim3A_5 = vector.broadcast %broadcast_in_dim3A : i32 to vector<16xi32>
    %add3A_6 = arith.constant 1 : i32
    %add3A_7 = vector.broadcast %add3A_6 : i32 to vector<16xi32>
    %add3A_8 = arith.addi %broadcast_in_dim3A_5, %add3A_7 : vector<16xi32>
    %add3A_9 = arith.constant 2 : i32
    %add3A_10 = vector.broadcast %add3A_9 : i32 to vector<16xi32>
    %add3A_11 = arith.addi %broadcast_in_dim3A_5, %add3A_10 : vector<16xi32>
    %mul3A_12 = arith.constant 10000 : i32
    %mul3A_13 = arith.muli %add3A, %mul3A_12 : i32
    %add3A_14 = arith.constant 0 : i32
    %add3A_15 = arith.addi %mul3A_13, %add3A_14 : i32
    %dma_start3A = arith.constant 0 : i32
    %dma_start3A_16 = arith.constant 0 : i32
    %dma_start3A_17 = tpu.memref_slice %arg15[%dma_start3A, %dma_start3A_16] : memref<2x2000xi32, #tpu.memory_space<vmem>> -> memref<1x2000xi32, #tpu.memory_space<vmem>>
    %dma_start3A_18 = tpu.memref_squeeze %dma_start3A_17 : memref<1x2000xi32, #tpu.memory_space<vmem>> -> memref<2000xi32, #tpu.memory_space<vmem>>
    %dma_start3A_19 = tpu.memref_slice %arg2[%add3A_15] : memref<320000xi32, #tpu.memory_space<hbm>> -> memref<2000xi32, #tpu.memory_space<hbm>>
    %dma_start3A_20 = arith.constant 0 : i32
    %dma_start3A_21 = tpu.memref_slice %arg15[%dma_start3A, %dma_start3A_20] : memref<2x2000xi32, #tpu.memory_space<vmem>> -> memref<1x2000xi32, #tpu.memory_space<vmem>>
    %dma_start3A_22 = tpu.memref_squeeze %dma_start3A_21 : memref<1x2000xi32, #tpu.memory_space<vmem>> -> memref<2000xi32, #tpu.memory_space<vmem>>
    %dma_start3A_23 = tpu.memref_slice %arg2[%add3A_15] : memref<320000xi32, #tpu.memory_space<hbm>> -> memref<2000xi32, #tpu.memory_space<hbm>>
    tpu.enqueue_dma source(%dma_start3A_23 : memref<2000xi32, #tpu.memory_space<hbm>>) target(%dma_start3A_22 : memref<2000xi32, #tpu.memory_space<vmem>>) target_semaphore(%arg22 : memref<!tpu.dma_semaphore, #tpu.memory_space<semaphore_mem>>)
    %dma_start3A_24 = arith.constant 0 : i32
    %dma_start3A_25 = arith.constant 0 : i32
    %dma_start3A_26 = tpu.memref_slice %arg16[%dma_start3A_24, %dma_start3A_25] : memref<2x2000xi32, #tpu.memory_space<vmem>> -> memref<1x2000xi32, #tpu.memory_space<vmem>>
    %dma_start3A_27 = tpu.memref_squeeze %dma_start3A_26 : memref<1x2000xi32, #tpu.memory_space<vmem>> -> memref<2000xi32, #tpu.memory_space<vmem>>
    %dma_start3A_28 = tpu.memref_slice %arg3[%add3A_15] : memref<320000xi32, #tpu.memory_space<hbm>> -> memref<2000xi32, #tpu.memory_space<hbm>>
    %dma_start3A_29 = arith.constant 0 : i32
    %dma_start3A_30 = tpu.memref_slice %arg16[%dma_start3A_24, %dma_start3A_29] : memref<2x2000xi32, #tpu.memory_space<vmem>> -> memref<1x2000xi32, #tpu.memory_space<vmem>>
    %dma_start3A_31 = tpu.memref_squeeze %dma_start3A_30 : memref<1x2000xi32, #tpu.memory_space<vmem>> -> memref<2000xi32, #tpu.memory_space<vmem>>
    %dma_start3A_32 = tpu.memref_slice %arg3[%add3A_15] : memref<320000xi32, #tpu.memory_space<hbm>> -> memref<2000xi32, #tpu.memory_space<hbm>>
    tpu.enqueue_dma source(%dma_start3A_32 : memref<2000xi32, #tpu.memory_space<hbm>>) target(%dma_start3A_31 : memref<2000xi32, #tpu.memory_space<vmem>>) target_semaphore(%arg22 : memref<!tpu.dma_semaphore, #tpu.memory_space<semaphore_mem>>)
    %dma_start3A_33 = arith.constant 0 : i32
    %dma_start3A_34 = arith.constant 0 : i32
    %dma_start3A_35 = tpu.memref_slice %arg17[%dma_start3A_33, %dma_start3A_34] : memref<2x2000xf32, #tpu.memory_space<vmem>> -> memref<1x2000xf32, #tpu.memory_space<vmem>>
    %dma_start3A_36 = tpu.memref_squeeze %dma_start3A_35 : memref<1x2000xf32, #tpu.memory_space<vmem>> -> memref<2000xf32, #tpu.memory_space<vmem>>
    %dma_start3A_37 = tpu.memref_slice %arg6[%add3A_15] : memref<320000xf32, #tpu.memory_space<hbm>> -> memref<2000xf32, #tpu.memory_space<hbm>>
    %dma_start3A_38 = arith.constant 0 : i32
    %dma_start3A_39 = tpu.memref_slice %arg17[%dma_start3A_33, %dma_start3A_38] : memref<2x2000xf32, #tpu.memory_space<vmem>> -> memref<1x2000xf32, #tpu.memory_space<vmem>>
    %dma_start3A_40 = tpu.memref_squeeze %dma_start3A_39 : memref<1x2000xf32, #tpu.memory_space<vmem>> -> memref<2000xf32, #tpu.memory_space<vmem>>
    %dma_start3A_41 = tpu.memref_slice %arg6[%add3A_15] : memref<320000xf32, #tpu.memory_space<hbm>> -> memref<2000xf32, #tpu.memory_space<hbm>>
    tpu.enqueue_dma source(%dma_start3A_41 : memref<2000xf32, #tpu.memory_space<hbm>>) target(%dma_start3A_40 : memref<2000xf32, #tpu.memory_space<vmem>>) target_semaphore(%arg22 : memref<!tpu.dma_semaphore, #tpu.memory_space<semaphore_mem>>)
    %dma_start3A_42 = arith.constant 0 : i32
    %dma_start3A_43 = arith.constant 0 : i32
    %dma_start3A_44 = tpu.memref_slice %arg18[%dma_start3A_42, %dma_start3A_43] : memref<2x2000xf32, #tpu.memory_space<vmem>> -> memref<1x2000xf32, #tpu.memory_space<vmem>>
    %dma_start3A_45 = tpu.memref_squeeze %dma_start3A_44 : memref<1x2000xf32, #tpu.memory_space<vmem>> -> memref<2000xf32, #tpu.memory_space<vmem>>
    %dma_start3A_46 = tpu.memref_slice %arg7[%add3A_15] : memref<320000xf32, #tpu.memory_space<hbm>> -> memref<2000xf32, #tpu.memory_space<hbm>>
    %dma_start3A_47 = arith.constant 0 : i32
    %dma_start3A_48 = tpu.memref_slice %arg18[%dma_start3A_42, %dma_start3A_47] : memref<2x2000xf32, #tpu.memory_space<vmem>> -> memref<1x2000xf32, #tpu.memory_space<vmem>>
    %dma_start3A_49 = tpu.memref_squeeze %dma_start3A_48 : memref<1x2000xf32, #tpu.memory_space<vmem>> -> memref<2000xf32, #tpu.memory_space<vmem>>
    %dma_start3A_50 = tpu.memref_slice %arg7[%add3A_15] : memref<320000xf32, #tpu.memory_space<hbm>> -> memref<2000xf32, #tpu.memory_space<hbm>>
    tpu.enqueue_dma source(%dma_start3A_50 : memref<2000xf32, #tpu.memory_space<hbm>>) target(%dma_start3A_49 : memref<2000xf32, #tpu.memory_space<vmem>>) target_semaphore(%arg22 : memref<!tpu.dma_semaphore, #tpu.memory_space<semaphore_mem>>)
    %dma_start3A_51 = arith.constant 0 : i32
    %dma_start3A_52 = arith.constant 0 : i32
    %dma_start3A_53 = tpu.memref_slice %arg19[%dma_start3A_51, %dma_start3A_52] : memref<2x2000xf32, #tpu.memory_space<vmem>> -> memref<1x2000xf32, #tpu.memory_space<vmem>>
    %dma_start3A_54 = tpu.memref_squeeze %dma_start3A_53 : memref<1x2000xf32, #tpu.memory_space<vmem>> -> memref<2000xf32, #tpu.memory_space<vmem>>
    %dma_start3A_55 = tpu.memref_slice %arg8[%add3A_15] : memref<320000xf32, #tpu.memory_space<hbm>> -> memref<2000xf32, #tpu.memory_space<hbm>>
    %dma_start3A_56 = arith.constant 0 : i32
    %dma_start3A_57 = tpu.memref_slice %arg19[%dma_start3A_51, %dma_start3A_56] : memref<2x2000xf32, #tpu.memory_space<vmem>> -> memref<1x2000xf32, #tpu.memory_space<vmem>>
    %dma_start3A_58 = tpu.memref_squeeze %dma_start3A_57 : memref<1x2000xf32, #tpu.memory_space<vmem>> -> memref<2000xf32, #tpu.memory_space<vmem>>
    %dma_start3A_59 = tpu.memref_slice %arg8[%add3A_15] : memref<320000xf32, #tpu.memory_space<hbm>> -> memref<2000xf32, #tpu.memory_space<hbm>>
    tpu.enqueue_dma source(%dma_start3A_59 : memref<2000xf32, #tpu.memory_space<hbm>>) target(%dma_start3A_58 : memref<2000xf32, #tpu.memory_space<vmem>>) target_semaphore(%arg22 : memref<!tpu.dma_semaphore, #tpu.memory_space<semaphore_mem>>)
    %dma_start3A_60 = arith.constant 0 : i32
    %dma_start3A_61 = arith.constant 0 : i32
    %dma_start3A_62 = tpu.memref_slice %arg20[%dma_start3A_60, %dma_start3A_61] : memref<2x2000xf32, #tpu.memory_space<vmem>> -> memref<1x2000xf32, #tpu.memory_space<vmem>>
    %dma_start3A_63 = tpu.memref_squeeze %dma_start3A_62 : memref<1x2000xf32, #tpu.memory_space<vmem>> -> memref<2000xf32, #tpu.memory_space<vmem>>
    %dma_start3A_64 = tpu.memref_slice %arg9[%add3A_15] : memref<320000xf32, #tpu.memory_space<hbm>> -> memref<2000xf32, #tpu.memory_space<hbm>>
    %dma_start3A_65 = arith.constant 0 : i32
    %dma_start3A_66 = tpu.memref_slice %arg20[%dma_start3A_60, %dma_start3A_65] : memref<2x2000xf32, #tpu.memory_space<vmem>> -> memref<1x2000xf32, #tpu.memory_space<vmem>>
    %dma_start3A_67 = tpu.memref_squeeze %dma_start3A_66 : memref<1x2000xf32, #tpu.memory_space<vmem>> -> memref<2000xf32, #tpu.memory_space<vmem>>
    %dma_start3A_68 = tpu.memref_slice %arg9[%add3A_15] : memref<320000xf32, #tpu.memory_space<hbm>> -> memref<2000xf32, #tpu.memory_space<hbm>>
    tpu.enqueue_dma source(%dma_start3A_68 : memref<2000xf32, #tpu.memory_space<hbm>>) target(%dma_start3A_67 : memref<2000xf32, #tpu.memory_space<vmem>>) target_semaphore(%arg22 : memref<!tpu.dma_semaphore, #tpu.memory_space<semaphore_mem>>)
    %scan3A = arith.constant 0 : i32
    %scan3A_69 = arith.constant 0 : i32
    %scan3A_70 = arith.constant 5 : i32
    %scan3A_71 = arith.addi %scan3A_69, %scan3A_70 : i32
    %scan3A_72 = arith.constant 1 : i32
    scf.for %scan3A_80 = %scan3A_69 to %scan3A_71 step %scan3A_72  : i32 {
      %rem3A = arith.constant 2 : i32
      %rem3A_81 = arith.remsi %scan3A_80, %rem3A : i32
      %dma_wait3A = arith.constant 0 : i32
      %dma_wait3A_82 = tpu.memref_slice %arg15[%rem3A_81, %dma_wait3A] : memref<2x2000xi32, #tpu.memory_space<vmem>> -> memref<1x2000xi32, #tpu.memory_space<vmem>>
      %dma_wait3A_83 = tpu.memref_squeeze %dma_wait3A_82 : memref<1x2000xi32, #tpu.memory_space<vmem>> -> memref<2000xi32, #tpu.memory_space<vmem>>
      %dma_wait3A_84 = arith.constant 0 : i32
      %dma_wait3A_85 = tpu.memref_slice %arg2[%dma_wait3A_84] : memref<320000xi32, #tpu.memory_space<hbm>> -> memref<2000xi32, #tpu.memory_space<hbm>>
      %dma_wait3A_86 = arith.constant 0 : i32
      %dma_wait3A_87 = tpu.memref_slice %arg15[%rem3A_81, %dma_wait3A_86] : memref<2x2000xi32, #tpu.memory_space<vmem>> -> memref<1x2000xi32, #tpu.memory_space<vmem>>
      %dma_wait3A_88 = tpu.memref_squeeze %dma_wait3A_87 : memref<1x2000xi32, #tpu.memory_space<vmem>> -> memref<2000xi32, #tpu.memory_space<vmem>>
      %dma_wait3A_89 = arith.constant 0 : i32
      %dma_wait3A_90 = tpu.memref_slice %arg2[%dma_wait3A_89] : memref<320000xi32, #tpu.memory_space<hbm>> -> memref<2000xi32, #tpu.memory_space<hbm>>
      tpu.wait_dma2 semaphore(%arg22 : memref<!tpu.dma_semaphore, #tpu.memory_space<semaphore_mem>>) src(%dma_wait3A_90 : memref<2000xi32, #tpu.memory_space<hbm>>) dst(%dma_wait3A_88 : memref<2000xi32, #tpu.memory_space<vmem>>)
      %dma_wait3A_91 = arith.constant 0 : i32
      %dma_wait3A_92 = tpu.memref_slice %arg16[%rem3A_81, %dma_wait3A_91] : memref<2x2000xi32, #tpu.memory_space<vmem>> -> memref<1x2000xi32, #tpu.memory_space<vmem>>
      %dma_wait3A_93 = tpu.memref_squeeze %dma_wait3A_92 : memref<1x2000xi32, #tpu.memory_space<vmem>> -> memref<2000xi32, #tpu.memory_space<vmem>>
      %dma_wait3A_94 = arith.constant 0 : i32
      %dma_wait3A_95 = tpu.memref_slice %arg3[%dma_wait3A_94] : memref<320000xi32, #tpu.memory_space<hbm>> -> memref<2000xi32, #tpu.memory_space<hbm>>
      %dma_wait3A_96 = arith.constant 0 : i32
      %dma_wait3A_97 = tpu.memref_slice %arg16[%rem3A_81, %dma_wait3A_96] : memref<2x2000xi32, #tpu.memory_space<vmem>> -> memref<1x2000xi32, #tpu.memory_space<vmem>>
      %dma_wait3A_98 = tpu.memref_squeeze %dma_wait3A_97 : memref<1x2000xi32, #tpu.memory_space<vmem>> -> memref<2000xi32, #tpu.memory_space<vmem>>
      %dma_wait3A_99 = arith.constant 0 : i32
      %dma_wait3A_100 = tpu.memref_slice %arg3[%dma_wait3A_99] : memref<320000xi32, #tpu.memory_space<hbm>> -> memref<2000xi32, #tpu.memory_space<hbm>>
      tpu.wait_dma2 semaphore(%arg22 : memref<!tpu.dma_semaphore, #tpu.memory_space<semaphore_mem>>) src(%dma_wait3A_100 : memref<2000xi32, #tpu.memory_space<hbm>>) dst(%dma_wait3A_98 : memref<2000xi32, #tpu.memory_space<vmem>>)
      %dma_wait3A_101 = arith.constant 0 : i32
      %dma_wait3A_102 = tpu.memref_slice %arg17[%rem3A_81, %dma_wait3A_101] : memref<2x2000xf32, #tpu.memory_space<vmem>> -> memref<1x2000xf32, #tpu.memory_space<vmem>>
      %dma_wait3A_103 = tpu.memref_squeeze %dma_wait3A_102 : memref<1x2000xf32, #tpu.memory_space<vmem>> -> memref<2000xf32, #tpu.memory_space<vmem>>
      %dma_wait3A_104 = arith.constant 0 : i32
      %dma_wait3A_105 = tpu.memref_slice %arg6[%dma_wait3A_104] : memref<320000xf32, #tpu.memory_space<hbm>> -> memref<2000xf32, #tpu.memory_space<hbm>>
      %dma_wait3A_106 = arith.constant 0 : i32
      %dma_wait3A_107 = tpu.memref_slice %arg17[%rem3A_81, %dma_wait3A_106] : memref<2x2000xf32, #tpu.memory_space<vmem>> -> memref<1x2000xf32, #tpu.memory_space<vmem>>
      %dma_wait3A_108 = tpu.memref_squeeze %dma_wait3A_107 : memref<1x2000xf32, #tpu.memory_space<vmem>> -> memref<2000xf32, #tpu.memory_space<vmem>>
      %dma_wait3A_109 = arith.constant 0 : i32
      %dma_wait3A_110 = tpu.memref_slice %arg6[%dma_wait3A_109] : memref<320000xf32, #tpu.memory_space<hbm>> -> memref<2000xf32, #tpu.memory_space<hbm>>
      tpu.wait_dma2 semaphore(%arg22 : memref<!tpu.dma_semaphore, #tpu.memory_space<semaphore_mem>>) src(%dma_wait3A_110 : memref<2000xf32, #tpu.memory_space<hbm>>) dst(%dma_wait3A_108 : memref<2000xf32, #tpu.memory_space<vmem>>)
      %dma_wait3A_111 = arith.constant 0 : i32
      %dma_wait3A_112 = tpu.memref_slice %arg18[%rem3A_81, %dma_wait3A_111] : memref<2x2000xf32, #tpu.memory_space<vmem>> -> memref<1x2000xf32, #tpu.memory_space<vmem>>
      %dma_wait3A_113 = tpu.memref_squeeze %dma_wait3A_112 : memref<1x2000xf32, #tpu.memory_space<vmem>> -> memref<2000xf32, #tpu.memory_space<vmem>>
      %dma_wait3A_114 = arith.constant 0 : i32
      %dma_wait3A_115 = tpu.memref_slice %arg6[%dma_wait3A_114] : memref<320000xf32, #tpu.memory_space<hbm>> -> memref<2000xf32, #tpu.memory_space<hbm>>
      %dma_wait3A_116 = arith.constant 0 : i32
      %dma_wait3A_117 = tpu.memref_slice %arg18[%rem3A_81, %dma_wait3A_116] : memref<2x2000xf32, #tpu.memory_space<vmem>> -> memref<1x2000xf32, #tpu.memory_space<vmem>>
      %dma_wait3A_118 = tpu.memref_squeeze %dma_wait3A_117 : memref<1x2000xf32, #tpu.memory_space<vmem>> -> memref<2000xf32, #tpu.memory_space<vmem>>
      %dma_wait3A_119 = arith.constant 0 : i32
      %dma_wait3A_120 = tpu.memref_slice %arg6[%dma_wait3A_119] : memref<320000xf32, #tpu.memory_space<hbm>> -> memref<2000xf32, #tpu.memory_space<hbm>>
      tpu.wait_dma2 semaphore(%arg22 : memref<!tpu.dma_semaphore, #tpu.memory_space<semaphore_mem>>) src(%dma_wait3A_120 : memref<2000xf32, #tpu.memory_space<hbm>>) dst(%dma_wait3A_118 : memref<2000xf32, #tpu.memory_space<vmem>>)
      %dma_wait3A_121 = arith.constant 0 : i32
      %dma_wait3A_122 = tpu.memref_slice %arg19[%rem3A_81, %dma_wait3A_121] : memref<2x2000xf32, #tpu.memory_space<vmem>> -> memref<1x2000xf32, #tpu.memory_space<vmem>>
      %dma_wait3A_123 = tpu.memref_squeeze %dma_wait3A_122 : memref<1x2000xf32, #tpu.memory_space<vmem>> -> memref<2000xf32, #tpu.memory_space<vmem>>
      %dma_wait3A_124 = arith.constant 0 : i32
      %dma_wait3A_125 = tpu.memref_slice %arg6[%dma_wait3A_124] : memref<320000xf32, #tpu.memory_space<hbm>> -> memref<2000xf32, #tpu.memory_space<hbm>>
      %dma_wait3A_126 = arith.constant 0 : i32
      %dma_wait3A_127 = tpu.memref_slice %arg19[%rem3A_81, %dma_wait3A_126] : memref<2x2000xf32, #tpu.memory_space<vmem>> -> memref<1x2000xf32, #tpu.memory_space<vmem>>
      %dma_wait3A_128 = tpu.memref_squeeze %dma_wait3A_127 : memref<1x2000xf32, #tpu.memory_space<vmem>> -> memref<2000xf32, #tpu.memory_space<vmem>>
      %dma_wait3A_129 = arith.constant 0 : i32
      %dma_wait3A_130 = tpu.memref_slice %arg6[%dma_wait3A_129] : memref<320000xf32, #tpu.memory_space<hbm>> -> memref<2000xf32, #tpu.memory_space<hbm>>
      tpu.wait_dma2 semaphore(%arg22 : memref<!tpu.dma_semaphore, #tpu.memory_space<semaphore_mem>>) src(%dma_wait3A_130 : memref<2000xf32, #tpu.memory_space<hbm>>) dst(%dma_wait3A_128 : memref<2000xf32, #tpu.memory_space<vmem>>)
      %dma_wait3A_131 = arith.constant 0 : i32
      %dma_wait3A_132 = tpu.memref_slice %arg20[%rem3A_81, %dma_wait3A_131] : memref<2x2000xf32, #tpu.memory_space<vmem>> -> memref<1x2000xf32, #tpu.memory_space<vmem>>
      %dma_wait3A_133 = tpu.memref_squeeze %dma_wait3A_132 : memref<1x2000xf32, #tpu.memory_space<vmem>> -> memref<2000xf32, #tpu.memory_space<vmem>>
      %dma_wait3A_134 = arith.constant 0 : i32
      %dma_wait3A_135 = tpu.memref_slice %arg6[%dma_wait3A_134] : memref<320000xf32, #tpu.memory_space<hbm>> -> memref<2000xf32, #tpu.memory_space<hbm>>
      %dma_wait3A_136 = arith.constant 0 : i32
      %dma_wait3A_137 = tpu.memref_slice %arg20[%rem3A_81, %dma_wait3A_136] : memref<2x2000xf32, #tpu.memory_space<vmem>> -> memref<1x2000xf32, #tpu.memory_space<vmem>>
      %dma_wait3A_138 = tpu.memref_squeeze %dma_wait3A_137 : memref<1x2000xf32, #tpu.memory_space<vmem>> -> memref<2000xf32, #tpu.memory_space<vmem>>
      %dma_wait3A_139 = arith.constant 0 : i32
      %dma_wait3A_140 = tpu.memref_slice %arg6[%dma_wait3A_139] : memref<320000xf32, #tpu.memory_space<hbm>> -> memref<2000xf32, #tpu.memory_space<hbm>>
      tpu.wait_dma2 semaphore(%arg22 : memref<!tpu.dma_semaphore, #tpu.memory_space<semaphore_mem>>) src(%dma_wait3A_140 : memref<2000xf32, #tpu.memory_space<hbm>>) dst(%dma_wait3A_138 : memref<2000xf32, #tpu.memory_space<vmem>>)
      %add3A_141 = arith.constant 1 : i32
      %add3A_142 = arith.addi %scan3A_80, %add3A_141 : i32
      %lt3A_143 = arith.constant 5 : i32
      %lt3A_144 = arith.cmpi slt, %add3A_142, %lt3A_143 : i32
      %convert_element_type3A_145 = arith.extui %lt3A_144 : i1 to i32
      %cond3A_146 = arith.constant 0 : i32
      %cond3A_147 = arith.cmpi ne, %convert_element_type3A_145, %cond3A_146 : i32
      scf.if %cond3A_147 {
        %add3A_154 = arith.constant 1 : i32
        %add3A_155 = arith.addi %scan3A_80, %add3A_154 : i32
        %sub3A = arith.constant 1 : i32
        %sub3A_156 = arith.subi %sub3A, %rem3A_81 : i32
        %mul3A_157 = arith.constant 10000 : i32
        %mul3A_158 = arith.muli %add3A, %mul3A_157 : i32
        %mul3A_159 = arith.constant 2000 : i32
        %mul3A_160 = arith.muli %add3A_155, %mul3A_159 : i32
        %add3A_161 = arith.addi %mul3A_158, %mul3A_160 : i32
        %dma_start3A_162 = arith.constant 0 : i32
        %dma_start3A_163 = tpu.memref_slice %arg15[%sub3A_156, %dma_start3A_162] : memref<2x2000xi32, #tpu.memory_space<vmem>> -> memref<1x2000xi32, #tpu.memory_space<vmem>>
        %dma_start3A_164 = tpu.memref_squeeze %dma_start3A_163 : memref<1x2000xi32, #tpu.memory_space<vmem>> -> memref<2000xi32, #tpu.memory_space<vmem>>
        %dma_start3A_165 = tpu.memref_slice %arg2[%add3A_161] : memref<320000xi32, #tpu.memory_space<hbm>> -> memref<2000xi32, #tpu.memory_space<hbm>>
        %dma_start3A_166 = arith.constant 0 : i32
        %dma_start3A_167 = tpu.memref_slice %arg15[%sub3A_156, %dma_start3A_166] : memref<2x2000xi32, #tpu.memory_space<vmem>> -> memref<1x2000xi32, #tpu.memory_space<vmem>>
        %dma_start3A_168 = tpu.memref_squeeze %dma_start3A_167 : memref<1x2000xi32, #tpu.memory_space<vmem>> -> memref<2000xi32, #tpu.memory_space<vmem>>
        %dma_start3A_169 = tpu.memref_slice %arg2[%add3A_161] : memref<320000xi32, #tpu.memory_space<hbm>> -> memref<2000xi32, #tpu.memory_space<hbm>>
        tpu.enqueue_dma source(%dma_start3A_169 : memref<2000xi32, #tpu.memory_space<hbm>>) target(%dma_start3A_168 : memref<2000xi32, #tpu.memory_space<vmem>>) target_semaphore(%arg22 : memref<!tpu.dma_semaphore, #tpu.memory_space<semaphore_mem>>)
        %dma_start3A_170 = arith.constant 0 : i32
        %dma_start3A_171 = tpu.memref_slice %arg16[%sub3A_156, %dma_start3A_170] : memref<2x2000xi32, #tpu.memory_space<vmem>> -> memref<1x2000xi32, #tpu.memory_space<vmem>>
        %dma_start3A_172 = tpu.memref_squeeze %dma_start3A_171 : memref<1x2000xi32, #tpu.memory_space<vmem>> -> memref<2000xi32, #tpu.memory_space<vmem>>
        %dma_start3A_173 = tpu.memref_slice %arg3[%add3A_161] : memref<320000xi32, #tpu.memory_space<hbm>> -> memref<2000xi32, #tpu.memory_space<hbm>>
        %dma_start3A_174 = arith.constant 0 : i32
        %dma_start3A_175 = tpu.memref_slice %arg16[%sub3A_156, %dma_start3A_174] : memref<2x2000xi32, #tpu.memory_space<vmem>> -> memref<1x2000xi32, #tpu.memory_space<vmem>>
        %dma_start3A_176 = tpu.memref_squeeze %dma_start3A_175 : memref<1x2000xi32, #tpu.memory_space<vmem>> -> memref<2000xi32, #tpu.memory_space<vmem>>
        %dma_start3A_177 = tpu.memref_slice %arg3[%add3A_161] : memref<320000xi32, #tpu.memory_space<hbm>> -> memref<2000xi32, #tpu.memory_space<hbm>>
        tpu.enqueue_dma source(%dma_start3A_177 : memref<2000xi32, #tpu.memory_space<hbm>>) target(%dma_start3A_176 : memref<2000xi32, #tpu.memory_space<vmem>>) target_semaphore(%arg22 : memref<!tpu.dma_semaphore, #tpu.memory_space<semaphore_mem>>)
        %dma_start3A_178 = arith.constant 0 : i32
        %dma_start3A_179 = tpu.memref_slice %arg17[%sub3A_156, %dma_start3A_178] : memref<2x2000xf32, #tpu.memory_space<vmem>> -> memref<1x2000xf32, #tpu.memory_space<vmem>>
        %dma_start3A_180 = tpu.memref_squeeze %dma_start3A_179 : memref<1x2000xf32, #tpu.memory_space<vmem>> -> memref<2000xf32, #tpu.memory_space<vmem>>
        %dma_start3A_181 = tpu.memref_slice %arg6[%add3A_161] : memref<320000xf32, #tpu.memory_space<hbm>> -> memref<2000xf32, #tpu.memory_space<hbm>>
        %dma_start3A_182 = arith.constant 0 : i32
        %dma_start3A_183 = tpu.memref_slice %arg17[%sub3A_156, %dma_start3A_182] : memref<2x2000xf32, #tpu.memory_space<vmem>> -> memref<1x2000xf32, #tpu.memory_space<vmem>>
        %dma_start3A_184 = tpu.memref_squeeze %dma_start3A_183 : memref<1x2000xf32, #tpu.memory_space<vmem>> -> memref<2000xf32, #tpu.memory_space<vmem>>
        %dma_start3A_185 = tpu.memref_slice %arg6[%add3A_161] : memref<320000xf32, #tpu.memory_space<hbm>> -> memref<2000xf32, #tpu.memory_space<hbm>>
        tpu.enqueue_dma source(%dma_start3A_185 : memref<2000xf32, #tpu.memory_space<hbm>>) target(%dma_start3A_184 : memref<2000xf32, #tpu.memory_space<vmem>>) target_semaphore(%arg22 : memref<!tpu.dma_semaphore, #tpu.memory_space<semaphore_mem>>)
        %dma_start3A_186 = arith.constant 0 : i32
        %dma_start3A_187 = tpu.memref_slice %arg18[%sub3A_156, %dma_start3A_186] : memref<2x2000xf32, #tpu.memory_space<vmem>> -> memref<1x2000xf32, #tpu.memory_space<vmem>>
        %dma_start3A_188 = tpu.memref_squeeze %dma_start3A_187 : memref<1x2000xf32, #tpu.memory_space<vmem>> -> memref<2000xf32, #tpu.memory_space<vmem>>
        %dma_start3A_189 = tpu.memref_slice %arg7[%add3A_161] : memref<320000xf32, #tpu.memory_space<hbm>> -> memref<2000xf32, #tpu.memory_space<hbm>>
        %dma_start3A_190 = arith.constant 0 : i32
        %dma_start3A_191 = tpu.memref_slice %arg18[%sub3A_156, %dma_start3A_190] : memref<2x2000xf32, #tpu.memory_space<vmem>> -> memref<1x2000xf32, #tpu.memory_space<vmem>>
        %dma_start3A_192 = tpu.memref_squeeze %dma_start3A_191 : memref<1x2000xf32, #tpu.memory_space<vmem>> -> memref<2000xf32, #tpu.memory_space<vmem>>
        %dma_start3A_193 = tpu.memref_slice %arg7[%add3A_161] : memref<320000xf32, #tpu.memory_space<hbm>> -> memref<2000xf32, #tpu.memory_space<hbm>>
        tpu.enqueue_dma source(%dma_start3A_193 : memref<2000xf32, #tpu.memory_space<hbm>>) target(%dma_start3A_192 : memref<2000xf32, #tpu.memory_space<vmem>>) target_semaphore(%arg22 : memref<!tpu.dma_semaphore, #tpu.memory_space<semaphore_mem>>)
        %dma_start3A_194 = arith.constant 0 : i32
        %dma_start3A_195 = tpu.memref_slice %arg19[%sub3A_156, %dma_start3A_194] : memref<2x2000xf32, #tpu.memory_space<vmem>> -> memref<1x2000xf32, #tpu.memory_space<vmem>>
        %dma_start3A_196 = tpu.memref_squeeze %dma_start3A_195 : memref<1x2000xf32, #tpu.memory_space<vmem>> -> memref<2000xf32, #tpu.memory_space<vmem>>
        %dma_start3A_197 = tpu.memref_slice %arg8[%add3A_161] : memref<320000xf32, #tpu.memory_space<hbm>> -> memref<2000xf32, #tpu.memory_space<hbm>>
        %dma_start3A_198 = arith.constant 0 : i32
        %dma_start3A_199 = tpu.memref_slice %arg19[%sub3A_156, %dma_start3A_198] : memref<2x2000xf32, #tpu.memory_space<vmem>> -> memref<1x2000xf32, #tpu.memory_space<vmem>>
        %dma_start3A_200 = tpu.memref_squeeze %dma_start3A_199 : memref<1x2000xf32, #tpu.memory_space<vmem>> -> memref<2000xf32, #tpu.memory_space<vmem>>
        %dma_start3A_201 = tpu.memref_slice %arg8[%add3A_161] : memref<320000xf32, #tpu.memory_space<hbm>> -> memref<2000xf32, #tpu.memory_space<hbm>>
        tpu.enqueue_dma source(%dma_start3A_201 : memref<2000xf32, #tpu.memory_space<hbm>>) target(%dma_start3A_200 : memref<2000xf32, #tpu.memory_space<vmem>>) target_semaphore(%arg22 : memref<!tpu.dma_semaphore, #tpu.memory_space<semaphore_mem>>)
        %dma_start3A_202 = arith.constant 0 : i32
        %dma_start3A_203 = tpu.memref_slice %arg20[%sub3A_156, %dma_start3A_202] : memref<2x2000xf32, #tpu.memory_space<vmem>> -> memref<1x2000xf32, #tpu.memory_space<vmem>>
        %dma_start3A_204 = tpu.memref_squeeze %dma_start3A_203 : memref<1x2000xf32, #tpu.memory_space<vmem>> -> memref<2000xf32, #tpu.memory_space<vmem>>
        %dma_start3A_205 = tpu.memref_slice %arg9[%add3A_161] : memref<320000xf32, #tpu.memory_space<hbm>> -> memref<2000xf32, #tpu.memory_space<hbm>>
        %dma_start3A_206 = arith.constant 0 : i32
        %dma_start3A_207 = tpu.memref_slice %arg20[%sub3A_156, %dma_start3A_206] : memref<2x2000xf32, #tpu.memory_space<vmem>> -> memref<1x2000xf32, #tpu.memory_space<vmem>>
        %dma_start3A_208 = tpu.memref_squeeze %dma_start3A_207 : memref<1x2000xf32, #tpu.memory_space<vmem>> -> memref<2000xf32, #tpu.memory_space<vmem>>
        %dma_start3A_209 = tpu.memref_slice %arg9[%add3A_161] : memref<320000xf32, #tpu.memory_space<hbm>> -> memref<2000xf32, #tpu.memory_space<hbm>>
        tpu.enqueue_dma source(%dma_start3A_209 : memref<2000xf32, #tpu.memory_space<hbm>>) target(%dma_start3A_208 : memref<2000xf32, #tpu.memory_space<vmem>>) target_semaphore(%arg22 : memref<!tpu.dma_semaphore, #tpu.memory_space<semaphore_mem>>)
      } else {
      }
      %scan3A_148 = arith.constant 0 : i32
      %scan3A_149 = arith.constant 0 : i32
      %scan3A_150 = arith.constant 125 : i32
      %scan3A_151 = arith.addi %scan3A_149, %scan3A_150 : i32
      %scan3A_152 = arith.constant 1 : i32
      scf.for %scan3A_154 = %scan3A_149 to %scan3A_151 step %scan3A_152  : i32 {
        %mul3A_155 = arith.constant 16 : i32
        %mul3A_156 = arith.muli %scan3A_154, %mul3A_155 : i32
        %get3A = arith.index_cast %rem3A_81 : i32 to index
        %get3A_157 = arith.index_cast %mul3A_156 : i32 to index
        %get3A_158 = tpu.vector_load %arg16[%get3A, %get3A_157] {strides = array<i32>} : memref<2x2000xi32, #tpu.memory_space<vmem>>, vector<16xi32>,
        %get3A_159 = arith.index_cast %rem3A_81 : i32 to index
        %get3A_160 = arith.index_cast %mul3A_156 : i32 to index
        %get3A_161 = tpu.vector_load %arg15[%get3A_159, %get3A_160] {strides = array<i32>} : memref<2x2000xi32, #tpu.memory_space<vmem>>, vector<16xi32>,
        %gather3A = tpu.vector_load_idx %arg13[%get3A_158] : memref<10000xf32, #tpu.memory_space<vmem>>[vector<16xi32>], vector<16xf32>,
        %gather3A_162 = tpu.vector_load_idx %arg14[%get3A_161] : memref<10000xf32, #tpu.memory_space<vmem>>[vector<16xi32>], vector<16xf32>,
        %add3A_163 = arith.addf %gather3A, %gather3A_162 : vector<16xf32>
        %get3A_164 = arith.index_cast %rem3A_81 : i32 to index
        %get3A_165 = arith.index_cast %mul3A_156 : i32 to index
        %get3A_166 = tpu.vector_load %arg17[%get3A_164, %get3A_165] {strides = array<i32>} : memref<2x2000xf32, #tpu.memory_space<vmem>>, vector<16xf32>,
        %add3A_167 = arith.addf %add3A_163, %get3A_166 : vector<16xf32>
        %mul3A_168 = arith.constant 16 : i32
        %mul3A_169 = arith.muli %scan3A_154, %mul3A_168 : i32
        %add3A_170 = vector.broadcast %mul3A_169 : i32 to vector<16xi32>
        %add3A_171 = arith.addi %add3A_170, %iota3A : vector<16xi32>
        %get3A_172 = arith.index_cast %rem3A_81 : i32 to index
        %get3A_173 = arith.index_cast %mul3A_156 : i32 to index
        %get3A_174 = tpu.vector_load %arg18[%get3A_172, %get3A_173] {strides = array<i32>} : memref<2x2000xf32, #tpu.memory_space<vmem>>, vector<16xf32>,
        %mul3A_175 = arith.mulf %get3A_174, %add3A_167 : vector<16xf32>
        tpu.vector_store_idx %arg21[%add3A_171, %broadcast_in_dim3A_5], %mul3A_175 : memref<2000x16xf32, #tpu.memory_space<vmem>>[vector<16xi32>, vector<16xi32>], vector<16xf32>,
        %get3A_176 = arith.index_cast %rem3A_81 : i32 to index
        %get3A_177 = arith.index_cast %mul3A_156 : i32 to index
        %get3A_178 = tpu.vector_load %arg19[%get3A_176, %get3A_177] {strides = array<i32>} : memref<2x2000xf32, #tpu.memory_space<vmem>>, vector<16xf32>,
        %mul3A_179 = arith.mulf %get3A_178, %add3A_167 : vector<16xf32>
        tpu.vector_store_idx %arg21[%add3A_171, %add3A_8], %mul3A_179 : memref<2000x16xf32, #tpu.memory_space<vmem>>[vector<16xi32>, vector<16xi32>], vector<16xf32>,
        %get3A_180 = arith.index_cast %rem3A_81 : i32 to index
        %get3A_181 = arith.index_cast %mul3A_156 : i32 to index
        %get3A_182 = tpu.vector_load %arg20[%get3A_180, %get3A_181] {strides = array<i32>} : memref<2x2000xf32, #tpu.memory_space<vmem>>, vector<16xf32>,
        %mul3A_183 = arith.mulf %get3A_182, %add3A_167 : vector<16xf32>
        tpu.vector_store_idx %arg21[%add3A_171, %add3A_11], %mul3A_183 : memref<2000x16xf32, #tpu.memory_space<vmem>>[vector<16xi32>, vector<16xi32>], vector<16xf32>,
      }
      %scan3A_153 = arith.constant 125 : i32
      "tpu.region"() ({
        %run_scoped3A = tpu.sem_alloc : memref<!tpu.dma_semaphore, #tpu.memory_space<semaphore_mem>>
        %dma_start3A_154 = arith.constant 0 : i32
        %dma_start3A_155 = tpu.memref_slice %arg16[%rem3A_81, %dma_start3A_154] : memref<2x2000xi32, #tpu.memory_space<vmem>> -> memref<1x2000xi32, #tpu.memory_space<vmem>>
        %dma_start3A_156 = tpu.memref_squeeze %dma_start3A_155 : memref<1x2000xi32, #tpu.memory_space<vmem>> -> memref<2000xi32, #tpu.memory_space<vmem>>
        %dma_start3A_157 = arith.constant 0 : i32
        %dma_start3A_158 = arith.constant 0 : i32
        %dma_start3A_159 = tpu.memref_slice %arg12[%dma_start3A_157, %dma_start3A_158] : memref<10000x16xf32, #tpu.memory_space<vmem_shared>> -> memref<10000x16xf32, #tpu.memory_space<vmem_shared>>
        tpu.enqueue_indirect_dma source(%arg21 : memref<2000x16xf32, #tpu.memory_space<vmem>>) target(%dma_start3A_159 : memref<10000x16xf32, #tpu.memory_space<vmem_shared>>) offsets(%dma_start3A_156 : memref<2000xi32, #tpu.memory_space<vmem>>) semaphore(%run_scoped3A : memref<!tpu.dma_semaphore, #tpu.memory_space<semaphore_mem>>) {add = true}
        %dma_wait3A_160 = arith.constant 0 : i32
        %dma_wait3A_161 = tpu.memref_slice %arg16[%rem3A_81, %dma_wait3A_160] : memref<2x2000xi32, #tpu.memory_space<vmem>> -> memref<1x2000xi32, #tpu.memory_space<vmem>>
        %dma_wait3A_162 = tpu.memref_squeeze %dma_wait3A_161 : memref<1x2000xi32, #tpu.memory_space<vmem>> -> memref<2000xi32, #tpu.memory_space<vmem>>
        %dma_wait3A_163 = arith.constant 0 : i32
        %dma_wait3A_164 = arith.constant 0 : i32
        %dma_wait3A_165 = tpu.memref_slice %arg12[%dma_wait3A_163, %dma_wait3A_164] : memref<10000x16xf32, #tpu.memory_space<vmem_shared>> -> memref<10000x16xf32, #tpu.memory_space<vmem_shared>>
        tpu.wait_indirect_dma semaphore(%run_scoped3A : memref<!tpu.dma_semaphore, #tpu.memory_space<semaphore_mem>>) src(%arg21 : memref<2000x16xf32, #tpu.memory_space<vmem>>) dst(%dma_wait3A_165 : memref<10000x16xf32, #tpu.memory_space<vmem_shared>>)
        tpu.yield
      }) : () -> ()
    }
    %scan3A_73 = arith.constant 5 : i32
    %barrier3A_74 = arith.constant 0 : index
    tpu.barrier barrier_id(%barrier3A_74)
    %lt3A_75 = arith.constant 10 : i32
    %lt3A_76 = arith.cmpi slt, %arg1, %lt3A_75 : i32
    %convert_element_type3A_77 = arith.extui %lt3A_76 : i1 to i32
    %cond3A_78 = arith.constant 0 : i32
    %cond3A_79 = arith.cmpi ne, %convert_element_type3A_77, %cond3A_78 : i32
    scf.if %cond3A_79 {
      "tpu.region"() ({
        %run_scoped3A = tpu.sem_alloc : memref<!tpu.dma_semaphore, #tpu.memory_space<semaphore_mem>>
        %dma_start3A_80 = arith.constant 0 : i32
        %dma_start3A_81 = tpu.memref_slice %arg11[%arg0, %mul3A_2, %dma_start3A_80] : memref<2x10000x16xf32, #tpu.memory_space<hbm>> -> memref<1x1000x16xf32, #tpu.memory_space<hbm>>
        %dma_start3A_82 = tpu.memref_squeeze %dma_start3A_81 : memref<1x1000x16xf32, #tpu.memory_space<hbm>> -> memref<1000x16xf32, #tpu.memory_space<hbm>>
        %dma_start3A_83 = arith.constant 0 : i32
        %dma_start3A_84 = tpu.memref_slice %arg12[%mul3A_2, %dma_start3A_83] : memref<10000x16xf32, #tpu.memory_space<vmem_shared>> -> memref<1000x16xf32, #tpu.memory_space<vmem_shared>>
        tpu.enqueue_dma source(%dma_start3A_84 : memref<1000x16xf32, #tpu.memory_space<vmem_shared>>) target(%dma_start3A_82 : memref<1000x16xf32, #tpu.memory_space<hbm>>) target_semaphore(%run_scoped3A : memref<!tpu.dma_semaphore, #tpu.memory_space<semaphore_mem>>)
        %dma_wait3A = arith.constant 0 : i32
        %dma_wait3A_85 = tpu.memref_slice %arg11[%arg0, %mul3A_2, %dma_wait3A] : memref<2x10000x16xf32, #tpu.memory_space<hbm>> -> memref<1x1000x16xf32, #tpu.memory_space<hbm>>
        %dma_wait3A_86 = tpu.memref_squeeze %dma_wait3A_85 : memref<1x1000x16xf32, #tpu.memory_space<hbm>> -> memref<1000x16xf32, #tpu.memory_space<hbm>>
        %dma_wait3A_87 = arith.constant 0 : i32
        %dma_wait3A_88 = tpu.memref_slice %arg12[%mul3A_2, %dma_wait3A_87] : memref<10000x16xf32, #tpu.memory_space<vmem_shared>> -> memref<1000x16xf32, #tpu.memory_space<vmem_shared>>
        tpu.wait_dma2 semaphore(%run_scoped3A : memref<!tpu.dma_semaphore, #tpu.memory_space<semaphore_mem>>) src(%dma_wait3A_88 : memref<1000x16xf32, #tpu.memory_space<vmem_shared>>) dst(%dma_wait3A_86 : memref<1000x16xf32, #tpu.memory_space<hbm>>)
        tpu.yield
      }) : () -> ()
    } else {
    }
    return
  }
}

#map = affine_map<(d0, d1) -> (0)>
#map1 = affine_map<(d0, d1) -> (0, 0)>
#map2 = affine_map<(d0, d1) -> (0, 0, 0)>
module attributes {stable_mosaic.version = 14 : i64} {
  func.func @k(%arg0: i32, %arg1: i32, %arg2: memref<320000xi32, #tpu.memory_space<hbm>>, %arg3: memref<320000xi32, #tpu.memory_space<hbm>>, %arg4: memref<320000x16xbf16, #tpu.memory_space<hbm>>, %arg5: memref<10000x128xbf16, #tpu.memory_space<hbm>>, %arg6: memref<1000x128xbf16, #tpu.memory_space<hbm>>, %arg7: memref<1000x32xbf16, #tpu.memory_space<hbm>>, %arg8: memref<400x16xbf16, #tpu.memory_space<hbm>>, %arg9: memref<2x10000x128xbf16, #tpu.memory_space<hbm>>, %arg10: memref<2x10000x32xbf16, #tpu.memory_space<hbm>>, %arg11: memref<2x10000x32xbf16, #tpu.memory_space<hbm>>, %arg12: memref<10000x128xbf16, #tpu.memory_space<vmem_shared>>, %arg13: memref<10000x32xbf16, #tpu.memory_space<vmem_shared>>, %arg14: memref<10000x32xbf16, #tpu.memory_space<vmem_shared>>, %arg15: memref<2x400xi32, #tpu.memory_space<vmem>>, %arg16: memref<2x400xi32, #tpu.memory_space<vmem>>, %arg17: memref<2x400x128xbf16, #tpu.memory_space<vmem>>, %arg18: memref<2x400x32xbf16, #tpu.memory_space<vmem>>, %arg19: memref<!tpu.dma_semaphore, #tpu.memory_space<semaphore_mem>>, %arg20: memref<!tpu.dma_semaphore, #tpu.memory_space<semaphore_mem>>, %arg21: memref<!tpu.dma_semaphore, #tpu.memory_space<semaphore_mem>>) attributes {dimension_semantics = [#tpu.dimension_semantics<core_parallel>, #tpu.dimension_semantics<subcore_parallel>], iteration_bounds = array<i64: 2, 16>, scalar_prefetch = 0 : i64, scratch_operands = 10 : i64, tpu.core_type = #tpu.core_type<sc_vector_subcore>, window_params = [{transform_indices = #map}, {transform_indices = #map}, {transform_indices = #map1}, {transform_indices = #map1}, {transform_indices = #map1}, {transform_indices = #map1}, {transform_indices = #map1}, {transform_indices = #map2}, {transform_indices = #map2}, {transform_indices = #map2}]} {
    %mul3A = arith.constant 16 : i32
    %mul3A_0 = arith.muli %arg0, %mul3A : i32
    %add3A = arith.addi %mul3A_0, %arg1 : i32
    %mul3A_1 = arith.constant 1000 : i32
    %mul3A_2 = arith.muli %arg1, %mul3A_1 : i32
    %lt3A = arith.constant 10 : i32
    %lt3A_3 = arith.cmpi slt, %arg1, %lt3A : i32
    %convert_element_type3A = arith.extui %lt3A_3 : i1 to i32
    %cond3A = arith.constant 0 : i32
    %cond3A_4 = arith.cmpi ne, %convert_element_type3A, %cond3A : i32
    scf.if %cond3A_4 {
      "tpu.region"() ({
        %run_scoped3A_140 = tpu.sem_alloc : memref<!tpu.dma_semaphore, #tpu.memory_space<semaphore_mem>>
        %dma_start3A_141 = arith.constant 0 : i32
        %dma_start3A_142 = tpu.memref_slice %arg12[%mul3A_2, %dma_start3A_141] : memref<10000x128xbf16, #tpu.memory_space<vmem_shared>> -> memref<1000x128xbf16, #tpu.memory_space<vmem_shared>>
        tpu.enqueue_dma source(%arg6 : memref<1000x128xbf16, #tpu.memory_space<hbm>>) target(%dma_start3A_142 : memref<1000x128xbf16, #tpu.memory_space<vmem_shared>>) target_semaphore(%run_scoped3A_140 : memref<!tpu.dma_semaphore, #tpu.memory_space<semaphore_mem>>)
        %dma_wait3A_143 = arith.constant 0 : i32
        %dma_wait3A_144 = tpu.memref_slice %arg12[%mul3A_2, %dma_wait3A_143] : memref<10000x128xbf16, #tpu.memory_space<vmem_shared>> -> memref<1000x128xbf16, #tpu.memory_space<vmem_shared>>
        tpu.wait_dma2 semaphore(%run_scoped3A_140 : memref<!tpu.dma_semaphore, #tpu.memory_space<semaphore_mem>>) src(%arg6 : memref<1000x128xbf16, #tpu.memory_space<hbm>>) dst(%dma_wait3A_144 : memref<1000x128xbf16, #tpu.memory_space<vmem_shared>>)
        tpu.yield
      }) : () -> ()
      "tpu.region"() ({
        %run_scoped3A_140 = tpu.sem_alloc : memref<!tpu.dma_semaphore, #tpu.memory_space<semaphore_mem>>
        %dma_start3A_141 = arith.constant 0 : i32
        %dma_start3A_142 = tpu.memref_slice %arg13[%mul3A_2, %dma_start3A_141] : memref<10000x32xbf16, #tpu.memory_space<vmem_shared>> -> memref<1000x32xbf16, #tpu.memory_space<vmem_shared>>
        tpu.enqueue_dma source(%arg7 : memref<1000x32xbf16, #tpu.memory_space<hbm>>) target(%dma_start3A_142 : memref<1000x32xbf16, #tpu.memory_space<vmem_shared>>) target_semaphore(%run_scoped3A_140 : memref<!tpu.dma_semaphore, #tpu.memory_space<semaphore_mem>>)
        %dma_wait3A_143 = arith.constant 0 : i32
        %dma_wait3A_144 = tpu.memref_slice %arg13[%mul3A_2, %dma_wait3A_143] : memref<10000x32xbf16, #tpu.memory_space<vmem_shared>> -> memref<1000x32xbf16, #tpu.memory_space<vmem_shared>>
        tpu.wait_dma2 semaphore(%run_scoped3A_140 : memref<!tpu.dma_semaphore, #tpu.memory_space<semaphore_mem>>) src(%arg7 : memref<1000x32xbf16, #tpu.memory_space<hbm>>) dst(%dma_wait3A_144 : memref<1000x32xbf16, #tpu.memory_space<vmem_shared>>)
        tpu.yield
      }) : () -> ()
      "tpu.region"() ({
        %run_scoped3A_140 = tpu.sem_alloc : memref<!tpu.dma_semaphore, #tpu.memory_space<semaphore_mem>>
        %dma_start3A_141 = arith.constant 0 : i32
        %dma_start3A_142 = tpu.memref_slice %arg14[%mul3A_2, %dma_start3A_141] : memref<10000x32xbf16, #tpu.memory_space<vmem_shared>> -> memref<1000x32xbf16, #tpu.memory_space<vmem_shared>>
        tpu.enqueue_dma source(%arg7 : memref<1000x32xbf16, #tpu.memory_space<hbm>>) target(%dma_start3A_142 : memref<1000x32xbf16, #tpu.memory_space<vmem_shared>>) target_semaphore(%run_scoped3A_140 : memref<!tpu.dma_semaphore, #tpu.memory_space<semaphore_mem>>)
        %dma_wait3A_143 = arith.constant 0 : i32
        %dma_wait3A_144 = tpu.memref_slice %arg14[%mul3A_2, %dma_wait3A_143] : memref<10000x32xbf16, #tpu.memory_space<vmem_shared>> -> memref<1000x32xbf16, #tpu.memory_space<vmem_shared>>
        tpu.wait_dma2 semaphore(%run_scoped3A_140 : memref<!tpu.dma_semaphore, #tpu.memory_space<semaphore_mem>>) src(%arg7 : memref<1000x32xbf16, #tpu.memory_space<hbm>>) dst(%dma_wait3A_144 : memref<1000x32xbf16, #tpu.memory_space<vmem_shared>>)
        tpu.yield
      }) : () -> ()
    } else {
    }
    %run_scoped3A = arith.constant 0 : i32
    "tpu.region"() ({
      %run_scoped3A_140 = tpu.sem_alloc : memref<!tpu.dma_semaphore, #tpu.memory_space<semaphore_mem>>
      %dma_start3A_141 = arith.constant 0 : i32
      %dma_start3A_142 = arith.constant 16 : i32
      %dma_start3A_143 = tpu.memref_slice %arg18[%run_scoped3A, %dma_start3A_141, %dma_start3A_142] : memref<2x400x32xbf16, #tpu.memory_space<vmem>> -> memref<1x400x16xbf16, #tpu.memory_space<vmem>>
      %dma_start3A_144 = tpu.memref_squeeze %dma_start3A_143 : memref<1x400x16xbf16, #tpu.memory_space<vmem>> -> memref<400x16xbf16, #tpu.memory_space<vmem>>
      %dma_start3A_145 = arith.constant 0 : i32
      %dma_start3A_146 = arith.constant 16 : i32
      %dma_start3A_147 = tpu.memref_slice %arg18[%run_scoped3A, %dma_start3A_145, %dma_start3A_146] : memref<2x400x32xbf16, #tpu.memory_space<vmem>> -> memref<1x400x16xbf16, #tpu.memory_space<vmem>>
      %dma_start3A_148 = tpu.memref_squeeze %dma_start3A_147 : memref<1x400x16xbf16, #tpu.memory_space<vmem>> -> memref<400x16xbf16, #tpu.memory_space<vmem>>
      tpu.enqueue_dma source(%arg8 : memref<400x16xbf16, #tpu.memory_space<hbm>>) target(%dma_start3A_148 : memref<400x16xbf16, #tpu.memory_space<vmem>>) target_semaphore(%run_scoped3A_140 : memref<!tpu.dma_semaphore, #tpu.memory_space<semaphore_mem>>)
      %dma_wait3A_149 = arith.constant 0 : i32
      %dma_wait3A_150 = arith.constant 16 : i32
      %dma_wait3A_151 = tpu.memref_slice %arg18[%run_scoped3A, %dma_wait3A_149, %dma_wait3A_150] : memref<2x400x32xbf16, #tpu.memory_space<vmem>> -> memref<1x400x16xbf16, #tpu.memory_space<vmem>>
      %dma_wait3A_152 = tpu.memref_squeeze %dma_wait3A_151 : memref<1x400x16xbf16, #tpu.memory_space<vmem>> -> memref<400x16xbf16, #tpu.memory_space<vmem>>
      %dma_wait3A_153 = arith.constant 0 : i32
      %dma_wait3A_154 = arith.constant 16 : i32
      %dma_wait3A_155 = tpu.memref_slice %arg18[%run_scoped3A, %dma_wait3A_153, %dma_wait3A_154] : memref<2x400x32xbf16, #tpu.memory_space<vmem>> -> memref<1x400x16xbf16, #tpu.memory_space<vmem>>
      %dma_wait3A_156 = tpu.memref_squeeze %dma_wait3A_155 : memref<1x400x16xbf16, #tpu.memory_space<vmem>> -> memref<400x16xbf16, #tpu.memory_space<vmem>>
      tpu.wait_dma2 semaphore(%run_scoped3A_140 : memref<!tpu.dma_semaphore, #tpu.memory_space<semaphore_mem>>) src(%arg8 : memref<400x16xbf16, #tpu.memory_space<hbm>>) dst(%dma_wait3A_156 : memref<400x16xbf16, #tpu.memory_space<vmem>>)
      tpu.yield
    }) : () -> ()
    %run_scoped3A_5 = arith.constant 1 : i32
    "tpu.region"() ({
      %run_scoped3A_140 = tpu.sem_alloc : memref<!tpu.dma_semaphore, #tpu.memory_space<semaphore_mem>>
      %dma_start3A_141 = arith.constant 0 : i32
      %dma_start3A_142 = arith.constant 16 : i32
      %dma_start3A_143 = tpu.memref_slice %arg18[%run_scoped3A_5, %dma_start3A_141, %dma_start3A_142] : memref<2x400x32xbf16, #tpu.memory_space<vmem>> -> memref<1x400x16xbf16, #tpu.memory_space<vmem>>
      %dma_start3A_144 = tpu.memref_squeeze %dma_start3A_143 : memref<1x400x16xbf16, #tpu.memory_space<vmem>> -> memref<400x16xbf16, #tpu.memory_space<vmem>>
      %dma_start3A_145 = arith.constant 0 : i32
      %dma_start3A_146 = arith.constant 16 : i32
      %dma_start3A_147 = tpu.memref_slice %arg18[%run_scoped3A_5, %dma_start3A_145, %dma_start3A_146] : memref<2x400x32xbf16, #tpu.memory_space<vmem>> -> memref<1x400x16xbf16, #tpu.memory_space<vmem>>
      %dma_start3A_148 = tpu.memref_squeeze %dma_start3A_147 : memref<1x400x16xbf16, #tpu.memory_space<vmem>> -> memref<400x16xbf16, #tpu.memory_space<vmem>>
      tpu.enqueue_dma source(%arg8 : memref<400x16xbf16, #tpu.memory_space<hbm>>) target(%dma_start3A_148 : memref<400x16xbf16, #tpu.memory_space<vmem>>) target_semaphore(%run_scoped3A_140 : memref<!tpu.dma_semaphore, #tpu.memory_space<semaphore_mem>>)
      %dma_wait3A_149 = arith.constant 0 : i32
      %dma_wait3A_150 = arith.constant 16 : i32
      %dma_wait3A_151 = tpu.memref_slice %arg18[%run_scoped3A_5, %dma_wait3A_149, %dma_wait3A_150] : memref<2x400x32xbf16, #tpu.memory_space<vmem>> -> memref<1x400x16xbf16, #tpu.memory_space<vmem>>
      %dma_wait3A_152 = tpu.memref_squeeze %dma_wait3A_151 : memref<1x400x16xbf16, #tpu.memory_space<vmem>> -> memref<400x16xbf16, #tpu.memory_space<vmem>>
      %dma_wait3A_153 = arith.constant 0 : i32
      %dma_wait3A_154 = arith.constant 16 : i32
      %dma_wait3A_155 = tpu.memref_slice %arg18[%run_scoped3A_5, %dma_wait3A_153, %dma_wait3A_154] : memref<2x400x32xbf16, #tpu.memory_space<vmem>> -> memref<1x400x16xbf16, #tpu.memory_space<vmem>>
      %dma_wait3A_156 = tpu.memref_squeeze %dma_wait3A_155 : memref<1x400x16xbf16, #tpu.memory_space<vmem>> -> memref<400x16xbf16, #tpu.memory_space<vmem>>
      tpu.wait_dma2 semaphore(%run_scoped3A_140 : memref<!tpu.dma_semaphore, #tpu.memory_space<semaphore_mem>>) src(%arg8 : memref<400x16xbf16, #tpu.memory_space<hbm>>) dst(%dma_wait3A_156 : memref<400x16xbf16, #tpu.memory_space<vmem>>)
      tpu.yield
    }) : () -> ()
    %barrier3A = arith.constant 0 : index
    tpu.barrier barrier_id(%barrier3A)
    %mul3A_6 = arith.constant 10000 : i32
    %mul3A_7 = arith.muli %add3A, %mul3A_6 : i32
    %add3A_8 = arith.constant 0 : i32
    %add3A_9 = arith.addi %mul3A_7, %add3A_8 : i32
    %dma_start3A = arith.constant 0 : i32
    %dma_start3A_10 = arith.constant 0 : i32
    %dma_start3A_11 = tpu.memref_slice %arg15[%dma_start3A, %dma_start3A_10] : memref<2x400xi32, #tpu.memory_space<vmem>> -> memref<1x400xi32, #tpu.memory_space<vmem>>
    %dma_start3A_12 = tpu.memref_squeeze %dma_start3A_11 : memref<1x400xi32, #tpu.memory_space<vmem>> -> memref<400xi32, #tpu.memory_space<vmem>>
    %dma_start3A_13 = tpu.memref_slice %arg2[%add3A_9] : memref<320000xi32, #tpu.memory_space<hbm>> -> memref<400xi32, #tpu.memory_space<hbm>>
    %dma_start3A_14 = arith.constant 0 : i32
    %dma_start3A_15 = tpu.memref_slice %arg15[%dma_start3A, %dma_start3A_14] : memref<2x400xi32, #tpu.memory_space<vmem>> -> memref<1x400xi32, #tpu.memory_space<vmem>>
    %dma_start3A_16 = tpu.memref_squeeze %dma_start3A_15 : memref<1x400xi32, #tpu.memory_space<vmem>> -> memref<400xi32, #tpu.memory_space<vmem>>
    %dma_start3A_17 = tpu.memref_slice %arg2[%add3A_9] : memref<320000xi32, #tpu.memory_space<hbm>> -> memref<400xi32, #tpu.memory_space<hbm>>
    tpu.enqueue_dma source(%dma_start3A_17 : memref<400xi32, #tpu.memory_space<hbm>>) target(%dma_start3A_16 : memref<400xi32, #tpu.memory_space<vmem>>) target_semaphore(%arg19 : memref<!tpu.dma_semaphore, #tpu.memory_space<semaphore_mem>>)
    %dma_start3A_18 = arith.constant 0 : i32
    %dma_start3A_19 = arith.constant 0 : i32
    %dma_start3A_20 = tpu.memref_slice %arg16[%dma_start3A_18, %dma_start3A_19] : memref<2x400xi32, #tpu.memory_space<vmem>> -> memref<1x400xi32, #tpu.memory_space<vmem>>
    %dma_start3A_21 = tpu.memref_squeeze %dma_start3A_20 : memref<1x400xi32, #tpu.memory_space<vmem>> -> memref<400xi32, #tpu.memory_space<vmem>>
    %dma_start3A_22 = tpu.memref_slice %arg3[%add3A_9] : memref<320000xi32, #tpu.memory_space<hbm>> -> memref<400xi32, #tpu.memory_space<hbm>>
    %dma_start3A_23 = arith.constant 0 : i32
    %dma_start3A_24 = tpu.memref_slice %arg16[%dma_start3A_18, %dma_start3A_23] : memref<2x400xi32, #tpu.memory_space<vmem>> -> memref<1x400xi32, #tpu.memory_space<vmem>>
    %dma_start3A_25 = tpu.memref_squeeze %dma_start3A_24 : memref<1x400xi32, #tpu.memory_space<vmem>> -> memref<400xi32, #tpu.memory_space<vmem>>
    %dma_start3A_26 = tpu.memref_slice %arg3[%add3A_9] : memref<320000xi32, #tpu.memory_space<hbm>> -> memref<400xi32, #tpu.memory_space<hbm>>
    tpu.enqueue_dma source(%dma_start3A_26 : memref<400xi32, #tpu.memory_space<hbm>>) target(%dma_start3A_25 : memref<400xi32, #tpu.memory_space<vmem>>) target_semaphore(%arg19 : memref<!tpu.dma_semaphore, #tpu.memory_space<semaphore_mem>>)
    %dma_start3A_27 = arith.constant 0 : i32
    %dma_start3A_28 = arith.constant 0 : i32
    %dma_start3A_29 = arith.constant 0 : i32
    %dma_start3A_30 = tpu.memref_slice %arg18[%dma_start3A_27, %dma_start3A_28, %dma_start3A_29] : memref<2x400x32xbf16, #tpu.memory_space<vmem>> -> memref<1x400x16xbf16, #tpu.memory_space<vmem>>
    %dma_start3A_31 = tpu.memref_squeeze %dma_start3A_30 : memref<1x400x16xbf16, #tpu.memory_space<vmem>> -> memref<400x16xbf16, #tpu.memory_space<vmem>>
    %dma_start3A_32 = arith.constant 0 : i32
    %dma_start3A_33 = tpu.memref_slice %arg4[%add3A_9, %dma_start3A_32] : memref<320000x16xbf16, #tpu.memory_space<hbm>> -> memref<400x16xbf16, #tpu.memory_space<hbm>>
    %dma_start3A_34 = arith.constant 0 : i32
    %dma_start3A_35 = arith.constant 0 : i32
    %dma_start3A_36 = tpu.memref_slice %arg18[%dma_start3A_27, %dma_start3A_34, %dma_start3A_35] : memref<2x400x32xbf16, #tpu.memory_space<vmem>> -> memref<1x400x16xbf16, #tpu.memory_space<vmem>>
    %dma_start3A_37 = tpu.memref_squeeze %dma_start3A_36 : memref<1x400x16xbf16, #tpu.memory_space<vmem>> -> memref<400x16xbf16, #tpu.memory_space<vmem>>
    %dma_start3A_38 = arith.constant 0 : i32
    %dma_start3A_39 = tpu.memref_slice %arg4[%add3A_9, %dma_start3A_38] : memref<320000x16xbf16, #tpu.memory_space<hbm>> -> memref<400x16xbf16, #tpu.memory_space<hbm>>
    tpu.enqueue_dma source(%dma_start3A_39 : memref<400x16xbf16, #tpu.memory_space<hbm>>) target(%dma_start3A_37 : memref<400x16xbf16, #tpu.memory_space<vmem>>) target_semaphore(%arg19 : memref<!tpu.dma_semaphore, #tpu.memory_space<semaphore_mem>>)
    %scan3A = arith.constant 0 : i32
    %scan3A_40 = arith.constant 0 : i32
    %scan3A_41 = arith.constant 25 : i32
    %scan3A_42 = arith.addi %scan3A_40, %scan3A_41 : i32
    %scan3A_43 = arith.constant 1 : i32
    scf.for %scan3A_140 = %scan3A_40 to %scan3A_42 step %scan3A_43  : i32 {
      %rem3A_141 = arith.constant 2 : i32
      %rem3A_142 = arith.remsi %scan3A_140, %rem3A_141 : i32
      %sub3A_143 = arith.constant 1 : i32
      %sub3A_144 = arith.subi %sub3A_143, %rem3A_142 : i32
      %ge3A = arith.constant 2 : i32
      %ge3A_145 = arith.cmpi sge, %scan3A_140, %ge3A : i32
      %convert_element_type3A_146 = arith.extui %ge3A_145 : i1 to i32
      %cond3A_147 = arith.constant 0 : i32
      %cond3A_148 = arith.cmpi ne, %convert_element_type3A_146, %cond3A_147 : i32
      scf.if %cond3A_148 {
        %dma_wait3A_240 = arith.constant 0 : i32
        %dma_wait3A_241 = arith.constant 0 : i32
        %dma_wait3A_242 = tpu.memref_slice %arg17[%rem3A_142, %dma_wait3A_240, %dma_wait3A_241] : memref<2x400x128xbf16, #tpu.memory_space<vmem>> -> memref<1x400x128xbf16, #tpu.memory_space<vmem>>
        %dma_wait3A_243 = tpu.memref_squeeze %dma_wait3A_242 : memref<1x400x128xbf16, #tpu.memory_space<vmem>> -> memref<400x128xbf16, #tpu.memory_space<vmem>>
        %dma_wait3A_244 = arith.constant 0 : i32
        %dma_wait3A_245 = arith.constant 0 : i32
        %dma_wait3A_246 = tpu.memref_slice %arg12[%dma_wait3A_244, %dma_wait3A_245] : memref<10000x128xbf16, #tpu.memory_space<vmem_shared>> -> memref<400x128xbf16, #tpu.memory_space<vmem_shared>>
        %dma_wait3A_247 = arith.constant 0 : i32
        %dma_wait3A_248 = arith.constant 0 : i32
        %dma_wait3A_249 = tpu.memref_slice %arg12[%dma_wait3A_247, %dma_wait3A_248] : memref<10000x128xbf16, #tpu.memory_space<vmem_shared>> -> memref<400x128xbf16, #tpu.memory_space<vmem_shared>>
        %dma_wait3A_250 = arith.constant 0 : i32
        %dma_wait3A_251 = arith.constant 0 : i32
        %dma_wait3A_252 = tpu.memref_slice %arg17[%rem3A_142, %dma_wait3A_250, %dma_wait3A_251] : memref<2x400x128xbf16, #tpu.memory_space<vmem>> -> memref<1x400x128xbf16, #tpu.memory_space<vmem>>
        %dma_wait3A_253 = tpu.memref_squeeze %dma_wait3A_252 : memref<1x400x128xbf16, #tpu.memory_space<vmem>> -> memref<400x128xbf16, #tpu.memory_space<vmem>>
        tpu.wait_dma2 semaphore(%arg21 : memref<!tpu.dma_semaphore, #tpu.memory_space<semaphore_mem>>) src(%dma_wait3A_253 : memref<400x128xbf16, #tpu.memory_space<vmem>>) dst(%dma_wait3A_249 : memref<400x128xbf16, #tpu.memory_space<vmem_shared>>)
        %dma_wait3A_254 = arith.constant 0 : i32
        %dma_wait3A_255 = arith.constant 0 : i32
        %dma_wait3A_256 = tpu.memref_slice %arg18[%rem3A_142, %dma_wait3A_254, %dma_wait3A_255] : memref<2x400x32xbf16, #tpu.memory_space<vmem>> -> memref<1x400x32xbf16, #tpu.memory_space<vmem>>
        %dma_wait3A_257 = tpu.memref_squeeze %dma_wait3A_256 : memref<1x400x32xbf16, #tpu.memory_space<vmem>> -> memref<400x32xbf16, #tpu.memory_space<vmem>>
        %dma_wait3A_258 = arith.constant 0 : i32
        %dma_wait3A_259 = arith.constant 0 : i32
        %dma_wait3A_260 = tpu.memref_slice %arg13[%dma_wait3A_258, %dma_wait3A_259] : memref<10000x32xbf16, #tpu.memory_space<vmem_shared>> -> memref<400x32xbf16, #tpu.memory_space<vmem_shared>>
        %dma_wait3A_261 = arith.constant 0 : i32
        %dma_wait3A_262 = arith.constant 0 : i32
        %dma_wait3A_263 = tpu.memref_slice %arg13[%dma_wait3A_261, %dma_wait3A_262] : memref<10000x32xbf16, #tpu.memory_space<vmem_shared>> -> memref<400x32xbf16, #tpu.memory_space<vmem_shared>>
        %dma_wait3A_264 = arith.constant 0 : i32
        %dma_wait3A_265 = arith.constant 0 : i32
        %dma_wait3A_266 = tpu.memref_slice %arg18[%rem3A_142, %dma_wait3A_264, %dma_wait3A_265] : memref<2x400x32xbf16, #tpu.memory_space<vmem>> -> memref<1x400x32xbf16, #tpu.memory_space<vmem>>
        %dma_wait3A_267 = tpu.memref_squeeze %dma_wait3A_266 : memref<1x400x32xbf16, #tpu.memory_space<vmem>> -> memref<400x32xbf16, #tpu.memory_space<vmem>>
        tpu.wait_dma2 semaphore(%arg21 : memref<!tpu.dma_semaphore, #tpu.memory_space<semaphore_mem>>) src(%dma_wait3A_267 : memref<400x32xbf16, #tpu.memory_space<vmem>>) dst(%dma_wait3A_263 : memref<400x32xbf16, #tpu.memory_space<vmem_shared>>)
        %dma_wait3A_268 = arith.constant 0 : i32
        %dma_wait3A_269 = arith.constant 0 : i32
        %dma_wait3A_270 = tpu.memref_slice %arg18[%rem3A_142, %dma_wait3A_268, %dma_wait3A_269] : memref<2x400x32xbf16, #tpu.memory_space<vmem>> -> memref<1x400x32xbf16, #tpu.memory_space<vmem>>
        %dma_wait3A_271 = tpu.memref_squeeze %dma_wait3A_270 : memref<1x400x32xbf16, #tpu.memory_space<vmem>> -> memref<400x32xbf16, #tpu.memory_space<vmem>>
        %dma_wait3A_272 = arith.constant 0 : i32
        %dma_wait3A_273 = arith.constant 0 : i32
        %dma_wait3A_274 = tpu.memref_slice %arg14[%dma_wait3A_272, %dma_wait3A_273] : memref<10000x32xbf16, #tpu.memory_space<vmem_shared>> -> memref<400x32xbf16, #tpu.memory_space<vmem_shared>>
        %dma_wait3A_275 = arith.constant 0 : i32
        %dma_wait3A_276 = arith.constant 0 : i32
        %dma_wait3A_277 = tpu.memref_slice %arg14[%dma_wait3A_275, %dma_wait3A_276] : memref<10000x32xbf16, #tpu.memory_space<vmem_shared>> -> memref<400x32xbf16, #tpu.memory_space<vmem_shared>>
        %dma_wait3A_278 = arith.constant 0 : i32
        %dma_wait3A_279 = arith.constant 0 : i32
        %dma_wait3A_280 = tpu.memref_slice %arg18[%rem3A_142, %dma_wait3A_278, %dma_wait3A_279] : memref<2x400x32xbf16, #tpu.memory_space<vmem>> -> memref<1x400x32xbf16, #tpu.memory_space<vmem>>
        %dma_wait3A_281 = tpu.memref_squeeze %dma_wait3A_280 : memref<1x400x32xbf16, #tpu.memory_space<vmem>> -> memref<400x32xbf16, #tpu.memory_space<vmem>>
        tpu.wait_dma2 semaphore(%arg21 : memref<!tpu.dma_semaphore, #tpu.memory_space<semaphore_mem>>) src(%dma_wait3A_281 : memref<400x32xbf16, #tpu.memory_space<vmem>>) dst(%dma_wait3A_277 : memref<400x32xbf16, #tpu.memory_space<vmem_shared>>)
      } else {
      }
      %dma_wait3A_149 = arith.constant 0 : i32
      %dma_wait3A_150 = tpu.memref_slice %arg15[%rem3A_142, %dma_wait3A_149] : memref<2x400xi32, #tpu.memory_space<vmem>> -> memref<1x400xi32, #tpu.memory_space<vmem>>
      %dma_wait3A_151 = tpu.memref_squeeze %dma_wait3A_150 : memref<1x400xi32, #tpu.memory_space<vmem>> -> memref<400xi32, #tpu.memory_space<vmem>>
      %dma_wait3A_152 = arith.constant 0 : i32
      %dma_wait3A_153 = tpu.memref_slice %arg2[%dma_wait3A_152] : memref<320000xi32, #tpu.memory_space<hbm>> -> memref<400xi32, #tpu.memory_space<hbm>>
      %dma_wait3A_154 = arith.constant 0 : i32
      %dma_wait3A_155 = tpu.memref_slice %arg15[%rem3A_142, %dma_wait3A_154] : memref<2x400xi32, #tpu.memory_space<vmem>> -> memref<1x400xi32, #tpu.memory_space<vmem>>
      %dma_wait3A_156 = tpu.memref_squeeze %dma_wait3A_155 : memref<1x400xi32, #tpu.memory_space<vmem>> -> memref<400xi32, #tpu.memory_space<vmem>>
      %dma_wait3A_157 = arith.constant 0 : i32
      %dma_wait3A_158 = tpu.memref_slice %arg2[%dma_wait3A_157] : memref<320000xi32, #tpu.memory_space<hbm>> -> memref<400xi32, #tpu.memory_space<hbm>>
      tpu.wait_dma2 semaphore(%arg19 : memref<!tpu.dma_semaphore, #tpu.memory_space<semaphore_mem>>) src(%dma_wait3A_158 : memref<400xi32, #tpu.memory_space<hbm>>) dst(%dma_wait3A_156 : memref<400xi32, #tpu.memory_space<vmem>>)
      %dma_wait3A_159 = arith.constant 0 : i32
      %dma_wait3A_160 = tpu.memref_slice %arg16[%rem3A_142, %dma_wait3A_159] : memref<2x400xi32, #tpu.memory_space<vmem>> -> memref<1x400xi32, #tpu.memory_space<vmem>>
      %dma_wait3A_161 = tpu.memref_squeeze %dma_wait3A_160 : memref<1x400xi32, #tpu.memory_space<vmem>> -> memref<400xi32, #tpu.memory_space<vmem>>
      %dma_wait3A_162 = arith.constant 0 : i32
      %dma_wait3A_163 = tpu.memref_slice %arg3[%dma_wait3A_162] : memref<320000xi32, #tpu.memory_space<hbm>> -> memref<400xi32, #tpu.memory_space<hbm>>
      %dma_wait3A_164 = arith.constant 0 : i32
      %dma_wait3A_165 = tpu.memref_slice %arg16[%rem3A_142, %dma_wait3A_164] : memref<2x400xi32, #tpu.memory_space<vmem>> -> memref<1x400xi32, #tpu.memory_space<vmem>>
      %dma_wait3A_166 = tpu.memref_squeeze %dma_wait3A_165 : memref<1x400xi32, #tpu.memory_space<vmem>> -> memref<400xi32, #tpu.memory_space<vmem>>
      %dma_wait3A_167 = arith.constant 0 : i32
      %dma_wait3A_168 = tpu.memref_slice %arg3[%dma_wait3A_167] : memref<320000xi32, #tpu.memory_space<hbm>> -> memref<400xi32, #tpu.memory_space<hbm>>
      tpu.wait_dma2 semaphore(%arg19 : memref<!tpu.dma_semaphore, #tpu.memory_space<semaphore_mem>>) src(%dma_wait3A_168 : memref<400xi32, #tpu.memory_space<hbm>>) dst(%dma_wait3A_166 : memref<400xi32, #tpu.memory_space<vmem>>)
      %dma_wait3A_169 = arith.constant 0 : i32
      %dma_wait3A_170 = arith.constant 0 : i32
      %dma_wait3A_171 = tpu.memref_slice %arg18[%rem3A_142, %dma_wait3A_169, %dma_wait3A_170] : memref<2x400x32xbf16, #tpu.memory_space<vmem>> -> memref<1x400x16xbf16, #tpu.memory_space<vmem>>
      %dma_wait3A_172 = tpu.memref_squeeze %dma_wait3A_171 : memref<1x400x16xbf16, #tpu.memory_space<vmem>> -> memref<400x16xbf16, #tpu.memory_space<vmem>>
      %dma_wait3A_173 = arith.constant 0 : i32
      %dma_wait3A_174 = arith.constant 0 : i32
      %dma_wait3A_175 = tpu.memref_slice %arg4[%dma_wait3A_173, %dma_wait3A_174] : memref<320000x16xbf16, #tpu.memory_space<hbm>> -> memref<400x16xbf16, #tpu.memory_space<hbm>>
      %dma_wait3A_176 = arith.constant 0 : i32
      %dma_wait3A_177 = arith.constant 0 : i32
      %dma_wait3A_178 = tpu.memref_slice %arg18[%rem3A_142, %dma_wait3A_176, %dma_wait3A_177] : memref<2x400x32xbf16, #tpu.memory_space<vmem>> -> memref<1x400x16xbf16, #tpu.memory_space<vmem>>
      %dma_wait3A_179 = tpu.memref_squeeze %dma_wait3A_178 : memref<1x400x16xbf16, #tpu.memory_space<vmem>> -> memref<400x16xbf16, #tpu.memory_space<vmem>>
      %dma_wait3A_180 = arith.constant 0 : i32
      %dma_wait3A_181 = arith.constant 0 : i32
      %dma_wait3A_182 = tpu.memref_slice %arg4[%dma_wait3A_180, %dma_wait3A_181] : memref<320000x16xbf16, #tpu.memory_space<hbm>> -> memref<400x16xbf16, #tpu.memory_space<hbm>>
      tpu.wait_dma2 semaphore(%arg19 : memref<!tpu.dma_semaphore, #tpu.memory_space<semaphore_mem>>) src(%dma_wait3A_182 : memref<400x16xbf16, #tpu.memory_space<hbm>>) dst(%dma_wait3A_179 : memref<400x16xbf16, #tpu.memory_space<vmem>>)
      %dma_start3A_183 = arith.constant 0 : i32
      %dma_start3A_184 = arith.constant 0 : i32
      %dma_start3A_185 = tpu.memref_slice %arg17[%rem3A_142, %dma_start3A_183, %dma_start3A_184] : memref<2x400x128xbf16, #tpu.memory_space<vmem>> -> memref<1x400x128xbf16, #tpu.memory_space<vmem>>
      %dma_start3A_186 = tpu.memref_squeeze %dma_start3A_185 : memref<1x400x128xbf16, #tpu.memory_space<vmem>> -> memref<400x128xbf16, #tpu.memory_space<vmem>>
      %dma_start3A_187 = arith.constant 0 : i32
      %dma_start3A_188 = tpu.memref_slice %arg15[%rem3A_142, %dma_start3A_187] : memref<2x400xi32, #tpu.memory_space<vmem>> -> memref<1x400xi32, #tpu.memory_space<vmem>>
      %dma_start3A_189 = tpu.memref_squeeze %dma_start3A_188 : memref<1x400xi32, #tpu.memory_space<vmem>> -> memref<400xi32, #tpu.memory_space<vmem>>
      %dma_start3A_190 = arith.constant 0 : i32
      %dma_start3A_191 = arith.constant 0 : i32
      %dma_start3A_192 = tpu.memref_slice %arg5[%dma_start3A_190, %dma_start3A_191] : memref<10000x128xbf16, #tpu.memory_space<hbm>> -> memref<10000x128xbf16, #tpu.memory_space<hbm>>
      tpu.enqueue_indirect_dma source(%dma_start3A_192 : memref<10000x128xbf16, #tpu.memory_space<hbm>>) target(%dma_start3A_186 : memref<400x128xbf16, #tpu.memory_space<vmem>>) offsets(%dma_start3A_189 : memref<400xi32, #tpu.memory_space<vmem>>) semaphore(%arg20 : memref<!tpu.dma_semaphore, #tpu.memory_space<semaphore_mem>>)
      %add3A_193 = arith.constant 1 : i32
      %add3A_194 = arith.addi %scan3A_140, %add3A_193 : i32
      %lt3A_195 = arith.constant 25 : i32
      %lt3A_196 = arith.cmpi slt, %add3A_194, %lt3A_195 : i32
      %convert_element_type3A_197 = arith.extui %lt3A_196 : i1 to i32
      %cond3A_198 = arith.constant 0 : i32
      %cond3A_199 = arith.cmpi ne, %convert_element_type3A_197, %cond3A_198 : i32
      scf.if %cond3A_199 {
        %add3A_240 = arith.constant 1 : i32
        %add3A_241 = arith.addi %scan3A_140, %add3A_240 : i32
        %mul3A_242 = arith.constant 10000 : i32
        %mul3A_243 = arith.muli %add3A, %mul3A_242 : i32
        %mul3A_244 = arith.constant 400 : i32
        %mul3A_245 = arith.muli %add3A_241, %mul3A_244 : i32
        %add3A_246 = arith.addi %mul3A_243, %mul3A_245 : i32
        %dma_start3A_247 = arith.constant 0 : i32
        %dma_start3A_248 = tpu.memref_slice %arg15[%sub3A_144, %dma_start3A_247] : memref<2x400xi32, #tpu.memory_space<vmem>> -> memref<1x400xi32, #tpu.memory_space<vmem>>
        %dma_start3A_249 = tpu.memref_squeeze %dma_start3A_248 : memref<1x400xi32, #tpu.memory_space<vmem>> -> memref<400xi32, #tpu.memory_space<vmem>>
        %dma_start3A_250 = tpu.memref_slice %arg2[%add3A_246] : memref<320000xi32, #tpu.memory_space<hbm>> -> memref<400xi32, #tpu.memory_space<hbm>>
        %dma_start3A_251 = arith.constant 0 : i32
        %dma_start3A_252 = tpu.memref_slice %arg15[%sub3A_144, %dma_start3A_251] : memref<2x400xi32, #tpu.memory_space<vmem>> -> memref<1x400xi32, #tpu.memory_space<vmem>>
        %dma_start3A_253 = tpu.memref_squeeze %dma_start3A_252 : memref<1x400xi32, #tpu.memory_space<vmem>> -> memref<400xi32, #tpu.memory_space<vmem>>
        %dma_start3A_254 = tpu.memref_slice %arg2[%add3A_246] : memref<320000xi32, #tpu.memory_space<hbm>> -> memref<400xi32, #tpu.memory_space<hbm>>
        tpu.enqueue_dma source(%dma_start3A_254 : memref<400xi32, #tpu.memory_space<hbm>>) target(%dma_start3A_253 : memref<400xi32, #tpu.memory_space<vmem>>) target_semaphore(%arg19 : memref<!tpu.dma_semaphore, #tpu.memory_space<semaphore_mem>>)
        %dma_start3A_255 = arith.constant 0 : i32
        %dma_start3A_256 = tpu.memref_slice %arg16[%sub3A_144, %dma_start3A_255] : memref<2x400xi32, #tpu.memory_space<vmem>> -> memref<1x400xi32, #tpu.memory_space<vmem>>
        %dma_start3A_257 = tpu.memref_squeeze %dma_start3A_256 : memref<1x400xi32, #tpu.memory_space<vmem>> -> memref<400xi32, #tpu.memory_space<vmem>>
        %dma_start3A_258 = tpu.memref_slice %arg3[%add3A_246] : memref<320000xi32, #tpu.memory_space<hbm>> -> memref<400xi32, #tpu.memory_space<hbm>>
        %dma_start3A_259 = arith.constant 0 : i32
        %dma_start3A_260 = tpu.memref_slice %arg16[%sub3A_144, %dma_start3A_259] : memref<2x400xi32, #tpu.memory_space<vmem>> -> memref<1x400xi32, #tpu.memory_space<vmem>>
        %dma_start3A_261 = tpu.memref_squeeze %dma_start3A_260 : memref<1x400xi32, #tpu.memory_space<vmem>> -> memref<400xi32, #tpu.memory_space<vmem>>
        %dma_start3A_262 = tpu.memref_slice %arg3[%add3A_246] : memref<320000xi32, #tpu.memory_space<hbm>> -> memref<400xi32, #tpu.memory_space<hbm>>
        tpu.enqueue_dma source(%dma_start3A_262 : memref<400xi32, #tpu.memory_space<hbm>>) target(%dma_start3A_261 : memref<400xi32, #tpu.memory_space<vmem>>) target_semaphore(%arg19 : memref<!tpu.dma_semaphore, #tpu.memory_space<semaphore_mem>>)
        %dma_start3A_263 = arith.constant 0 : i32
        %dma_start3A_264 = arith.constant 0 : i32
        %dma_start3A_265 = tpu.memref_slice %arg18[%sub3A_144, %dma_start3A_263, %dma_start3A_264] : memref<2x400x32xbf16, #tpu.memory_space<vmem>> -> memref<1x400x16xbf16, #tpu.memory_space<vmem>>
        %dma_start3A_266 = tpu.memref_squeeze %dma_start3A_265 : memref<1x400x16xbf16, #tpu.memory_space<vmem>> -> memref<400x16xbf16, #tpu.memory_space<vmem>>
        %dma_start3A_267 = arith.constant 0 : i32
        %dma_start3A_268 = tpu.memref_slice %arg4[%add3A_246, %dma_start3A_267] : memref<320000x16xbf16, #tpu.memory_space<hbm>> -> memref<400x16xbf16, #tpu.memory_space<hbm>>
        %dma_start3A_269 = arith.constant 0 : i32
        %dma_start3A_270 = arith.constant 0 : i32
        %dma_start3A_271 = tpu.memref_slice %arg18[%sub3A_144, %dma_start3A_269, %dma_start3A_270] : memref<2x400x32xbf16, #tpu.memory_space<vmem>> -> memref<1x400x16xbf16, #tpu.memory_space<vmem>>
        %dma_start3A_272 = tpu.memref_squeeze %dma_start3A_271 : memref<1x400x16xbf16, #tpu.memory_space<vmem>> -> memref<400x16xbf16, #tpu.memory_space<vmem>>
        %dma_start3A_273 = arith.constant 0 : i32
        %dma_start3A_274 = tpu.memref_slice %arg4[%add3A_246, %dma_start3A_273] : memref<320000x16xbf16, #tpu.memory_space<hbm>> -> memref<400x16xbf16, #tpu.memory_space<hbm>>
        tpu.enqueue_dma source(%dma_start3A_274 : memref<400x16xbf16, #tpu.memory_space<hbm>>) target(%dma_start3A_272 : memref<400x16xbf16, #tpu.memory_space<vmem>>) target_semaphore(%arg19 : memref<!tpu.dma_semaphore, #tpu.memory_space<semaphore_mem>>)
      } else {
      }
      %dma_wait3A_200 = arith.constant 0 : i32
      %dma_wait3A_201 = arith.constant 0 : i32
      %dma_wait3A_202 = tpu.memref_slice %arg17[%rem3A_142, %dma_wait3A_200, %dma_wait3A_201] : memref<2x400x128xbf16, #tpu.memory_space<vmem>> -> memref<1x400x128xbf16, #tpu.memory_space<vmem>>
      %dma_wait3A_203 = tpu.memref_squeeze %dma_wait3A_202 : memref<1x400x128xbf16, #tpu.memory_space<vmem>> -> memref<400x128xbf16, #tpu.memory_space<vmem>>
      %dma_wait3A_204 = arith.constant 0 : i32
      %dma_wait3A_205 = tpu.memref_slice %arg15[%rem3A_142, %dma_wait3A_204] : memref<2x400xi32, #tpu.memory_space<vmem>> -> memref<1x400xi32, #tpu.memory_space<vmem>>
      %dma_wait3A_206 = tpu.memref_squeeze %dma_wait3A_205 : memref<1x400xi32, #tpu.memory_space<vmem>> -> memref<400xi32, #tpu.memory_space<vmem>>
      %dma_wait3A_207 = arith.constant 0 : i32
      %dma_wait3A_208 = arith.constant 0 : i32
      %dma_wait3A_209 = tpu.memref_slice %arg5[%dma_wait3A_207, %dma_wait3A_208] : memref<10000x128xbf16, #tpu.memory_space<hbm>> -> memref<10000x128xbf16, #tpu.memory_space<hbm>>
      tpu.wait_indirect_dma semaphore(%arg20 : memref<!tpu.dma_semaphore, #tpu.memory_space<semaphore_mem>>) src(%dma_wait3A_209 : memref<10000x128xbf16, #tpu.memory_space<hbm>>) dst(%dma_wait3A_203 : memref<400x128xbf16, #tpu.memory_space<vmem>>)
      %dma_start3A_210 = arith.constant 0 : i32
      %dma_start3A_211 = arith.constant 0 : i32
      %dma_start3A_212 = tpu.memref_slice %arg17[%rem3A_142, %dma_start3A_210, %dma_start3A_211] : memref<2x400x128xbf16, #tpu.memory_space<vmem>> -> memref<1x400x128xbf16, #tpu.memory_space<vmem>>
      %dma_start3A_213 = tpu.memref_squeeze %dma_start3A_212 : memref<1x400x128xbf16, #tpu.memory_space<vmem>> -> memref<400x128xbf16, #tpu.memory_space<vmem>>
      %dma_start3A_214 = arith.constant 0 : i32
      %dma_start3A_215 = tpu.memref_slice %arg16[%rem3A_142, %dma_start3A_214] : memref<2x400xi32, #tpu.memory_space<vmem>> -> memref<1x400xi32, #tpu.memory_space<vmem>>
      %dma_start3A_216 = tpu.memref_squeeze %dma_start3A_215 : memref<1x400xi32, #tpu.memory_space<vmem>> -> memref<400xi32, #tpu.memory_space<vmem>>
      %dma_start3A_217 = arith.constant 0 : i32
      %dma_start3A_218 = arith.constant 0 : i32
      %dma_start3A_219 = tpu.memref_slice %arg12[%dma_start3A_217, %dma_start3A_218] : memref<10000x128xbf16, #tpu.memory_space<vmem_shared>> -> memref<10000x128xbf16, #tpu.memory_space<vmem_shared>>
      tpu.enqueue_indirect_dma source(%dma_start3A_213 : memref<400x128xbf16, #tpu.memory_space<vmem>>) target(%dma_start3A_219 : memref<10000x128xbf16, #tpu.memory_space<vmem_shared>>) offsets(%dma_start3A_216 : memref<400xi32, #tpu.memory_space<vmem>>) semaphore(%arg21 : memref<!tpu.dma_semaphore, #tpu.memory_space<semaphore_mem>>) {add = true}
      %dma_start3A_220 = arith.constant 0 : i32
      %dma_start3A_221 = arith.constant 0 : i32
      %dma_start3A_222 = tpu.memref_slice %arg18[%rem3A_142, %dma_start3A_220, %dma_start3A_221] : memref<2x400x32xbf16, #tpu.memory_space<vmem>> -> memref<1x400x32xbf16, #tpu.memory_space<vmem>>
      %dma_start3A_223 = tpu.memref_squeeze %dma_start3A_222 : memref<1x400x32xbf16, #tpu.memory_space<vmem>> -> memref<400x32xbf16, #tpu.memory_space<vmem>>
      %dma_start3A_224 = arith.constant 0 : i32
      %dma_start3A_225 = tpu.memref_slice %arg16[%rem3A_142, %dma_start3A_224] : memref<2x400xi32, #tpu.memory_space<vmem>> -> memref<1x400xi32, #tpu.memory_space<vmem>>
      %dma_start3A_226 = tpu.memref_squeeze %dma_start3A_225 : memref<1x400xi32, #tpu.memory_space<vmem>> -> memref<400xi32, #tpu.memory_space<vmem>>
      %dma_start3A_227 = arith.constant 0 : i32
      %dma_start3A_228 = arith.constant 0 : i32
      %dma_start3A_229 = tpu.memref_slice %arg13[%dma_start3A_227, %dma_start3A_228] : memref<10000x32xbf16, #tpu.memory_space<vmem_shared>> -> memref<10000x32xbf16, #tpu.memory_space<vmem_shared>>
      tpu.enqueue_indirect_dma source(%dma_start3A_223 : memref<400x32xbf16, #tpu.memory_space<vmem>>) target(%dma_start3A_229 : memref<10000x32xbf16, #tpu.memory_space<vmem_shared>>) offsets(%dma_start3A_226 : memref<400xi32, #tpu.memory_space<vmem>>) semaphore(%arg21 : memref<!tpu.dma_semaphore, #tpu.memory_space<semaphore_mem>>) {add = true}
      %dma_start3A_230 = arith.constant 0 : i32
      %dma_start3A_231 = arith.constant 0 : i32
      %dma_start3A_232 = tpu.memref_slice %arg18[%rem3A_142, %dma_start3A_230, %dma_start3A_231] : memref<2x400x32xbf16, #tpu.memory_space<vmem>> -> memref<1x400x32xbf16, #tpu.memory_space<vmem>>
      %dma_start3A_233 = tpu.memref_squeeze %dma_start3A_232 : memref<1x400x32xbf16, #tpu.memory_space<vmem>> -> memref<400x32xbf16, #tpu.memory_space<vmem>>
      %dma_start3A_234 = arith.constant 0 : i32
      %dma_start3A_235 = tpu.memref_slice %arg15[%rem3A_142, %dma_start3A_234] : memref<2x400xi32, #tpu.memory_space<vmem>> -> memref<1x400xi32, #tpu.memory_space<vmem>>
      %dma_start3A_236 = tpu.memref_squeeze %dma_start3A_235 : memref<1x400xi32, #tpu.memory_space<vmem>> -> memref<400xi32, #tpu.memory_space<vmem>>
      %dma_start3A_237 = arith.constant 0 : i32
      %dma_start3A_238 = arith.constant 0 : i32
      %dma_start3A_239 = tpu.memref_slice %arg14[%dma_start3A_237, %dma_start3A_238] : memref<10000x32xbf16, #tpu.memory_space<vmem_shared>> -> memref<10000x32xbf16, #tpu.memory_space<vmem_shared>>
      tpu.enqueue_indirect_dma source(%dma_start3A_233 : memref<400x32xbf16, #tpu.memory_space<vmem>>) target(%dma_start3A_239 : memref<10000x32xbf16, #tpu.memory_space<vmem_shared>>) offsets(%dma_start3A_236 : memref<400xi32, #tpu.memory_space<vmem>>) semaphore(%arg21 : memref<!tpu.dma_semaphore, #tpu.memory_space<semaphore_mem>>) {add = true}
    }
    %scan3A_44 = arith.constant 25 : i32
    %rem3A = arith.constant 25 : i32
    %rem3A_45 = arith.constant 2 : i32
    %rem3A_46 = arith.remsi %rem3A, %rem3A_45 : i32
    %dma_wait3A = arith.constant 0 : i32
    %dma_wait3A_47 = arith.constant 0 : i32
    %dma_wait3A_48 = tpu.memref_slice %arg17[%rem3A_46, %dma_wait3A, %dma_wait3A_47] : memref<2x400x128xbf16, #tpu.memory_space<vmem>> -> memref<1x400x128xbf16, #tpu.memory_space<vmem>>
    %dma_wait3A_49 = tpu.memref_squeeze %dma_wait3A_48 : memref<1x400x128xbf16, #tpu.memory_space<vmem>> -> memref<400x128xbf16, #tpu.memory_space<vmem>>
    %dma_wait3A_50 = arith.constant 0 : i32
    %dma_wait3A_51 = arith.constant 0 : i32
    %dma_wait3A_52 = tpu.memref_slice %arg12[%dma_wait3A_50, %dma_wait3A_51] : memref<10000x128xbf16, #tpu.memory_space<vmem_shared>> -> memref<400x128xbf16, #tpu.memory_space<vmem_shared>>
    %dma_wait3A_53 = arith.constant 0 : i32
    %dma_wait3A_54 = arith.constant 0 : i32
    %dma_wait3A_55 = tpu.memref_slice %arg12[%dma_wait3A_53, %dma_wait3A_54] : memref<10000x128xbf16, #tpu.memory_space<vmem_shared>> -> memref<400x128xbf16, #tpu.memory_space<vmem_shared>>
    %dma_wait3A_56 = arith.constant 0 : i32
    %dma_wait3A_57 = arith.constant 0 : i32
    %dma_wait3A_58 = tpu.memref_slice %arg17[%rem3A_46, %dma_wait3A_56, %dma_wait3A_57] : memref<2x400x128xbf16, #tpu.memory_space<vmem>> -> memref<1x400x128xbf16, #tpu.memory_space<vmem>>
    %dma_wait3A_59 = tpu.memref_squeeze %dma_wait3A_58 : memref<1x400x128xbf16, #tpu.memory_space<vmem>> -> memref<400x128xbf16, #tpu.memory_space<vmem>>
    tpu.wait_dma2 semaphore(%arg21 : memref<!tpu.dma_semaphore, #tpu.memory_space<semaphore_mem>>) src(%dma_wait3A_59 : memref<400x128xbf16, #tpu.memory_space<vmem>>) dst(%dma_wait3A_55 : memref<400x128xbf16, #tpu.memory_space<vmem_shared>>)
    %dma_wait3A_60 = arith.constant 0 : i32
    %dma_wait3A_61 = arith.constant 0 : i32
    %dma_wait3A_62 = tpu.memref_slice %arg18[%rem3A_46, %dma_wait3A_60, %dma_wait3A_61] : memref<2x400x32xbf16, #tpu.memory_space<vmem>> -> memref<1x400x32xbf16, #tpu.memory_space<vmem>>
    %dma_wait3A_63 = tpu.memref_squeeze %dma_wait3A_62 : memref<1x400x32xbf16, #tpu.memory_space<vmem>> -> memref<400x32xbf16, #tpu.memory_space<vmem>>
    %dma_wait3A_64 = arith.constant 0 : i32
    %dma_wait3A_65 = arith.constant 0 : i32
    %dma_wait3A_66 = tpu.memref_slice %arg13[%dma_wait3A_64, %dma_wait3A_65] : memref<10000x32xbf16, #tpu.memory_space<vmem_shared>> -> memref<400x32xbf16, #tpu.memory_space<vmem_shared>>
    %dma_wait3A_67 = arith.constant 0 : i32
    %dma_wait3A_68 = arith.constant 0 : i32
    %dma_wait3A_69 = tpu.memref_slice %arg13[%dma_wait3A_67, %dma_wait3A_68] : memref<10000x32xbf16, #tpu.memory_space<vmem_shared>> -> memref<400x32xbf16, #tpu.memory_space<vmem_shared>>
    %dma_wait3A_70 = arith.constant 0 : i32
    %dma_wait3A_71 = arith.constant 0 : i32
    %dma_wait3A_72 = tpu.memref_slice %arg18[%rem3A_46, %dma_wait3A_70, %dma_wait3A_71] : memref<2x400x32xbf16, #tpu.memory_space<vmem>> -> memref<1x400x32xbf16, #tpu.memory_space<vmem>>
    %dma_wait3A_73 = tpu.memref_squeeze %dma_wait3A_72 : memref<1x400x32xbf16, #tpu.memory_space<vmem>> -> memref<400x32xbf16, #tpu.memory_space<vmem>>
    tpu.wait_dma2 semaphore(%arg21 : memref<!tpu.dma_semaphore, #tpu.memory_space<semaphore_mem>>) src(%dma_wait3A_73 : memref<400x32xbf16, #tpu.memory_space<vmem>>) dst(%dma_wait3A_69 : memref<400x32xbf16, #tpu.memory_space<vmem_shared>>)
    %dma_wait3A_74 = arith.constant 0 : i32
    %dma_wait3A_75 = arith.constant 0 : i32
    %dma_wait3A_76 = tpu.memref_slice %arg18[%rem3A_46, %dma_wait3A_74, %dma_wait3A_75] : memref<2x400x32xbf16, #tpu.memory_space<vmem>> -> memref<1x400x32xbf16, #tpu.memory_space<vmem>>
    %dma_wait3A_77 = tpu.memref_squeeze %dma_wait3A_76 : memref<1x400x32xbf16, #tpu.memory_space<vmem>> -> memref<400x32xbf16, #tpu.memory_space<vmem>>
    %dma_wait3A_78 = arith.constant 0 : i32
    %dma_wait3A_79 = arith.constant 0 : i32
    %dma_wait3A_80 = tpu.memref_slice %arg14[%dma_wait3A_78, %dma_wait3A_79] : memref<10000x32xbf16, #tpu.memory_space<vmem_shared>> -> memref<400x32xbf16, #tpu.memory_space<vmem_shared>>
    %dma_wait3A_81 = arith.constant 0 : i32
    %dma_wait3A_82 = arith.constant 0 : i32
    %dma_wait3A_83 = tpu.memref_slice %arg14[%dma_wait3A_81, %dma_wait3A_82] : memref<10000x32xbf16, #tpu.memory_space<vmem_shared>> -> memref<400x32xbf16, #tpu.memory_space<vmem_shared>>
    %dma_wait3A_84 = arith.constant 0 : i32
    %dma_wait3A_85 = arith.constant 0 : i32
    %dma_wait3A_86 = tpu.memref_slice %arg18[%rem3A_46, %dma_wait3A_84, %dma_wait3A_85] : memref<2x400x32xbf16, #tpu.memory_space<vmem>> -> memref<1x400x32xbf16, #tpu.memory_space<vmem>>
    %dma_wait3A_87 = tpu.memref_squeeze %dma_wait3A_86 : memref<1x400x32xbf16, #tpu.memory_space<vmem>> -> memref<400x32xbf16, #tpu.memory_space<vmem>>
    tpu.wait_dma2 semaphore(%arg21 : memref<!tpu.dma_semaphore, #tpu.memory_space<semaphore_mem>>) src(%dma_wait3A_87 : memref<400x32xbf16, #tpu.memory_space<vmem>>) dst(%dma_wait3A_83 : memref<400x32xbf16, #tpu.memory_space<vmem_shared>>)
    %rem3A_88 = arith.constant 25 : i32
    %rem3A_89 = arith.constant 2 : i32
    %rem3A_90 = arith.remsi %rem3A_88, %rem3A_89 : i32
    %sub3A = arith.constant 1 : i32
    %sub3A_91 = arith.subi %sub3A, %rem3A_90 : i32
    %dma_wait3A_92 = arith.constant 0 : i32
    %dma_wait3A_93 = arith.constant 0 : i32
    %dma_wait3A_94 = tpu.memref_slice %arg17[%sub3A_91, %dma_wait3A_92, %dma_wait3A_93] : memref<2x400x128xbf16, #tpu.memory_space<vmem>> -> memref<1x400x128xbf16, #tpu.memory_space<vmem>>
    %dma_wait3A_95 = tpu.memref_squeeze %dma_wait3A_94 : memref<1x400x128xbf16, #tpu.memory_space<vmem>> -> memref<400x128xbf16, #tpu.memory_space<vmem>>
    %dma_wait3A_96 = arith.constant 0 : i32
    %dma_wait3A_97 = arith.constant 0 : i32
    %dma_wait3A_98 = tpu.memref_slice %arg12[%dma_wait3A_96, %dma_wait3A_97] : memref<10000x128xbf16, #tpu.memory_space<vmem_shared>> -> memref<400x128xbf16, #tpu.memory_space<vmem_shared>>
    %dma_wait3A_99 = arith.constant 0 : i32
    %dma_wait3A_100 = arith.constant 0 : i32
    %dma_wait3A_101 = tpu.memref_slice %arg12[%dma_wait3A_99, %dma_wait3A_100] : memref<10000x128xbf16, #tpu.memory_space<vmem_shared>> -> memref<400x128xbf16, #tpu.memory_space<vmem_shared>>
    %dma_wait3A_102 = arith.constant 0 : i32
    %dma_wait3A_103 = arith.constant 0 : i32
    %dma_wait3A_104 = tpu.memref_slice %arg17[%sub3A_91, %dma_wait3A_102, %dma_wait3A_103] : memref<2x400x128xbf16, #tpu.memory_space<vmem>> -> memref<1x400x128xbf16, #tpu.memory_space<vmem>>
    %dma_wait3A_105 = tpu.memref_squeeze %dma_wait3A_104 : memref<1x400x128xbf16, #tpu.memory_space<vmem>> -> memref<400x128xbf16, #tpu.memory_space<vmem>>
    tpu.wait_dma2 semaphore(%arg21 : memref<!tpu.dma_semaphore, #tpu.memory_space<semaphore_mem>>) src(%dma_wait3A_105 : memref<400x128xbf16, #tpu.memory_space<vmem>>) dst(%dma_wait3A_101 : memref<400x128xbf16, #tpu.memory_space<vmem_shared>>)
    %dma_wait3A_106 = arith.constant 0 : i32
    %dma_wait3A_107 = arith.constant 0 : i32
    %dma_wait3A_108 = tpu.memref_slice %arg18[%sub3A_91, %dma_wait3A_106, %dma_wait3A_107] : memref<2x400x32xbf16, #tpu.memory_space<vmem>> -> memref<1x400x32xbf16, #tpu.memory_space<vmem>>
    %dma_wait3A_109 = tpu.memref_squeeze %dma_wait3A_108 : memref<1x400x32xbf16, #tpu.memory_space<vmem>> -> memref<400x32xbf16, #tpu.memory_space<vmem>>
    %dma_wait3A_110 = arith.constant 0 : i32
    %dma_wait3A_111 = arith.constant 0 : i32
    %dma_wait3A_112 = tpu.memref_slice %arg13[%dma_wait3A_110, %dma_wait3A_111] : memref<10000x32xbf16, #tpu.memory_space<vmem_shared>> -> memref<400x32xbf16, #tpu.memory_space<vmem_shared>>
    %dma_wait3A_113 = arith.constant 0 : i32
    %dma_wait3A_114 = arith.constant 0 : i32
    %dma_wait3A_115 = tpu.memref_slice %arg13[%dma_wait3A_113, %dma_wait3A_114] : memref<10000x32xbf16, #tpu.memory_space<vmem_shared>> -> memref<400x32xbf16, #tpu.memory_space<vmem_shared>>
    %dma_wait3A_116 = arith.constant 0 : i32
    %dma_wait3A_117 = arith.constant 0 : i32
    %dma_wait3A_118 = tpu.memref_slice %arg18[%sub3A_91, %dma_wait3A_116, %dma_wait3A_117] : memref<2x400x32xbf16, #tpu.memory_space<vmem>> -> memref<1x400x32xbf16, #tpu.memory_space<vmem>>
    %dma_wait3A_119 = tpu.memref_squeeze %dma_wait3A_118 : memref<1x400x32xbf16, #tpu.memory_space<vmem>> -> memref<400x32xbf16, #tpu.memory_space<vmem>>
    tpu.wait_dma2 semaphore(%arg21 : memref<!tpu.dma_semaphore, #tpu.memory_space<semaphore_mem>>) src(%dma_wait3A_119 : memref<400x32xbf16, #tpu.memory_space<vmem>>) dst(%dma_wait3A_115 : memref<400x32xbf16, #tpu.memory_space<vmem_shared>>)
    %dma_wait3A_120 = arith.constant 0 : i32
    %dma_wait3A_121 = arith.constant 0 : i32
    %dma_wait3A_122 = tpu.memref_slice %arg18[%sub3A_91, %dma_wait3A_120, %dma_wait3A_121] : memref<2x400x32xbf16, #tpu.memory_space<vmem>> -> memref<1x400x32xbf16, #tpu.memory_space<vmem>>
    %dma_wait3A_123 = tpu.memref_squeeze %dma_wait3A_122 : memref<1x400x32xbf16, #tpu.memory_space<vmem>> -> memref<400x32xbf16, #tpu.memory_space<vmem>>
    %dma_wait3A_124 = arith.constant 0 : i32
    %dma_wait3A_125 = arith.constant 0 : i32
    %dma_wait3A_126 = tpu.memref_slice %arg14[%dma_wait3A_124, %dma_wait3A_125] : memref<10000x32xbf16, #tpu.memory_space<vmem_shared>> -> memref<400x32xbf16, #tpu.memory_space<vmem_shared>>
    %dma_wait3A_127 = arith.constant 0 : i32
    %dma_wait3A_128 = arith.constant 0 : i32
    %dma_wait3A_129 = tpu.memref_slice %arg14[%dma_wait3A_127, %dma_wait3A_128] : memref<10000x32xbf16, #tpu.memory_space<vmem_shared>> -> memref<400x32xbf16, #tpu.memory_space<vmem_shared>>
    %dma_wait3A_130 = arith.constant 0 : i32
    %dma_wait3A_131 = arith.constant 0 : i32
    %dma_wait3A_132 = tpu.memref_slice %arg18[%sub3A_91, %dma_wait3A_130, %dma_wait3A_131] : memref<2x400x32xbf16, #tpu.memory_space<vmem>> -> memref<1x400x32xbf16, #tpu.memory_space<vmem>>
    %dma_wait3A_133 = tpu.memref_squeeze %dma_wait3A_132 : memref<1x400x32xbf16, #tpu.memory_space<vmem>> -> memref<400x32xbf16, #tpu.memory_space<vmem>>
    tpu.wait_dma2 semaphore(%arg21 : memref<!tpu.dma_semaphore, #tpu.memory_space<semaphore_mem>>) src(%dma_wait3A_133 : memref<400x32xbf16, #tpu.memory_space<vmem>>) dst(%dma_wait3A_129 : memref<400x32xbf16, #tpu.memory_space<vmem_shared>>)
    %barrier3A_134 = arith.constant 0 : index
    tpu.barrier barrier_id(%barrier3A_134)
    %lt3A_135 = arith.constant 10 : i32
    %lt3A_136 = arith.cmpi slt, %arg1, %lt3A_135 : i32
    %convert_element_type3A_137 = arith.extui %lt3A_136 : i1 to i32
    %cond3A_138 = arith.constant 0 : i32
    %cond3A_139 = arith.cmpi ne, %convert_element_type3A_137, %cond3A_138 : i32
    scf.if %cond3A_139 {
      "tpu.region"() ({
        %run_scoped3A_140 = tpu.sem_alloc : memref<!tpu.dma_semaphore, #tpu.memory_space<semaphore_mem>>
        %dma_start3A_141 = arith.constant 0 : i32
        %dma_start3A_142 = tpu.memref_slice %arg9[%arg0, %mul3A_2, %dma_start3A_141] : memref<2x10000x128xbf16, #tpu.memory_space<hbm>> -> memref<1x1000x128xbf16, #tpu.memory_space<hbm>>
        %dma_start3A_143 = tpu.memref_squeeze %dma_start3A_142 : memref<1x1000x128xbf16, #tpu.memory_space<hbm>> -> memref<1000x128xbf16, #tpu.memory_space<hbm>>
        %dma_start3A_144 = arith.constant 0 : i32
        %dma_start3A_145 = tpu.memref_slice %arg12[%mul3A_2, %dma_start3A_144] : memref<10000x128xbf16, #tpu.memory_space<vmem_shared>> -> memref<1000x128xbf16, #tpu.memory_space<vmem_shared>>
        tpu.enqueue_dma source(%dma_start3A_145 : memref<1000x128xbf16, #tpu.memory_space<vmem_shared>>) target(%dma_start3A_143 : memref<1000x128xbf16, #tpu.memory_space<hbm>>) target_semaphore(%run_scoped3A_140 : memref<!tpu.dma_semaphore, #tpu.memory_space<semaphore_mem>>)
        %dma_wait3A_146 = arith.constant 0 : i32
        %dma_wait3A_147 = tpu.memref_slice %arg9[%arg0, %mul3A_2, %dma_wait3A_146] : memref<2x10000x128xbf16, #tpu.memory_space<hbm>> -> memref<1x1000x128xbf16, #tpu.memory_space<hbm>>
        %dma_wait3A_148 = tpu.memref_squeeze %dma_wait3A_147 : memref<1x1000x128xbf16, #tpu.memory_space<hbm>> -> memref<1000x128xbf16, #tpu.memory_space<hbm>>
        %dma_wait3A_149 = arith.constant 0 : i32
        %dma_wait3A_150 = tpu.memref_slice %arg12[%mul3A_2, %dma_wait3A_149] : memref<10000x128xbf16, #tpu.memory_space<vmem_shared>> -> memref<1000x128xbf16, #tpu.memory_space<vmem_shared>>
        tpu.wait_dma2 semaphore(%run_scoped3A_140 : memref<!tpu.dma_semaphore, #tpu.memory_space<semaphore_mem>>) src(%dma_wait3A_150 : memref<1000x128xbf16, #tpu.memory_space<vmem_shared>>) dst(%dma_wait3A_148 : memref<1000x128xbf16, #tpu.memory_space<hbm>>)
        tpu.yield
      }) : () -> ()
      "tpu.region"() ({
        %run_scoped3A_140 = tpu.sem_alloc : memref<!tpu.dma_semaphore, #tpu.memory_space<semaphore_mem>>
        %dma_start3A_141 = arith.constant 0 : i32
        %dma_start3A_142 = tpu.memref_slice %arg10[%arg0, %mul3A_2, %dma_start3A_141] : memref<2x10000x32xbf16, #tpu.memory_space<hbm>> -> memref<1x1000x32xbf16, #tpu.memory_space<hbm>>
        %dma_start3A_143 = tpu.memref_squeeze %dma_start3A_142 : memref<1x1000x32xbf16, #tpu.memory_space<hbm>> -> memref<1000x32xbf16, #tpu.memory_space<hbm>>
        %dma_start3A_144 = arith.constant 0 : i32
        %dma_start3A_145 = tpu.memref_slice %arg13[%mul3A_2, %dma_start3A_144] : memref<10000x32xbf16, #tpu.memory_space<vmem_shared>> -> memref<1000x32xbf16, #tpu.memory_space<vmem_shared>>
        tpu.enqueue_dma source(%dma_start3A_145 : memref<1000x32xbf16, #tpu.memory_space<vmem_shared>>) target(%dma_start3A_143 : memref<1000x32xbf16, #tpu.memory_space<hbm>>) target_semaphore(%run_scoped3A_140 : memref<!tpu.dma_semaphore, #tpu.memory_space<semaphore_mem>>)
        %dma_wait3A_146 = arith.constant 0 : i32
        %dma_wait3A_147 = tpu.memref_slice %arg10[%arg0, %mul3A_2, %dma_wait3A_146] : memref<2x10000x32xbf16, #tpu.memory_space<hbm>> -> memref<1x1000x32xbf16, #tpu.memory_space<hbm>>
        %dma_wait3A_148 = tpu.memref_squeeze %dma_wait3A_147 : memref<1x1000x32xbf16, #tpu.memory_space<hbm>> -> memref<1000x32xbf16, #tpu.memory_space<hbm>>
        %dma_wait3A_149 = arith.constant 0 : i32
        %dma_wait3A_150 = tpu.memref_slice %arg13[%mul3A_2, %dma_wait3A_149] : memref<10000x32xbf16, #tpu.memory_space<vmem_shared>> -> memref<1000x32xbf16, #tpu.memory_space<vmem_shared>>
        tpu.wait_dma2 semaphore(%run_scoped3A_140 : memref<!tpu.dma_semaphore, #tpu.memory_space<semaphore_mem>>) src(%dma_wait3A_150 : memref<1000x32xbf16, #tpu.memory_space<vmem_shared>>) dst(%dma_wait3A_148 : memref<1000x32xbf16, #tpu.memory_space<hbm>>)
        tpu.yield
      }) : () -> ()
      "tpu.region"() ({
        %run_scoped3A_140 = tpu.sem_alloc : memref<!tpu.dma_semaphore, #tpu.memory_space<semaphore_mem>>
        %dma_start3A_141 = arith.constant 0 : i32
        %dma_start3A_142 = tpu.memref_slice %arg11[%arg0, %mul3A_2, %dma_start3A_141] : memref<2x10000x32xbf16, #tpu.memory_space<hbm>> -> memref<1x1000x32xbf16, #tpu.memory_space<hbm>>
        %dma_start3A_143 = tpu.memref_squeeze %dma_start3A_142 : memref<1x1000x32xbf16, #tpu.memory_space<hbm>> -> memref<1000x32xbf16, #tpu.memory_space<hbm>>
        %dma_start3A_144 = arith.constant 0 : i32
        %dma_start3A_145 = tpu.memref_slice %arg14[%mul3A_2, %dma_start3A_144] : memref<10000x32xbf16, #tpu.memory_space<vmem_shared>> -> memref<1000x32xbf16, #tpu.memory_space<vmem_shared>>
        tpu.enqueue_dma source(%dma_start3A_145 : memref<1000x32xbf16, #tpu.memory_space<vmem_shared>>) target(%dma_start3A_143 : memref<1000x32xbf16, #tpu.memory_space<hbm>>) target_semaphore(%run_scoped3A_140 : memref<!tpu.dma_semaphore, #tpu.memory_space<semaphore_mem>>)
        %dma_wait3A_146 = arith.constant 0 : i32
        %dma_wait3A_147 = tpu.memref_slice %arg11[%arg0, %mul3A_2, %dma_wait3A_146] : memref<2x10000x32xbf16, #tpu.memory_space<hbm>> -> memref<1x1000x32xbf16, #tpu.memory_space<hbm>>
        %dma_wait3A_148 = tpu.memref_squeeze %dma_wait3A_147 : memref<1x1000x32xbf16, #tpu.memory_space<hbm>> -> memref<1000x32xbf16, #tpu.memory_space<hbm>>
        %dma_wait3A_149 = arith.constant 0 : i32
        %dma_wait3A_150 = tpu.memref_slice %arg14[%mul3A_2, %dma_wait3A_149] : memref<10000x32xbf16, #tpu.memory_space<vmem_shared>> -> memref<1000x32xbf16, #tpu.memory_space<vmem_shared>>
        tpu.wait_dma2 semaphore(%run_scoped3A_140 : memref<!tpu.dma_semaphore, #tpu.memory_space<semaphore_mem>>) src(%dma_wait3A_150 : memref<1000x32xbf16, #tpu.memory_space<vmem_shared>>) dst(%dma_wait3A_148 : memref<1000x32xbf16, #tpu.memory_space<hbm>>)
        tpu.yield
      }) : () -> ()
    } else {
    }
    return
  }
}

module attributes {stable_mosaic.version = 14 : i64} {
  func.func @body(%arg0: i32, %arg1: memref<16000x16xf32, #tpu.memory_space<vmem>>, %arg2: memref<2000x128xf32, #tpu.memory_space<vmem>>, %arg3: memref<2x2000x128xbf16, #tpu.memory_space<vmem>>, %arg4: memref<2x2000x32xbf16, #tpu.memory_space<vmem>>, %arg5: memref<2x2000x32xbf16, #tpu.memory_space<vmem>>, %arg6: memref<16x16xf32, #tpu.memory_space<vmem>>, %arg7: memref<1x16xf32, #tpu.memory_space<vmem>>, %arg8: memref<128x128xf32, #tpu.memory_space<vmem>>, %arg9: memref<128x128xf32, #tpu.memory_space<vmem>>, %arg10: memref<128x128xf32, #tpu.memory_space<vmem>>, %arg11: memref<128x16xf32, #tpu.memory_space<vmem>>, %arg12: memref<128x16xf32, #tpu.memory_space<vmem>>, %arg13: memref<1x128xf32, #tpu.memory_space<vmem>>, %arg14: memref<1x128xf32, #tpu.memory_space<vmem>>) attributes {dimension_semantics = [#tpu.dimension_semantics<arbitrary>], iteration_bounds = array<i64: 20>, scalar_prefetch = 0 : i64, scratch_operands = 0 : i64, tpu.core_type = #tpu.core_type<tc>, window_params = [{transform_indices = @transform_0, window_bounds = array<i64: 16000, 16>}, {transform_indices = @transform_1, window_bounds = array<i64: 2000, 128>}, {transform_indices = @transform_2, window_bounds = array<i64: 2, 2000, 128>}, {transform_indices = @transform_3, window_bounds = array<i64: 2, 2000, 32>}, {transform_indices = @transform_4, window_bounds = array<i64: 2, 2000, 32>}, {pipeline_mode = #tpu.pipeline_mode<synchronous>, transform_indices = @transform_5, window_bounds = array<i64: 16, 16>}, {pipeline_mode = #tpu.pipeline_mode<synchronous>, transform_indices = @transform_6, window_bounds = array<i64: 1, 16>}, {pipeline_mode = #tpu.pipeline_mode<synchronous>, transform_indices = @transform_7, window_bounds = array<i64: 128, 128>}, {pipeline_mode = #tpu.pipeline_mode<synchronous>, transform_indices = @transform_8, window_bounds = array<i64: 128, 128>}, {pipeline_mode = #tpu.pipeline_mode<synchronous>, transform_indices = @transform_9, window_bounds = array<i64: 128, 128>}, {pipeline_mode = #tpu.pipeline_mode<synchronous>, transform_indices = @transform_10, window_bounds = array<i64: 128, 16>}, {pipeline_mode = #tpu.pipeline_mode<synchronous>, transform_indices = @transform_11, window_bounds = array<i64: 128, 16>}, {pipeline_mode = #tpu.pipeline_mode<synchronous>, transform_indices = @transform_12, window_bounds = array<i64: 1, 128>}, {pipeline_mode = #tpu.pipeline_mode<synchronous>, transform_indices = @transform_13, window_bounds = array<i64: 1, 128>}]} {
    %get3A = arith.constant 0 : index
    %get3A_0 = arith.constant 0 : index
    %get3A_1 = vector.load %arg1[%get3A, %get3A_0] : memref<16000x16xf32, #tpu.memory_space<vmem>>, vector<16000x16xf32>
    %dot_general3A = arith.constant dense<0.000000e+00> : vector<16x16xf32>
    %dot_general3A_2 = tpu.matmul %get3A_1, %get3A_1, %dot_general3A {dimension_numbers = #tpu.dot_dimension_numbers<[0], [0], [1], [1], [0, 1, 1, 1], [], []>, transpose_lhs_hint = false} : vector<16000x16xf32>, vector<16000x16xf32>, vector<16x16xf32> -> vector<16x16xf32>
    %reduce_sum3A = arith.constant dense<0.000000e+00> : vector<16xf32>
    %reduce_sum3A_3 = vector.multi_reduction <add>, %get3A_1, %reduce_sum3A [0] : vector<16000x16xf32> to vector<16xf32>
    %broadcast_in_dim3A = vector.shape_cast %reduce_sum3A_3 : vector<16xf32> to vector<1x16xf32>
    %eq3A = arith.constant 0 : i32
    %eq3A_4 = arith.cmpi eq, %arg0, %eq3A : i32
    %convert_element_type3A = arith.extui %eq3A_4 : i1 to i32
    %cond3A = arith.constant 0 : i32
    %cond3A_5 = arith.cmpi ne, %convert_element_type3A, %cond3A : i32
    scf.if %cond3A_5 {
      %swap3A = arith.constant 0 : index
      %swap3A_14 = arith.constant 0 : index
      %swap3A_15 = vector.load %arg6[%swap3A, %swap3A_14] : memref<16x16xf32, #tpu.memory_space<vmem>>, vector<16x16xf32>
      tpu.vector_store %arg6[%swap3A, %swap3A_14], %dot_general3A_2 {strides = array<i32>} : memref<16x16xf32, #tpu.memory_space<vmem>>, vector<16x16xf32>,
      %swap3A_16 = arith.constant 0 : index
      %swap3A_17 = arith.constant 0 : index
      %swap3A_18 = vector.load %arg7[%swap3A_16, %swap3A_17] : memref<1x16xf32, #tpu.memory_space<vmem>>, vector<1x16xf32>
      tpu.vector_store %arg7[%swap3A_16, %swap3A_17], %broadcast_in_dim3A {strides = array<i32>} : memref<1x16xf32, #tpu.memory_space<vmem>>, vector<1x16xf32>,
    } else {
    }
    %gt3A = arith.constant 0 : i32
    %gt3A_6 = arith.cmpi sgt, %arg0, %gt3A : i32
    %convert_element_type3A_7 = arith.extui %gt3A_6 : i1 to i32
    %cond3A_8 = arith.constant 0 : i32
    %cond3A_9 = arith.cmpi ne, %convert_element_type3A_7, %cond3A_8 : i32
    scf.if %cond3A_9 {
      %get3A_14 = arith.constant 0 : index
      %get3A_15 = arith.constant 0 : index
      %get3A_16 = vector.load %arg6[%get3A_14, %get3A_15] : memref<16x16xf32, #tpu.memory_space<vmem>>, vector<16x16xf32>
      %add3A = arith.addf %get3A_16, %dot_general3A_2 : vector<16x16xf32>
      %swap3A = arith.constant 0 : index
      %swap3A_17 = arith.constant 0 : index
      %swap3A_18 = vector.load %arg6[%swap3A, %swap3A_17] : memref<16x16xf32, #tpu.memory_space<vmem>>, vector<16x16xf32>
      tpu.vector_store %arg6[%swap3A, %swap3A_17], %add3A {strides = array<i32>} : memref<16x16xf32, #tpu.memory_space<vmem>>, vector<16x16xf32>,
      %get3A_19 = arith.constant 0 : index
      %get3A_20 = arith.constant 0 : index
      %get3A_21 = vector.load %arg7[%get3A_19, %get3A_20] : memref<1x16xf32, #tpu.memory_space<vmem>>, vector<1x16xf32>
      %add3A_22 = arith.addf %get3A_21, %broadcast_in_dim3A : vector<1x16xf32>
      %swap3A_23 = arith.constant 0 : index
      %swap3A_24 = arith.constant 0 : index
      %swap3A_25 = vector.load %arg7[%swap3A_23, %swap3A_24] : memref<1x16xf32, #tpu.memory_space<vmem>>, vector<1x16xf32>
      tpu.vector_store %arg7[%swap3A_23, %swap3A_24], %add3A_22 {strides = array<i32>} : memref<1x16xf32, #tpu.memory_space<vmem>>, vector<1x16xf32>,
    } else {
    }
    %lt3A = arith.constant 5 : i32
    %lt3A_10 = arith.cmpi slt, %arg0, %lt3A : i32
    %convert_element_type3A_11 = arith.extui %lt3A_10 : i1 to i32
    %cond3A_12 = arith.constant 0 : i32
    %cond3A_13 = arith.cmpi ne, %convert_element_type3A_11, %cond3A_12 : i32
    scf.if %cond3A_13 {
      %get3A_14 = arith.constant 0 : index
      %get3A_15 = arith.constant 0 : index
      %get3A_16 = vector.load %arg2[%get3A_14, %get3A_15] : memref<2000x128xf32, #tpu.memory_space<vmem>>, vector<2000x128xf32>
      %get3A_17 = arith.constant 0 : index
      %get3A_18 = arith.constant 0 : index
      %get3A_19 = arith.constant 0 : index
      %get3A_20 = vector.load %arg3[%get3A_17, %get3A_18, %get3A_19] : memref<2x2000x128xbf16, #tpu.memory_space<vmem>>, vector<1x2000x128xbf16>
      %get3A_21 = vector.shape_cast %get3A_20 : vector<1x2000x128xbf16> to vector<2000x128xbf16>
      %get3A_22 = arith.constant 1 : index
      %get3A_23 = arith.constant 0 : index
      %get3A_24 = arith.constant 0 : index
      %get3A_25 = vector.load %arg3[%get3A_22, %get3A_23, %get3A_24] : memref<2x2000x128xbf16, #tpu.memory_space<vmem>>, vector<1x2000x128xbf16>
      %get3A_26 = vector.shape_cast %get3A_25 : vector<1x2000x128xbf16> to vector<2000x128xbf16>
      %add3A = arith.addf %get3A_21, %get3A_26 : vector<2000x128xbf16>
      %convert_element_type3A_27 = arith.extf %add3A : vector<2000x128xbf16> to vector<2000x128xf32>
      %get3A_28 = arith.constant 0 : index
      %get3A_29 = arith.constant 0 : index
      %get3A_30 = arith.constant 0 : index
      %get3A_31 = vector.load %arg4[%get3A_28, %get3A_29, %get3A_30] : memref<2x2000x32xbf16, #tpu.memory_space<vmem>>, vector<1x2000x32xbf16>
      %get3A_32 = vector.shape_cast %get3A_31 : vector<1x2000x32xbf16> to vector<2000x32xbf16>
      %get3A_33 = arith.constant 1 : index
      %get3A_34 = arith.constant 0 : index
      %get3A_35 = arith.constant 0 : index
      %get3A_36 = vector.load %arg4[%get3A_33, %get3A_34, %get3A_35] : memref<2x2000x32xbf16, #tpu.memory_space<vmem>>, vector<1x2000x32xbf16>
      %get3A_37 = vector.shape_cast %get3A_36 : vector<1x2000x32xbf16> to vector<2000x32xbf16>
      %add3A_38 = arith.addf %get3A_32, %get3A_37 : vector<2000x32xbf16>
      %convert_element_type3A_39 = arith.extf %add3A_38 : vector<2000x32xbf16> to vector<2000x32xf32>
      %get3A_40 = arith.constant 0 : index
      %get3A_41 = arith.constant 0 : index
      %get3A_42 = arith.constant 0 : index
      %get3A_43 = vector.load %arg5[%get3A_40, %get3A_41, %get3A_42] : memref<2x2000x32xbf16, #tpu.memory_space<vmem>>, vector<1x2000x32xbf16>
      %get3A_44 = vector.shape_cast %get3A_43 : vector<1x2000x32xbf16> to vector<2000x32xbf16>
      %get3A_45 = arith.constant 1 : index
      %get3A_46 = arith.constant 0 : index
      %get3A_47 = arith.constant 0 : index
      %get3A_48 = vector.load %arg5[%get3A_45, %get3A_46, %get3A_47] : memref<2x2000x32xbf16, #tpu.memory_space<vmem>>, vector<1x2000x32xbf16>
      %get3A_49 = vector.shape_cast %get3A_48 : vector<1x2000x32xbf16> to vector<2000x32xbf16>
      %add3A_50 = arith.addf %get3A_44, %get3A_49 : vector<2000x32xbf16>
      %convert_element_type3A_51 = arith.extf %add3A_50 : vector<2000x32xbf16> to vector<2000x32xf32>
      %slice3A = vector.extract_strided_slice %convert_element_type3A_39 {offsets = [0, 16], sizes = [2000, 1], strides = [1, 1]} : vector<2000x32xf32> to vector<2000x1xf32>
      %slice3A_52 = vector.extract_strided_slice %convert_element_type3A_51 {offsets = [0, 16], sizes = [2000, 1], strides = [1, 1]} : vector<2000x32xf32> to vector<2000x1xf32>
      %mul3A = vector.broadcast %slice3A : vector<2000x1xf32> to vector<2000x128xf32>
      %mul3A_53 = arith.mulf %get3A_16, %mul3A : vector<2000x128xf32>
      %mul3A_54 = vector.broadcast %slice3A_52 : vector<2000x1xf32> to vector<2000x128xf32>
      %mul3A_55 = arith.mulf %get3A_16, %mul3A_54 : vector<2000x128xf32>
      %dot_general3A_56 = arith.constant dense<0.000000e+00> : vector<128x128xf32>
      %dot_general3A_57 = tpu.matmul %mul3A_53, %get3A_16, %dot_general3A_56 {dimension_numbers = #tpu.dot_dimension_numbers<[0], [0], [1], [1], [0, 1, 1, 1], [], []>, transpose_lhs_hint = false} : vector<2000x128xf32>, vector<2000x128xf32>, vector<128x128xf32> -> vector<128x128xf32>
      %dot_general3A_58 = arith.constant dense<0.000000e+00> : vector<128x128xf32>
      %dot_general3A_59 = tpu.matmul %mul3A_55, %get3A_16, %dot_general3A_58 {dimension_numbers = #tpu.dot_dimension_numbers<[0], [0], [1], [1], [0, 1, 1, 1], [], []>, transpose_lhs_hint = false} : vector<2000x128xf32>, vector<2000x128xf32>, vector<128x128xf32> -> vector<128x128xf32>
      %dot_general3A_60 = arith.constant dense<0.000000e+00> : vector<128x128xf32>
      %dot_general3A_61 = tpu.matmul %get3A_16, %convert_element_type3A_27, %dot_general3A_60 {dimension_numbers = #tpu.dot_dimension_numbers<[0], [0], [1], [1], [0, 1, 1, 1], [], []>, transpose_lhs_hint = false} : vector<2000x128xf32>, vector<2000x128xf32>, vector<128x128xf32> -> vector<128x128xf32>
      %slice3A_62 = vector.extract_strided_slice %convert_element_type3A_39 {offsets = [0, 0], sizes = [2000, 16], strides = [1, 1]} : vector<2000x32xf32> to vector<2000x16xf32>
      %dot_general3A_63 = arith.constant dense<0.000000e+00> : vector<128x16xf32>
      %dot_general3A_64 = tpu.matmul %get3A_16, %slice3A_62, %dot_general3A_63 {dimension_numbers = #tpu.dot_dimension_numbers<[0], [0], [1], [1], [0, 1, 1, 1], [], []>, transpose_lhs_hint = false} : vector<2000x128xf32>, vector<2000x16xf32>, vector<128x16xf32> -> vector<128x16xf32>
      %slice3A_65 = vector.extract_strided_slice %convert_element_type3A_51 {offsets = [0, 0], sizes = [2000, 16], strides = [1, 1]} : vector<2000x32xf32> to vector<2000x16xf32>
      %dot_general3A_66 = arith.constant dense<0.000000e+00> : vector<128x16xf32>
      %dot_general3A_67 = tpu.matmul %get3A_16, %slice3A_65, %dot_general3A_66 {dimension_numbers = #tpu.dot_dimension_numbers<[0], [0], [1], [1], [0, 1, 1, 1], [], []>, transpose_lhs_hint = false} : vector<2000x128xf32>, vector<2000x16xf32>, vector<128x16xf32> -> vector<128x16xf32>
      %reduce_sum3A_68 = arith.constant dense<0.000000e+00> : vector<128xf32>
      %reduce_sum3A_69 = vector.multi_reduction <add>, %mul3A_53, %reduce_sum3A_68 [0] : vector<2000x128xf32> to vector<128xf32>
      %broadcast_in_dim3A_70 = vector.shape_cast %reduce_sum3A_69 : vector<128xf32> to vector<1x128xf32>
      %reduce_sum3A_71 = arith.constant dense<0.000000e+00> : vector<128xf32>
      %reduce_sum3A_72 = vector.multi_reduction <add>, %mul3A_55, %reduce_sum3A_71 [0] : vector<2000x128xf32> to vector<128xf32>
      %broadcast_in_dim3A_73 = vector.shape_cast %reduce_sum3A_72 : vector<128xf32> to vector<1x128xf32>
      %eq3A_74 = arith.constant 0 : i32
      %eq3A_75 = arith.cmpi eq, %arg0, %eq3A_74 : i32
      %convert_element_type3A_76 = arith.extui %eq3A_75 : i1 to i32
      %cond3A_77 = arith.constant 0 : i32
      %cond3A_78 = arith.cmpi ne, %convert_element_type3A_76, %cond3A_77 : i32
      scf.if %cond3A_78 {
        %swap3A = arith.constant 0 : index
        %swap3A_84 = arith.constant 0 : index
        %swap3A_85 = vector.load %arg8[%swap3A, %swap3A_84] : memref<128x128xf32, #tpu.memory_space<vmem>>, vector<128x128xf32>
        tpu.vector_store %arg8[%swap3A, %swap3A_84], %dot_general3A_57 {strides = array<i32>} : memref<128x128xf32, #tpu.memory_space<vmem>>, vector<128x128xf32>,
        %swap3A_86 = arith.constant 0 : index
        %swap3A_87 = arith.constant 0 : index
        %swap3A_88 = vector.load %arg9[%swap3A_86, %swap3A_87] : memref<128x128xf32, #tpu.memory_space<vmem>>, vector<128x128xf32>
        tpu.vector_store %arg9[%swap3A_86, %swap3A_87], %dot_general3A_59 {strides = array<i32>} : memref<128x128xf32, #tpu.memory_space<vmem>>, vector<128x128xf32>,
        %swap3A_89 = arith.constant 0 : index
        %swap3A_90 = arith.constant 0 : index
        %swap3A_91 = vector.load %arg10[%swap3A_89, %swap3A_90] : memref<128x128xf32, #tpu.memory_space<vmem>>, vector<128x128xf32>
        tpu.vector_store %arg10[%swap3A_89, %swap3A_90], %dot_general3A_61 {strides = array<i32>} : memref<128x128xf32, #tpu.memory_space<vmem>>, vector<128x128xf32>,
        %swap3A_92 = arith.constant 0 : index
        %swap3A_93 = arith.constant 0 : index
        %swap3A_94 = vector.load %arg11[%swap3A_92, %swap3A_93] : memref<128x16xf32, #tpu.memory_space<vmem>>, vector<128x16xf32>
        tpu.vector_store %arg11[%swap3A_92, %swap3A_93], %dot_general3A_64 {strides = array<i32>} : memref<128x16xf32, #tpu.memory_space<vmem>>, vector<128x16xf32>,
        %swap3A_95 = arith.constant 0 : index
        %swap3A_96 = arith.constant 0 : index
        %swap3A_97 = vector.load %arg12[%swap3A_95, %swap3A_96] : memref<128x16xf32, #tpu.memory_space<vmem>>, vector<128x16xf32>
        tpu.vector_store %arg12[%swap3A_95, %swap3A_96], %dot_general3A_67 {strides = array<i32>} : memref<128x16xf32, #tpu.memory_space<vmem>>, vector<128x16xf32>,
        %swap3A_98 = arith.constant 0 : index
        %swap3A_99 = arith.constant 0 : index
        %swap3A_100 = vector.load %arg13[%swap3A_98, %swap3A_99] : memref<1x128xf32, #tpu.memory_space<vmem>>, vector<1x128xf32>
        tpu.vector_store %arg13[%swap3A_98, %swap3A_99], %broadcast_in_dim3A_70 {strides = array<i32>} : memref<1x128xf32, #tpu.memory_space<vmem>>, vector<1x128xf32>,
        %swap3A_101 = arith.constant 0 : index
        %swap3A_102 = arith.constant 0 : index
        %swap3A_103 = vector.load %arg14[%swap3A_101, %swap3A_102] : memref<1x128xf32, #tpu.memory_space<vmem>>, vector<1x128xf32>
        tpu.vector_store %arg14[%swap3A_101, %swap3A_102], %broadcast_in_dim3A_73 {strides = array<i32>} : memref<1x128xf32, #tpu.memory_space<vmem>>, vector<1x128xf32>,
      } else {
      }
      %gt3A_79 = arith.constant 0 : i32
      %gt3A_80 = arith.cmpi sgt, %arg0, %gt3A_79 : i32
      %convert_element_type3A_81 = arith.extui %gt3A_80 : i1 to i32
      %cond3A_82 = arith.constant 0 : i32
      %cond3A_83 = arith.cmpi ne, %convert_element_type3A_81, %cond3A_82 : i32
      scf.if %cond3A_83 {
        %get3A_84 = arith.constant 0 : index
        %get3A_85 = arith.constant 0 : index
        %get3A_86 = vector.load %arg8[%get3A_84, %get3A_85] : memref<128x128xf32, #tpu.memory_space<vmem>>, vector<128x128xf32>
        %add3A_87 = arith.addf %get3A_86, %dot_general3A_57 : vector<128x128xf32>
        %swap3A = arith.constant 0 : index
        %swap3A_88 = arith.constant 0 : index
        %swap3A_89 = vector.load %arg8[%swap3A, %swap3A_88] : memref<128x128xf32, #tpu.memory_space<vmem>>, vector<128x128xf32>
        tpu.vector_store %arg8[%swap3A, %swap3A_88], %add3A_87 {strides = array<i32>} : memref<128x128xf32, #tpu.memory_space<vmem>>, vector<128x128xf32>,
        %get3A_90 = arith.constant 0 : index
        %get3A_91 = arith.constant 0 : index
        %get3A_92 = vector.load %arg9[%get3A_90, %get3A_91] : memref<128x128xf32, #tpu.memory_space<vmem>>, vector<128x128xf32>
        %add3A_93 = arith.addf %get3A_92, %dot_general3A_59 : vector<128x128xf32>
        %swap3A_94 = arith.constant 0 : index
        %swap3A_95 = arith.constant 0 : index
        %swap3A_96 = vector.load %arg9[%swap3A_94, %swap3A_95] : memref<128x128xf32, #tpu.memory_space<vmem>>, vector<128x128xf32>
        tpu.vector_store %arg9[%swap3A_94, %swap3A_95], %add3A_93 {strides = array<i32>} : memref<128x128xf32, #tpu.memory_space<vmem>>, vector<128x128xf32>,
        %get3A_97 = arith.constant 0 : index
        %get3A_98 = arith.constant 0 : index
        %get3A_99 = vector.load %arg10[%get3A_97, %get3A_98] : memref<128x128xf32, #tpu.memory_space<vmem>>, vector<128x128xf32>
        %add3A_100 = arith.addf %get3A_99, %dot_general3A_61 : vector<128x128xf32>
        %swap3A_101 = arith.constant 0 : index
        %swap3A_102 = arith.constant 0 : index
        %swap3A_103 = vector.load %arg10[%swap3A_101, %swap3A_102] : memref<128x128xf32, #tpu.memory_space<vmem>>, vector<128x128xf32>
        tpu.vector_store %arg10[%swap3A_101, %swap3A_102], %add3A_100 {strides = array<i32>} : memref<128x128xf32, #tpu.memory_space<vmem>>, vector<128x128xf32>,
        %get3A_104 = arith.constant 0 : index
        %get3A_105 = arith.constant 0 : index
        %get3A_106 = vector.load %arg11[%get3A_104, %get3A_105] : memref<128x16xf32, #tpu.memory_space<vmem>>, vector<128x16xf32>
        %add3A_107 = arith.addf %get3A_106, %dot_general3A_64 : vector<128x16xf32>
        %swap3A_108 = arith.constant 0 : index
        %swap3A_109 = arith.constant 0 : index
        %swap3A_110 = vector.load %arg11[%swap3A_108, %swap3A_109] : memref<128x16xf32, #tpu.memory_space<vmem>>, vector<128x16xf32>
        tpu.vector_store %arg11[%swap3A_108, %swap3A_109], %add3A_107 {strides = array<i32>} : memref<128x16xf32, #tpu.memory_space<vmem>>, vector<128x16xf32>,
        %get3A_111 = arith.constant 0 : index
        %get3A_112 = arith.constant 0 : index
        %get3A_113 = vector.load %arg12[%get3A_111, %get3A_112] : memref<128x16xf32, #tpu.memory_space<vmem>>, vector<128x16xf32>
        %add3A_114 = arith.addf %get3A_113, %dot_general3A_67 : vector<128x16xf32>
        %swap3A_115 = arith.constant 0 : index
        %swap3A_116 = arith.constant 0 : index
        %swap3A_117 = vector.load %arg12[%swap3A_115, %swap3A_116] : memref<128x16xf32, #tpu.memory_space<vmem>>, vector<128x16xf32>
        tpu.vector_store %arg12[%swap3A_115, %swap3A_116], %add3A_114 {strides = array<i32>} : memref<128x16xf32, #tpu.memory_space<vmem>>, vector<128x16xf32>,
        %get3A_118 = arith.constant 0 : index
        %get3A_119 = arith.constant 0 : index
        %get3A_120 = vector.load %arg13[%get3A_118, %get3A_119] : memref<1x128xf32, #tpu.memory_space<vmem>>, vector<1x128xf32>
        %add3A_121 = arith.addf %get3A_120, %broadcast_in_dim3A_70 : vector<1x128xf32>
        %swap3A_122 = arith.constant 0 : index
        %swap3A_123 = arith.constant 0 : index
        %swap3A_124 = vector.load %arg13[%swap3A_122, %swap3A_123] : memref<1x128xf32, #tpu.memory_space<vmem>>, vector<1x128xf32>
        tpu.vector_store %arg13[%swap3A_122, %swap3A_123], %add3A_121 {strides = array<i32>} : memref<1x128xf32, #tpu.memory_space<vmem>>, vector<1x128xf32>,
        %get3A_125 = arith.constant 0 : index
        %get3A_126 = arith.constant 0 : index
        %get3A_127 = vector.load %arg14[%get3A_125, %get3A_126] : memref<1x128xf32, #tpu.memory_space<vmem>>, vector<1x128xf32>
        %add3A_128 = arith.addf %get3A_127, %broadcast_in_dim3A_73 : vector<1x128xf32>
        %swap3A_129 = arith.constant 0 : index
        %swap3A_130 = arith.constant 0 : index
        %swap3A_131 = vector.load %arg14[%swap3A_129, %swap3A_130] : memref<1x128xf32, #tpu.memory_space<vmem>>, vector<1x128xf32>
        tpu.vector_store %arg14[%swap3A_129, %swap3A_130], %add3A_128 {strides = array<i32>} : memref<1x128xf32, #tpu.memory_space<vmem>>, vector<1x128xf32>,
      } else {
      }
    } else {
    }
    return
  }
  func.func @transform_0(%arg0: i32) -> (i32, i32) {
    %c0_i32 = arith.constant 0 : i32
    %c0_i32_0 = arith.constant 0 : i32
    return %arg0, %c0_i32 : i32, i32
  }
  func.func @transform_1(%arg0: i32) -> (i32, i32) {
    %min3A = arith.constant 4 : i32
    %min3A_0 = arith.minsi %arg0, %min3A : i32
    %c0_i32 = arith.constant 0 : i32
    %c0_i32_1 = arith.constant 0 : i32
    return %min3A_0, %c0_i32 : i32, i32
  }
  func.func @transform_2(%arg0: i32) -> (i32, i32, i32) {
    %min3A = arith.constant 4 : i32
    %min3A_0 = arith.minsi %arg0, %min3A : i32
    %c0_i32 = arith.constant 0 : i32
    %c0_i32_1 = arith.constant 0 : i32
    %c0_i32_2 = arith.constant 0 : i32
    return %c0_i32, %min3A_0, %c0_i32_1 : i32, i32, i32
  }
  func.func @transform_3(%arg0: i32) -> (i32, i32, i32) {
    %min3A = arith.constant 4 : i32
    %min3A_0 = arith.minsi %arg0, %min3A : i32
    %c0_i32 = arith.constant 0 : i32
    %c0_i32_1 = arith.constant 0 : i32
    %c0_i32_2 = arith.constant 0 : i32
    return %c0_i32, %min3A_0, %c0_i32_1 : i32, i32, i32
  }
  func.func @transform_4(%arg0: i32) -> (i32, i32, i32) {
    %min3A = arith.constant 4 : i32
    %min3A_0 = arith.minsi %arg0, %min3A : i32
    %c0_i32 = arith.constant 0 : i32
    %c0_i32_1 = arith.constant 0 : i32
    %c0_i32_2 = arith.constant 0 : i32
    return %c0_i32, %min3A_0, %c0_i32_1 : i32, i32, i32
  }
  func.func @transform_5(%arg0: i32) -> (i32, i32) {
    %c0_i32 = arith.constant 0 : i32
    %c0_i32_0 = arith.constant 0 : i32
    %c0_i32_1 = arith.constant 0 : i32
    return %c0_i32, %c0_i32_0 : i32, i32
  }
  func.func @transform_6(%arg0: i32) -> (i32, i32) {
    %c0_i32 = arith.constant 0 : i32
    %c0_i32_0 = arith.constant 0 : i32
    %c0_i32_1 = arith.constant 0 : i32
    return %c0_i32, %c0_i32_0 : i32, i32
  }
  func.func @transform_7(%arg0: i32) -> (i32, i32) {
    %c0_i32 = arith.constant 0 : i32
    %c0_i32_0 = arith.constant 0 : i32
    %c0_i32_1 = arith.constant 0 : i32
    return %c0_i32, %c0_i32_0 : i32, i32
  }
  func.func @transform_8(%arg0: i32) -> (i32, i32) {
    %c0_i32 = arith.constant 0 : i32
    %c0_i32_0 = arith.constant 0 : i32
    %c0_i32_1 = arith.constant 0 : i32
    return %c0_i32, %c0_i32_0 : i32, i32
  }
  func.func @transform_9(%arg0: i32) -> (i32, i32) {
    %c0_i32 = arith.constant 0 : i32
    %c0_i32_0 = arith.constant 0 : i32
    %c0_i32_1 = arith.constant 0 : i32
    return %c0_i32, %c0_i32_0 : i32, i32
  }
  func.func @transform_10(%arg0: i32) -> (i32, i32) {
    %c0_i32 = arith.constant 0 : i32
    %c0_i32_0 = arith.constant 0 : i32
    %c0_i32_1 = arith.constant 0 : i32
    return %c0_i32, %c0_i32_0 : i32, i32
  }
  func.func @transform_11(%arg0: i32) -> (i32, i32) {
    %c0_i32 = arith.constant 0 : i32
    %c0_i32_0 = arith.constant 0 : i32
    %c0_i32_1 = arith.constant 0 : i32
    return %c0_i32, %c0_i32_0 : i32, i32
  }
  func.func @transform_12(%arg0: i32) -> (i32, i32) {
    %c0_i32 = arith.constant 0 : i32
    %c0_i32_0 = arith.constant 0 : i32
    %c0_i32_1 = arith.constant 0 : i32
    return %c0_i32, %c0_i32_0 : i32, i32
  }
  func.func @transform_13(%arg0: i32) -> (i32, i32) {
    %c0_i32 = arith.constant 0 : i32
    %c0_i32_0 = arith.constant 0 : i32
    %c0_i32_1 = arith.constant 0 : i32
    return %c0_i32, %c0_i32_0 : i32, i32
  }
}

module attributes {stable_mosaic.version = 14 : i64} {
  func.func @body(%arg0: i32, %arg1: memref<10000x128xf32, #tpu.memory_space<vmem>>, %arg2: memref<16000x16xf32, #tpu.memory_space<vmem>>, %arg3: memref<16x16xf32, #tpu.memory_space<vmem>>, %arg4: memref<1x16xf32, #tpu.memory_space<vmem>>, %arg5: memref<128x128xf32, #tpu.memory_space<vmem>>, %arg6: memref<128x128xf32, #tpu.memory_space<vmem>>, %arg7: memref<128x128xf32, #tpu.memory_space<vmem>>, %arg8: memref<128x16xf32, #tpu.memory_space<vmem>>, %arg9: memref<128x16xf32, #tpu.memory_space<vmem>>, %arg10: memref<1x128xf32, #tpu.memory_space<vmem>>, %arg11: memref<1x128xf32, #tpu.memory_space<vmem>>, %arg12: memref<128x272xf32, #tpu.memory_space<vmem>>, %arg13: memref<1x128xf32, #tpu.memory_space<vmem>>, %arg14: memref<1x128xf32, #tpu.memory_space<vmem>>, %arg15: memref<1x128xf32, #tpu.memory_space<vmem>>, %arg16: memref<128x128xf32, #tpu.memory_space<vmem>>, %arg17: memref<1x128xf32, #tpu.memory_space<vmem>>, %arg18: memref<1x128xf32, #tpu.memory_space<vmem>>, %arg19: memref<1x128xf32, #tpu.memory_space<vmem>>, %arg20: memref<1x128xf32, #tpu.memory_space<vmem>>, %arg21: memref<2x10000xf32, #tpu.memory_space<vmem>>, %arg22: memref<1x16000xf32, #tpu.memory_space<vmem>>, %arg23: memref<1x16xf32, #tpu.memory_space<vmem>>) attributes {dimension_semantics = [#tpu.dimension_semantics<arbitrary>], iteration_bounds = array<i64: 20>, scalar_prefetch = 0 : i64, scratch_operands = 1 : i64, tpu.core_type = #tpu.core_type<tc>, window_params = [{pipeline_mode = #tpu.pipeline_mode<synchronous>, transform_indices = @transform_0, window_bounds = array<i64: 10000, 128>}, {transform_indices = @transform_1, window_bounds = array<i64: 16000, 16>}, {pipeline_mode = #tpu.pipeline_mode<synchronous>, transform_indices = @transform_2, window_bounds = array<i64: 16, 16>}, {pipeline_mode = #tpu.pipeline_mode<synchronous>, transform_indices = @transform_3, window_bounds = array<i64: 1, 16>}, {pipeline_mode = #tpu.pipeline_mode<synchronous>, transform_indices = @transform_4, window_bounds = array<i64: 128, 128>}, {pipeline_mode = #tpu.pipeline_mode<synchronous>, transform_indices = @transform_5, window_bounds = array<i64: 128, 128>}, {pipeline_mode = #tpu.pipeline_mode<synchronous>, transform_indices = @transform_6, window_bounds = array<i64: 128, 128>}, {pipeline_mode = #tpu.pipeline_mode<synchronous>, transform_indices = @transform_7, window_bounds = array<i64: 128, 16>}, {pipeline_mode = #tpu.pipeline_mode<synchronous>, transform_indices = @transform_8, window_bounds = array<i64: 128, 16>}, {pipeline_mode = #tpu.pipeline_mode<synchronous>, transform_indices = @transform_9, window_bounds = array<i64: 1, 128>}, {pipeline_mode = #tpu.pipeline_mode<synchronous>, transform_indices = @transform_10, window_bounds = array<i64: 1, 128>}, {pipeline_mode = #tpu.pipeline_mode<synchronous>, transform_indices = @transform_11, window_bounds = array<i64: 128, 272>}, {pipeline_mode = #tpu.pipeline_mode<synchronous>, transform_indices = @transform_12, window_bounds = array<i64: 1, 128>}, {pipeline_mode = #tpu.pipeline_mode<synchronous>, transform_indices = @transform_13, window_bounds = array<i64: 1, 128>}, {pipeline_mode = #tpu.pipeline_mode<synchronous>, transform_indices = @transform_14, window_bounds = array<i64: 1, 128>}, {pipeline_mode = #tpu.pipeline_mode<synchronous>, transform_indices = @transform_15, window_bounds = array<i64: 128, 128>}, {pipeline_mode = #tpu.pipeline_mode<synchronous>, transform_indices = @transform_16, window_bounds = array<i64: 1, 128>}, {pipeline_mode = #tpu.pipeline_mode<synchronous>, transform_indices = @transform_17, window_bounds = array<i64: 1, 128>}, {pipeline_mode = #tpu.pipeline_mode<synchronous>, transform_indices = @transform_18, window_bounds = array<i64: 1, 128>}, {pipeline_mode = #tpu.pipeline_mode<synchronous>, transform_indices = @transform_19, window_bounds = array<i64: 1, 128>}, {pipeline_mode = #tpu.pipeline_mode<synchronous>, transform_indices = @transform_20, window_bounds = array<i64: 2, 10000>}, {transform_indices = @transform_21, window_bounds = array<i64: 1, 16000>}]} {
    %eq3A = arith.constant 0 : i32
    %eq3A_0 = arith.cmpi eq, %arg0, %eq3A : i32
    %convert_element_type3A = arith.extui %eq3A_0 : i1 to i32
    %cond3A = arith.constant 0 : i32
    %cond3A_1 = arith.cmpi ne, %convert_element_type3A, %cond3A : i32
    scf.if %cond3A_1 {
      %get3A_10 = arith.constant 0 : index
      %get3A_11 = arith.constant 0 : index
      %get3A_12 = vector.load %arg12[%get3A_10, %get3A_11] : memref<128x272xf32, #tpu.memory_space<vmem>>, vector<128x272xf32>
      %slice3A = vector.extract_strided_slice %get3A_12 {offsets = [0, 0], sizes = [128, 128], strides = [1, 1]} : vector<128x272xf32> to vector<128x128xf32>
      %slice3A_13 = vector.extract_strided_slice %get3A_12 {offsets = [0, 128], sizes = [128, 128], strides = [1, 1]} : vector<128x272xf32> to vector<128x128xf32>
      %slice3A_14 = vector.extract_strided_slice %get3A_12 {offsets = [0, 256], sizes = [128, 16], strides = [1, 1]} : vector<128x272xf32> to vector<128x16xf32>
      %get3A_15 = arith.constant 0 : index
      %get3A_16 = arith.constant 0 : index
      %get3A_17 = vector.load %arg13[%get3A_15, %get3A_16] : memref<1x128xf32, #tpu.memory_space<vmem>>, vector<1x128xf32>
      %get3A_18 = arith.constant 0 : index
      %get3A_19 = arith.constant 0 : index
      %get3A_20 = vector.load %arg14[%get3A_18, %get3A_19] : memref<1x128xf32, #tpu.memory_space<vmem>>, vector<1x128xf32>
      %get3A_21 = arith.constant 0 : index
      %get3A_22 = arith.constant 0 : index
      %get3A_23 = vector.load %arg15[%get3A_21, %get3A_22] : memref<1x128xf32, #tpu.memory_space<vmem>>, vector<1x128xf32>
      %get3A_24 = arith.constant 0 : index
      %get3A_25 = arith.constant 0 : index
      %get3A_26 = vector.load %arg16[%get3A_24, %get3A_25] : memref<128x128xf32, #tpu.memory_space<vmem>>, vector<128x128xf32>
      %get3A_27 = arith.constant 0 : index
      %get3A_28 = arith.constant 0 : index
      %get3A_29 = vector.load %arg17[%get3A_27, %get3A_28] : memref<1x128xf32, #tpu.memory_space<vmem>>, vector<1x128xf32>
      %get3A_30 = arith.constant 0 : index
      %get3A_31 = arith.constant 0 : index
      %get3A_32 = vector.load %arg18[%get3A_30, %get3A_31] : memref<1x128xf32, #tpu.memory_space<vmem>>, vector<1x128xf32>
      %get3A_33 = arith.constant 0 : index
      %get3A_34 = arith.constant 0 : index
      %get3A_35 = vector.load %arg19[%get3A_33, %get3A_34] : memref<1x128xf32, #tpu.memory_space<vmem>>, vector<1x128xf32>
      %get3A_36 = arith.constant 0 : index
      %get3A_37 = arith.constant 0 : index
      %get3A_38 = vector.load %arg20[%get3A_36, %get3A_37] : memref<1x128xf32, #tpu.memory_space<vmem>>, vector<1x128xf32>
      %get3A_39 = arith.constant 0 : index
      %get3A_40 = arith.constant 0 : index
      %get3A_41 = vector.load %arg10[%get3A_39, %get3A_40] : memref<1x128xf32, #tpu.memory_space<vmem>>, vector<1x128xf32>
      %dot_general3A_42 = arith.constant dense<0.000000e+00> : vector<1x128xf32>
      %dot_general3A_43 = tpu.matmul %get3A_41, %slice3A, %dot_general3A_42 {dimension_numbers = #tpu.dot_dimension_numbers<[1], [1], [0], [0], [0, 0, 1, 0], [], []>, transpose_lhs_hint = false} : vector<1x128xf32>, vector<128x128xf32>, vector<1x128xf32> -> vector<1x128xf32>
      %get3A_44 = arith.constant 0 : index
      %get3A_45 = arith.constant 0 : index
      %get3A_46 = vector.load %arg11[%get3A_44, %get3A_45] : memref<1x128xf32, #tpu.memory_space<vmem>>, vector<1x128xf32>
      %dot_general3A_47 = arith.constant dense<0.000000e+00> : vector<1x128xf32>
      %dot_general3A_48 = tpu.matmul %get3A_46, %slice3A_13, %dot_general3A_47 {dimension_numbers = #tpu.dot_dimension_numbers<[1], [1], [0], [0], [0, 0, 1, 0], [], []>, transpose_lhs_hint = false} : vector<1x128xf32>, vector<128x128xf32>, vector<1x128xf32> -> vector<1x128xf32>
      %add3A = arith.addf %dot_general3A_43, %dot_general3A_48 : vector<1x128xf32>
      %get3A_49 = arith.constant 0 : index
      %get3A_50 = arith.constant 0 : index
      %get3A_51 = vector.load %arg4[%get3A_49, %get3A_50] : memref<1x16xf32, #tpu.memory_space<vmem>>, vector<1x16xf32>
      %dot_general3A_52 = arith.constant dense<0.000000e+00> : vector<1x128xf32>
      %dot_general3A_53 = tpu.matmul %get3A_51, %slice3A_14, %dot_general3A_52 {dimension_numbers = #tpu.dot_dimension_numbers<[1], [1], [0], [0], [0, 0, 1, 0], [], []>, transpose_lhs_hint = false} : vector<1x16xf32>, vector<128x16xf32>, vector<1x128xf32> -> vector<1x128xf32>
      %add3A_54 = arith.addf %add3A, %dot_general3A_53 : vector<1x128xf32>
      %mul3A = arith.constant 3.125000e-06 : f32
      %mul3A_55 = vector.broadcast %mul3A : f32 to vector<1x128xf32>
      %mul3A_56 = arith.mulf %add3A_54, %mul3A_55 : vector<1x128xf32>
      %add3A_57 = arith.addf %mul3A_56, %get3A_17 : vector<1x128xf32>
      %get3A_58 = arith.constant 0 : index
      %get3A_59 = arith.constant 0 : index
      %get3A_60 = vector.load %arg5[%get3A_58, %get3A_59] : memref<128x128xf32, #tpu.memory_space<vmem>>, vector<128x128xf32>
      %dot_general3A_61 = arith.constant dense<0.000000e+00> : vector<128x128xf32>
      %dot_general3A_62 = tpu.matmul %slice3A, %get3A_60, %dot_general3A_61 {dimension_numbers = #tpu.dot_dimension_numbers<[1], [0], [0], [1], [0, 0, 1, 1], [], []>, transpose_lhs_hint = false} : vector<128x128xf32>, vector<128x128xf32>, vector<128x128xf32> -> vector<128x128xf32>
      %dot_general3A_63 = arith.constant dense<0.000000e+00> : vector<128x128xf32>
      %dot_general3A_64 = tpu.matmul %dot_general3A_62, %slice3A, %dot_general3A_63 {dimension_numbers = #tpu.dot_dimension_numbers<[1], [1], [0], [0], [0, 0, 1, 0], [], []>, transpose_lhs_hint = false} : vector<128x128xf32>, vector<128x128xf32>, vector<128x128xf32> -> vector<128x128xf32>
      %get3A_65 = arith.constant 0 : index
      %get3A_66 = arith.constant 0 : index
      %get3A_67 = vector.load %arg6[%get3A_65, %get3A_66] : memref<128x128xf32, #tpu.memory_space<vmem>>, vector<128x128xf32>
      %dot_general3A_68 = arith.constant dense<0.000000e+00> : vector<128x128xf32>
      %dot_general3A_69 = tpu.matmul %slice3A_13, %get3A_67, %dot_general3A_68 {dimension_numbers = #tpu.dot_dimension_numbers<[1], [0], [0], [1], [0, 0, 1, 1], [], []>, transpose_lhs_hint = false} : vector<128x128xf32>, vector<128x128xf32>, vector<128x128xf32> -> vector<128x128xf32>
      %dot_general3A_70 = arith.constant dense<0.000000e+00> : vector<128x128xf32>
      %dot_general3A_71 = tpu.matmul %dot_general3A_69, %slice3A_13, %dot_general3A_70 {dimension_numbers = #tpu.dot_dimension_numbers<[1], [1], [0], [0], [0, 0, 1, 0], [], []>, transpose_lhs_hint = false} : vector<128x128xf32>, vector<128x128xf32>, vector<128x128xf32> -> vector<128x128xf32>
      %add3A_72 = arith.addf %dot_general3A_64, %dot_general3A_71 : vector<128x128xf32>
      %get3A_73 = arith.constant 0 : index
      %get3A_74 = arith.constant 0 : index
      %get3A_75 = vector.load %arg3[%get3A_73, %get3A_74] : memref<16x16xf32, #tpu.memory_space<vmem>>, vector<16x16xf32>
      %dot_general3A_76 = arith.constant dense<0.000000e+00> : vector<128x16xf32>
      %dot_general3A_77 = tpu.matmul %slice3A_14, %get3A_75, %dot_general3A_76 {dimension_numbers = #tpu.dot_dimension_numbers<[1], [0], [0], [1], [0, 0, 1, 1], [], []>, transpose_lhs_hint = false} : vector<128x16xf32>, vector<16x16xf32>, vector<128x16xf32> -> vector<128x16xf32>
      %dot_general3A_78 = arith.constant dense<0.000000e+00> : vector<128x128xf32>
      %dot_general3A_79 = tpu.matmul %dot_general3A_77, %slice3A_14, %dot_general3A_78 {dimension_numbers = #tpu.dot_dimension_numbers<[1], [1], [0], [0], [0, 0, 1, 0], [], []>, transpose_lhs_hint = false} : vector<128x16xf32>, vector<128x16xf32>, vector<128x128xf32> -> vector<128x128xf32>
      %add3A_80 = arith.addf %add3A_72, %dot_general3A_79 : vector<128x128xf32>
      %get3A_81 = arith.constant 0 : index
      %get3A_82 = arith.constant 0 : index
      %get3A_83 = vector.load %arg7[%get3A_81, %get3A_82] : memref<128x128xf32, #tpu.memory_space<vmem>>, vector<128x128xf32>
      %dot_general3A_84 = arith.constant dense<0.000000e+00> : vector<128x128xf32>
      %dot_general3A_85 = tpu.matmul %slice3A, %get3A_83, %dot_general3A_84 {dimension_numbers = #tpu.dot_dimension_numbers<[1], [0], [0], [1], [0, 0, 1, 1], [], []>, transpose_lhs_hint = false} : vector<128x128xf32>, vector<128x128xf32>, vector<128x128xf32> -> vector<128x128xf32>
      %dot_general3A_86 = arith.constant dense<0.000000e+00> : vector<128x128xf32>
      %dot_general3A_87 = tpu.matmul %dot_general3A_85, %slice3A_13, %dot_general3A_86 {dimension_numbers = #tpu.dot_dimension_numbers<[1], [1], [0], [0], [0, 0, 1, 0], [], []>, transpose_lhs_hint = false} : vector<128x128xf32>, vector<128x128xf32>, vector<128x128xf32> -> vector<128x128xf32>
      %get3A_88 = arith.constant 0 : index
      %get3A_89 = arith.constant 0 : index
      %get3A_90 = vector.load %arg8[%get3A_88, %get3A_89] : memref<128x16xf32, #tpu.memory_space<vmem>>, vector<128x16xf32>
      %dot_general3A_91 = arith.constant dense<0.000000e+00> : vector<128x16xf32>
      %dot_general3A_92 = tpu.matmul %slice3A, %get3A_90, %dot_general3A_91 {dimension_numbers = #tpu.dot_dimension_numbers<[1], [0], [0], [1], [0, 0, 1, 1], [], []>, transpose_lhs_hint = false} : vector<128x128xf32>, vector<128x16xf32>, vector<128x16xf32> -> vector<128x16xf32>
      %dot_general3A_93 = arith.constant dense<0.000000e+00> : vector<128x128xf32>
      %dot_general3A_94 = tpu.matmul %dot_general3A_92, %slice3A_14, %dot_general3A_93 {dimension_numbers = #tpu.dot_dimension_numbers<[1], [1], [0], [0], [0, 0, 1, 0], [], []>, transpose_lhs_hint = false} : vector<128x16xf32>, vector<128x16xf32>, vector<128x128xf32> -> vector<128x128xf32>
      %get3A_95 = arith.constant 0 : index
      %get3A_96 = arith.constant 0 : index
      %get3A_97 = vector.load %arg9[%get3A_95, %get3A_96] : memref<128x16xf32, #tpu.memory_space<vmem>>, vector<128x16xf32>
      %dot_general3A_98 = arith.constant dense<0.000000e+00> : vector<128x16xf32>
      %dot_general3A_99 = tpu.matmul %slice3A_13, %get3A_97, %dot_general3A_98 {dimension_numbers = #tpu.dot_dimension_numbers<[1], [0], [0], [1], [0, 0, 1, 1], [], []>, transpose_lhs_hint = false} : vector<128x128xf32>, vector<128x16xf32>, vector<128x16xf32> -> vector<128x16xf32>
      %dot_general3A_100 = arith.constant dense<0.000000e+00> : vector<128x128xf32>
      %dot_general3A_101 = tpu.matmul %dot_general3A_99, %slice3A_14, %dot_general3A_100 {dimension_numbers = #tpu.dot_dimension_numbers<[1], [1], [0], [0], [0, 0, 1, 0], [], []>, transpose_lhs_hint = false} : vector<128x16xf32>, vector<128x16xf32>, vector<128x128xf32> -> vector<128x128xf32>
      %add3A_102 = arith.addf %add3A_80, %dot_general3A_87 : vector<128x128xf32>
      %transpose3A = tpu.transpose %dot_general3A_87, [1, 0] : vector<128x128xf32> -> vector<128x128xf32>
      %add3A_103 = arith.addf %add3A_102, %transpose3A : vector<128x128xf32>
      %add3A_104 = arith.addf %add3A_103, %dot_general3A_94 : vector<128x128xf32>
      %transpose3A_105 = tpu.transpose %dot_general3A_94, [1, 0] : vector<128x128xf32> -> vector<128x128xf32>
      %add3A_106 = arith.addf %add3A_104, %transpose3A_105 : vector<128x128xf32>
      %add3A_107 = arith.addf %add3A_106, %dot_general3A_101 : vector<128x128xf32>
      %transpose3A_108 = tpu.transpose %dot_general3A_101, [1, 0] : vector<128x128xf32> -> vector<128x128xf32>
      %add3A_109 = arith.addf %add3A_107, %transpose3A_108 : vector<128x128xf32>
      %mul3A_110 = arith.constant 3.125000e-06 : f32
      %mul3A_111 = vector.broadcast %mul3A_110 : f32 to vector<128x128xf32>
      %mul3A_112 = arith.mulf %add3A_109, %mul3A_111 : vector<128x128xf32>
      %transpose3A_113 = tpu.transpose %mul3A_56, [1, 0] : vector<1x128xf32> -> vector<128x1xf32>
      %transpose3A_114 = tpu.transpose %mul3A_56, [1, 0] : vector<1x128xf32> -> vector<128x1xf32>
      %dot_general3A_115 = arith.constant dense<0.000000e+00> : vector<128x128xf32>
      %dot_general3A_116 = tpu.matmul %transpose3A_113, %transpose3A_114, %dot_general3A_115 {dimension_numbers = #tpu.dot_dimension_numbers<[1], [1], [0], [0], [0, 0, 1, 0], [], []>, transpose_lhs_hint = false} : vector<128x1xf32>, vector<128x1xf32>, vector<128x128xf32> -> vector<128x128xf32>
      %sub3A = arith.subf %mul3A_112, %dot_general3A_116 : vector<128x128xf32>
      %iota3A = tpu.iota {dimensions = array<i32: 0>} : vector<128x128xi32>
      %iota3A_117 = tpu.iota {dimensions = array<i32: 1>} : vector<128x128xi32>
      %add3A_118 = arith.constant 0 : i32
      %add3A_119 = vector.broadcast %add3A_118 : i32 to vector<128x128xi32>
      %add3A_120 = arith.addi %iota3A, %add3A_119 : vector<128x128xi32>
      %eq3A_121 = arith.cmpi eq, %add3A_120, %iota3A_117 : vector<128x128xi32>
      %convert_element_type3A_122 = arith.extui %eq3A_121 : vector<128x128xi1> to vector<128x128xi32>
      %convert_element_type3A_123 = arith.sitofp %convert_element_type3A_122 : vector<128x128xi32> to vector<128x128xf32>
      %mul3A_124 = arith.mulf %sub3A, %convert_element_type3A_123 : vector<128x128xf32>
      %reduce_sum3A = arith.constant dense<0.000000e+00> : vector<128xf32>
      %reduce_sum3A_125 = vector.multi_reduction <add>, %mul3A_124, %reduce_sum3A [1] : vector<128x128xf32> to vector<128xf32>
      %broadcast_in_dim3A = vector.shape_cast %reduce_sum3A_125 : vector<128xf32> to vector<128x1xf32>
      %transpose3A_126 = tpu.transpose %broadcast_in_dim3A, [1, 0] : vector<128x1xf32> -> vector<1x128xf32>
      %add3A_127 = arith.constant 9.99999974E-6 : f32
      %add3A_128 = vector.broadcast %add3A_127 : f32 to vector<1x128xf32>
      %add3A_129 = arith.addf %transpose3A_126, %add3A_128 : vector<1x128xf32>
      %rsqrt3A = math.rsqrt %add3A_129 : vector<1x128xf32>
      %mul3A_130 = arith.mulf %get3A_20, %rsqrt3A : vector<1x128xf32>
      %mul3A_131 = arith.mulf %add3A_57, %mul3A_130 : vector<1x128xf32>
      %sub3A_132 = arith.subf %get3A_23, %mul3A_131 : vector<1x128xf32>
      %mul3A_133 = vector.broadcast %mul3A_130 : vector<1x128xf32> to vector<128x128xf32>
      %mul3A_134 = arith.mulf %get3A_26, %mul3A_133 : vector<128x128xf32>
      %mul3A_135 = arith.mulf %add3A_57, %mul3A_130 : vector<1x128xf32>
      %add3A_136 = arith.addf %mul3A_135, %sub3A_132 : vector<1x128xf32>
      %dot_general3A_137 = arith.constant dense<0.000000e+00> : vector<1x128xf32>
      %dot_general3A_138 = tpu.matmul %add3A_136, %get3A_26, %dot_general3A_137 {dimension_numbers = #tpu.dot_dimension_numbers<[1], [1], [0], [0], [0, 0, 1, 0], [], []>, transpose_lhs_hint = false} : vector<1x128xf32>, vector<128x128xf32>, vector<1x128xf32> -> vector<1x128xf32>
      %add3A_139 = arith.addf %dot_general3A_138, %get3A_29 : vector<1x128xf32>
      %transpose3A_140 = tpu.transpose %sub3A, [1, 0] : vector<128x128xf32> -> vector<128x128xf32>
      %dot_general3A_141 = arith.constant dense<0.000000e+00> : vector<128x128xf32>
      %dot_general3A_142 = tpu.matmul %mul3A_134, %transpose3A_140, %dot_general3A_141 {dimension_numbers = #tpu.dot_dimension_numbers<[1], [1], [0], [0], [0, 0, 1, 0], [], []>, transpose_lhs_hint = false} : vector<128x128xf32>, vector<128x128xf32>, vector<128x128xf32> -> vector<128x128xf32>
      %mul3A_143 = arith.mulf %dot_general3A_142, %mul3A_134 : vector<128x128xf32>
      %reduce_sum3A_144 = arith.constant dense<0.000000e+00> : vector<128xf32>
      %reduce_sum3A_145 = vector.multi_reduction <add>, %mul3A_143, %reduce_sum3A_144 [1] : vector<128x128xf32> to vector<128xf32>
      %broadcast_in_dim3A_146 = vector.shape_cast %reduce_sum3A_145 : vector<128xf32> to vector<128x1xf32>
      %transpose3A_147 = tpu.transpose %broadcast_in_dim3A_146, [1, 0] : vector<128x1xf32> -> vector<1x128xf32>
      %add3A_148 = arith.constant 9.99999974E-6 : f32
      %add3A_149 = vector.broadcast %add3A_148 : f32 to vector<1x128xf32>
      %add3A_150 = arith.addf %transpose3A_147, %add3A_149 : vector<1x128xf32>
      %rsqrt3A_151 = math.rsqrt %add3A_150 : vector<1x128xf32>
      %mul3A_152 = arith.mulf %get3A_32, %rsqrt3A_151 : vector<1x128xf32>
      %mul3A_153 = arith.mulf %add3A_139, %mul3A_152 : vector<1x128xf32>
      %sub3A_154 = arith.subf %get3A_35, %mul3A_153 : vector<1x128xf32>
      %mul3A_155 = arith.mulf %mul3A_152, %get3A_38 : vector<1x128xf32>
      %mul3A_156 = arith.mulf %sub3A_154, %get3A_38 : vector<1x128xf32>
      %reduce_sum3A_157 = vector.shape_cast %mul3A_156 : vector<1x128xf32> to vector<1x1x128xf32>
      %reduce_sum3A_158 = arith.constant dense<0.000000e+00> : vector<1xf32>
      %reduce_sum3A_159 = vector.multi_reduction <add>, %reduce_sum3A_157, %reduce_sum3A_158 [1, 2] : vector<1x1x128xf32> to vector<1xf32>
      %reduce_sum3A_160 = vector.shape_cast %reduce_sum3A_159 : vector<1xf32> to vector<1x1x1xf32>
      %reduce_sum3A_161 = vector.extract %reduce_sum3A_160[0, 0, 0] : f32 from vector<1x1x1xf32>
      %dot_general3A_162 = arith.constant dense<0.000000e+00> : vector<1x128xf32>
      %dot_general3A_163 = tpu.matmul %mul3A_155, %mul3A_134, %dot_general3A_162 {dimension_numbers = #tpu.dot_dimension_numbers<[1], [0], [0], [1], [0, 0, 1, 1], [], []>, transpose_lhs_hint = false} : vector<1x128xf32>, vector<128x128xf32>, vector<1x128xf32> -> vector<1x128xf32>
      %dot_general3A_164 = arith.constant dense<0.000000e+00> : vector<1x128xf32>
      %dot_general3A_165 = tpu.matmul %sub3A_132, %get3A_26, %dot_general3A_164 {dimension_numbers = #tpu.dot_dimension_numbers<[1], [1], [0], [0], [0, 0, 1, 0], [], []>, transpose_lhs_hint = false} : vector<1x128xf32>, vector<128x128xf32>, vector<1x128xf32> -> vector<1x128xf32>
      %add3A_166 = arith.addf %get3A_29, %dot_general3A_165 : vector<1x128xf32>
      %mul3A_167 = arith.mulf %add3A_166, %mul3A_155 : vector<1x128xf32>
      %reduce_sum3A_168 = vector.shape_cast %mul3A_167 : vector<1x128xf32> to vector<1x1x128xf32>
      %reduce_sum3A_169 = arith.constant dense<0.000000e+00> : vector<1xf32>
      %reduce_sum3A_170 = vector.multi_reduction <add>, %reduce_sum3A_168, %reduce_sum3A_169 [1, 2] : vector<1x1x128xf32> to vector<1xf32>
      %reduce_sum3A_171 = vector.shape_cast %reduce_sum3A_170 : vector<1xf32> to vector<1x1x1xf32>
      %reduce_sum3A_172 = vector.extract %reduce_sum3A_171[0, 0, 0] : f32 from vector<1x1x1xf32>
      %add3A_173 = arith.addf %reduce_sum3A_172, %reduce_sum3A_161 : f32
      %dot_general3A_174 = arith.constant dense<0.000000e+00> : vector<1x128xf32>
      %dot_general3A_175 = tpu.matmul %dot_general3A_163, %slice3A, %dot_general3A_174 {dimension_numbers = #tpu.dot_dimension_numbers<[1], [0], [0], [1], [0, 0, 1, 1], [], []>, transpose_lhs_hint = false} : vector<1x128xf32>, vector<128x128xf32>, vector<1x128xf32> -> vector<1x128xf32>
      %dot_general3A_176 = arith.constant dense<0.000000e+00> : vector<1x128xf32>
      %dot_general3A_177 = tpu.matmul %dot_general3A_163, %slice3A_13, %dot_general3A_176 {dimension_numbers = #tpu.dot_dimension_numbers<[1], [0], [0], [1], [0, 0, 1, 1], [], []>, transpose_lhs_hint = false} : vector<1x128xf32>, vector<128x128xf32>, vector<1x128xf32> -> vector<1x128xf32>
      %dot_general3A_178 = arith.constant dense<0.000000e+00> : vector<1x16xf32>
      %dot_general3A_179 = tpu.matmul %dot_general3A_163, %slice3A_14, %dot_general3A_178 {dimension_numbers = #tpu.dot_dimension_numbers<[1], [0], [0], [1], [0, 0, 1, 1], [], []>, transpose_lhs_hint = false} : vector<1x128xf32>, vector<128x16xf32>, vector<1x16xf32> -> vector<1x16xf32>
      %mul3A_180 = arith.mulf %get3A_17, %dot_general3A_163 : vector<1x128xf32>
      %reduce_sum3A_181 = vector.shape_cast %mul3A_180 : vector<1x128xf32> to vector<1x1x128xf32>
      %reduce_sum3A_182 = arith.constant dense<0.000000e+00> : vector<1xf32>
      %reduce_sum3A_183 = vector.multi_reduction <add>, %reduce_sum3A_181, %reduce_sum3A_182 [1, 2] : vector<1x1x128xf32> to vector<1xf32>
      %reduce_sum3A_184 = vector.shape_cast %reduce_sum3A_183 : vector<1xf32> to vector<1x1x1xf32>
      %reduce_sum3A_185 = vector.extract %reduce_sum3A_184[0, 0, 0] : f32 from vector<1x1x1xf32>
      %add3A_186 = arith.addf %reduce_sum3A_185, %add3A_173 : f32
      %get3A_187 = arith.constant 0 : index
      %get3A_188 = arith.constant 0 : index
      %get3A_189 = vector.load %arg1[%get3A_187, %get3A_188] : memref<10000x128xf32, #tpu.memory_space<vmem>>, vector<10000x128xf32>
      %dot_general3A_190 = arith.constant dense<0.000000e+00> : vector<1x10000xf32>
      %dot_general3A_191 = tpu.matmul %dot_general3A_175, %get3A_189, %dot_general3A_190 {dimension_numbers = #tpu.dot_dimension_numbers<[1], [1], [0], [0], [0, 0, 1, 0], [], []>, transpose_lhs_hint = false} : vector<1x128xf32>, vector<10000x128xf32>, vector<1x10000xf32> -> vector<1x10000xf32>
      %add3A_192 = vector.broadcast %add3A_186 : f32 to vector<1x10000xf32>
      %add3A_193 = arith.addf %dot_general3A_191, %add3A_192 : vector<1x10000xf32>
      %swap3A_194 = arith.constant 0 : index
      %swap3A_195 = arith.constant 0 : index
      %swap3A_196 = vector.load %arg21[%swap3A_194, %swap3A_195] : memref<2x10000xf32, #tpu.memory_space<vmem>>, vector<1x10000xf32>
      tpu.vector_store %arg21[%swap3A_194, %swap3A_195], %add3A_193 {strides = array<i32>} : memref<2x10000xf32, #tpu.memory_space<vmem>>, vector<1x10000xf32>,
      %dot_general3A_197 = arith.constant dense<0.000000e+00> : vector<1x10000xf32>
      %dot_general3A_198 = tpu.matmul %dot_general3A_177, %get3A_189, %dot_general3A_197 {dimension_numbers = #tpu.dot_dimension_numbers<[1], [1], [0], [0], [0, 0, 1, 0], [], []>, transpose_lhs_hint = false} : vector<1x128xf32>, vector<10000x128xf32>, vector<1x10000xf32> -> vector<1x10000xf32>
      %swap3A_199 = arith.constant 1 : index
      %swap3A_200 = arith.constant 0 : index
      %swap3A_201 = vector.load %arg21[%swap3A_199, %swap3A_200] : memref<2x10000xf32, #tpu.memory_space<vmem>>, vector<1x10000xf32>
      tpu.vector_store %arg21[%swap3A_199, %swap3A_200], %dot_general3A_198 {strides = array<i32>} : memref<2x10000xf32, #tpu.memory_space<vmem>>, vector<1x10000xf32>,
      %swap3A_202 = arith.constant 0 : index
      %swap3A_203 = arith.constant 0 : index
      %swap3A_204 = vector.load %arg23[%swap3A_202, %swap3A_203] : memref<1x16xf32, #tpu.memory_space<vmem>>, vector<1x16xf32>
      tpu.vector_store %arg23[%swap3A_202, %swap3A_203], %dot_general3A_179 {strides = array<i32>} : memref<1x16xf32, #tpu.memory_space<vmem>>, vector<1x16xf32>,
    } else {
    }
    %get3A = arith.constant 0 : index
    %get3A_2 = arith.constant 0 : index
    %get3A_3 = vector.load %arg23[%get3A, %get3A_2] : memref<1x16xf32, #tpu.memory_space<vmem>>, vector<1x16xf32>
    %get3A_4 = arith.constant 0 : index
    %get3A_5 = arith.constant 0 : index
    %get3A_6 = vector.load %arg2[%get3A_4, %get3A_5] : memref<16000x16xf32, #tpu.memory_space<vmem>>, vector<16000x16xf32>
    %dot_general3A = arith.constant dense<0.000000e+00> : vector<1x16000xf32>
    %dot_general3A_7 = tpu.matmul %get3A_3, %get3A_6, %dot_general3A {dimension_numbers = #tpu.dot_dimension_numbers<[1], [1], [0], [0], [0, 0, 1, 0], [], []>, transpose_lhs_hint = false} : vector<1x16xf32>, vector<16000x16xf32>, vector<1x16000xf32> -> vector<1x16000xf32>
    %swap3A = arith.constant 0 : index
    %swap3A_8 = arith.constant 0 : index
    %swap3A_9 = vector.load %arg22[%swap3A, %swap3A_8] : memref<1x16000xf32, #tpu.memory_space<vmem>>, vector<1x16000xf32>
    tpu.vector_store %arg22[%swap3A, %swap3A_8], %dot_general3A_7 {strides = array<i32>} : memref<1x16000xf32, #tpu.memory_space<vmem>>, vector<1x16000xf32>,
    return
  }
  func.func @transform_0(%arg0: i32) -> (i32, i32) {
    %c0_i32 = arith.constant 0 : i32
    %c0_i32_0 = arith.constant 0 : i32
    %c0_i32_1 = arith.constant 0 : i32
    return %c0_i32, %c0_i32_0 : i32, i32
  }
  func.func @transform_1(%arg0: i32) -> (i32, i32) {
    %c0_i32 = arith.constant 0 : i32
    %c0_i32_0 = arith.constant 0 : i32
    return %arg0, %c0_i32 : i32, i32
  }
  func.func @transform_2(%arg0: i32) -> (i32, i32) {
    %c0_i32 = arith.constant 0 : i32
    %c0_i32_0 = arith.constant 0 : i32
    %c0_i32_1 = arith.constant 0 : i32
    return %c0_i32, %c0_i32_0 : i32, i32
  }
  func.func @transform_3(%arg0: i32) -> (i32, i32) {
    %c0_i32 = arith.constant 0 : i32
    %c0_i32_0 = arith.constant 0 : i32
    %c0_i32_1 = arith.constant 0 : i32
    return %c0_i32, %c0_i32_0 : i32, i32
  }
  func.func @transform_4(%arg0: i32) -> (i32, i32) {
    %c0_i32 = arith.constant 0 : i32
    %c0_i32_0 = arith.constant 0 : i32
    %c0_i32_1 = arith.constant 0 : i32
    return %c0_i32, %c0_i32_0 : i32, i32
  }
  func.func @transform_5(%arg0: i32) -> (i32, i32) {
    %c0_i32 = arith.constant 0 : i32
    %c0_i32_0 = arith.constant 0 : i32
    %c0_i32_1 = arith.constant 0 : i32
    return %c0_i32, %c0_i32_0 : i32, i32
  }
  func.func @transform_6(%arg0: i32) -> (i32, i32) {
    %c0_i32 = arith.constant 0 : i32
    %c0_i32_0 = arith.constant 0 : i32
    %c0_i32_1 = arith.constant 0 : i32
    return %c0_i32, %c0_i32_0 : i32, i32
  }
  func.func @transform_7(%arg0: i32) -> (i32, i32) {
    %c0_i32 = arith.constant 0 : i32
    %c0_i32_0 = arith.constant 0 : i32
    %c0_i32_1 = arith.constant 0 : i32
    return %c0_i32, %c0_i32_0 : i32, i32
  }
  func.func @transform_8(%arg0: i32) -> (i32, i32) {
    %c0_i32 = arith.constant 0 : i32
    %c0_i32_0 = arith.constant 0 : i32
    %c0_i32_1 = arith.constant 0 : i32
    return %c0_i32, %c0_i32_0 : i32, i32
  }
  func.func @transform_9(%arg0: i32) -> (i32, i32) {
    %c0_i32 = arith.constant 0 : i32
    %c0_i32_0 = arith.constant 0 : i32
    %c0_i32_1 = arith.constant 0 : i32
    return %c0_i32, %c0_i32_0 : i32, i32
  }
  func.func @transform_10(%arg0: i32) -> (i32, i32) {
    %c0_i32 = arith.constant 0 : i32
    %c0_i32_0 = arith.constant 0 : i32
    %c0_i32_1 = arith.constant 0 : i32
    return %c0_i32, %c0_i32_0 : i32, i32
  }
  func.func @transform_11(%arg0: i32) -> (i32, i32) {
    %c0_i32 = arith.constant 0 : i32
    %c0_i32_0 = arith.constant 0 : i32
    %c0_i32_1 = arith.constant 0 : i32
    return %c0_i32, %c0_i32_0 : i32, i32
  }
  func.func @transform_12(%arg0: i32) -> (i32, i32) {
    %c0_i32 = arith.constant 0 : i32
    %c0_i32_0 = arith.constant 0 : i32
    %c0_i32_1 = arith.constant 0 : i32
    return %c0_i32, %c0_i32_0 : i32, i32
  }
  func.func @transform_13(%arg0: i32) -> (i32, i32) {
    %c0_i32 = arith.constant 0 : i32
    %c0_i32_0 = arith.constant 0 : i32
    %c0_i32_1 = arith.constant 0 : i32
    return %c0_i32, %c0_i32_0 : i32, i32
  }
  func.func @transform_14(%arg0: i32) -> (i32, i32) {
    %c0_i32 = arith.constant 0 : i32
    %c0_i32_0 = arith.constant 0 : i32
    %c0_i32_1 = arith.constant 0 : i32
    return %c0_i32, %c0_i32_0 : i32, i32
  }
  func.func @transform_15(%arg0: i32) -> (i32, i32) {
    %c0_i32 = arith.constant 0 : i32
    %c0_i32_0 = arith.constant 0 : i32
    %c0_i32_1 = arith.constant 0 : i32
    return %c0_i32, %c0_i32_0 : i32, i32
  }
  func.func @transform_16(%arg0: i32) -> (i32, i32) {
    %c0_i32 = arith.constant 0 : i32
    %c0_i32_0 = arith.constant 0 : i32
    %c0_i32_1 = arith.constant 0 : i32
    return %c0_i32, %c0_i32_0 : i32, i32
  }
  func.func @transform_17(%arg0: i32) -> (i32, i32) {
    %c0_i32 = arith.constant 0 : i32
    %c0_i32_0 = arith.constant 0 : i32
    %c0_i32_1 = arith.constant 0 : i32
    return %c0_i32, %c0_i32_0 : i32, i32
  }
  func.func @transform_18(%arg0: i32) -> (i32, i32) {
    %c0_i32 = arith.constant 0 : i32
    %c0_i32_0 = arith.constant 0 : i32
    %c0_i32_1 = arith.constant 0 : i32
    return %c0_i32, %c0_i32_0 : i32, i32
  }
  func.func @transform_19(%arg0: i32) -> (i32, i32) {
    %c0_i32 = arith.constant 0 : i32
    %c0_i32_0 = arith.constant 0 : i32
    %c0_i32_1 = arith.constant 0 : i32
    return %c0_i32, %c0_i32_0 : i32, i32
  }
  func.func @transform_20(%arg0: i32) -> (i32, i32) {
    %c0_i32 = arith.constant 0 : i32
    %c0_i32_0 = arith.constant 0 : i32
    %c0_i32_1 = arith.constant 0 : i32
    return %c0_i32, %c0_i32_0 : i32, i32
  }
  func.func @transform_21(%arg0: i32) -> (i32, i32) {
    %c0_i32 = arith.constant 0 : i32
    %c0_i32_0 = arith.constant 0 : i32
    return %c0_i32, %arg0 : i32, i32
  }
}

module attributes {stable_mosaic.version = 14 : i64} {
  func.func @body(%arg0: memref<10000x3xf32, #tpu.memory_space<vmem>>, %arg1: memref<2x10000x16xf32, #tpu.memory_space<vmem>>, %arg2: memref<10000x3xf32, #tpu.memory_space<vmem>>) attributes {dimension_semantics = [], scalar_prefetch = 0 : i64, scratch_operands = 0 : i64, tpu.core_type = #tpu.core_type<tc>} {
    %get3A = arith.constant 0 : index
    %get3A_0 = arith.constant 0 : index
    %get3A_1 = arith.constant 0 : index
    %get3A_2 = vector.load %arg1[%get3A, %get3A_0, %get3A_1] : memref<2x10000x16xf32, #tpu.memory_space<vmem>>, vector<1x10000x16xf32>
    %get3A_3 = vector.shape_cast %get3A_2 : vector<1x10000x16xf32> to vector<10000x16xf32>
    %get3A_4 = arith.constant 1 : index
    %get3A_5 = arith.constant 0 : index
    %get3A_6 = arith.constant 0 : index
    %get3A_7 = vector.load %arg1[%get3A_4, %get3A_5, %get3A_6] : memref<2x10000x16xf32, #tpu.memory_space<vmem>>, vector<1x10000x16xf32>
    %get3A_8 = vector.shape_cast %get3A_7 : vector<1x10000x16xf32> to vector<10000x16xf32>
    %add3A = arith.addf %get3A_3, %get3A_8 : vector<10000x16xf32>
    %get3A_9 = arith.constant 0 : index
    %get3A_10 = arith.constant 0 : index
    %get3A_11 = vector.load %arg0[%get3A_9, %get3A_10] : memref<10000x3xf32, #tpu.memory_space<vmem>>, vector<10000x3xf32>
    %slice3A = vector.extract_strided_slice %add3A {offsets = [0, 0], sizes = [10000, 3], strides = [1, 1]} : vector<10000x16xf32> to vector<10000x3xf32>
    %mul3A = arith.constant 0.00999999977 : f32
    %mul3A_12 = vector.broadcast %mul3A : f32 to vector<10000x3xf32>
    %mul3A_13 = arith.mulf %slice3A, %mul3A_12 : vector<10000x3xf32>
    %add3A_14 = arith.addf %get3A_11, %mul3A_13 : vector<10000x3xf32>
    %swap3A = arith.constant 0 : index
    %swap3A_15 = arith.constant 0 : index
    %swap3A_16 = vector.load %arg2[%swap3A, %swap3A_15] : memref<10000x3xf32, #tpu.memory_space<vmem>>, vector<10000x3xf32>
    tpu.vector_store %arg2[%swap3A, %swap3A_15], %add3A_14 {strides = array<i32>} : memref<10000x3xf32, #tpu.memory_space<vmem>>, vector<10000x3xf32>,
    return
  }
}

</mosaic_0001>

<sc_bundles>
// kernel: kernel.10.cloned.1.call-start
scs
__scs_entry_jumppad:
0x0: {  	(pc) =	sbr.rel $0x88, $3  }
0x1: {  	(tag) =	ssettag $0x0;
	lr =	simm.s32 $0x1  }
0x2: {  	[smem:$0x3F93] =	sst lr;
	_ =	strace $0xD0000000  }
0x3: {  	_ = 	snop  }
0x4: {  	_ = 	snop  }
0x5: {  	_ = 	snop  }
0x6: {  	_ = 	snop  }
0x7: {  	_ = 	snop  }
__scs_overlays_trampoline_lowered:
0x8: {  	[smem:$0x3FA2] =	sst s0  }
0x9: {  	[smem:$0x3FA3] =	sst s1  }
0xa: {  	[smem:$0x3FA4] =	sst s2  }
0xb: {  	[smem:$0x3FA5] =	sst s3  }
0xc: {  	[smem:$0x3FA6] =	sst s4  }
0xd: {  	[smem:$0x3FA7] =	sst s5  }
0xe: {  	[smem:$0x3FA8] =	sst s6  }
0xf: {  	[smem:$0x3FA9] =	sst s7  }
0x10: {  	[smem:$0x3FAA] =	sst s8  }
0x11: {  	[smem:$0x3FAB] =	sst s9;
	s0 =	simm.s32 @!p0 $0x0  }
0x12: {  	s1 =	sld [smem:$0x3F91];
	s0 =	simm.s32 @p0 $0x1  }
0x13: {  	[smem:$0x3FAC] =	sst s0;
	s0 =	simm.s32 @!p1 $0x0  }
0x14: {  	s2 =	sld [smem:$0x3F90];
	s0 =	simm.s32 @p1 $0x1  }
0x15: {  	[smem:$0x3FAD] =	sst s0;
	s0 =	simm.s32 @!p2 $0x0  }
0x16: {  	s3 =	sld [smem:$0x3FDB];
	s0 =	simm.s32 @p2 $0x1  }
0x17: {  	s4 =	simm.s32 $0x1BF5;
	[smem:$0x3FAF] =	sst s0  }
0x18: {  	s0 =	sld [smem:$0x3F92];
	_ =	swait.ge [sflag:s4], $0x0  }
0x19: {  	s7 =	sld [smem:$0x3F93]  }
0x1a: {  	s8 =	sadd.s32 $0xFFFFE003, lr  }
0x1b: {  	s9 =	sadd.s32 $0xFFFFFEF7, lr;
	s5 =	simm.s32 $0xFFFFFFFF;
	p2 =	slt.u32 s8, $0xFFFFF086  }
0x1c: {  	p1 =	slt.u32 s9, $0xF7A;
	s5 =	simm.s32 @!p2 $0x0  }
0x1d: {  	s5 =	simm.s32 @p1 $0x1;
	p0 =	seq.s32 s7, s2  }
0x1e: {  	s7 =	smul.u32 @!p0 $0xF7A, s2;
	p2 =	seq.s32 @!p0 s5, $0x0  }
0x1f: {  	s9 =	smul.u32 $0xF7A, s1;
	s8 =	simm.s32 @!p0 $0x1BF5;
	p2 =	por !p2, p0  }
0x20: {  	[sflag:s8] =	ssyncset.s32 @!p0 $0xFFFFF086;
	s6 =	sadd.s32 @!p0 s3, s7;
	s7 =	simm.s32 @!p0 $0x108  }
0x21: {  	s3 =	sadd.s32 s3, s9;
	s6 =	sadd.s32 @!p0 $0x88, s6;
	s7 =	simm.s32 @p2 $0x1082  }
0x22: {  	[simem:s7], [sflag:s8] =	dma.local @!p0 [hbm:s6], $0xF7A  }
0x23: {  	s9 =	sor.u32 $0xD0000000, s2;
	s6 =	simm.s32 $0x108;
	_ =	swait.ge @!p0 [sflag:s8], $0x0  }
0x24: {  	s3 =	sadd.s32 $0x88, s3;
	s6 =	simm.s32 @!p1 $0x1082;
	[sflag:s4] =	ssyncset.s32 $0xFFFFF086  }
0x25: {  	[simem:s6], [sflag:s4] =	dma.local [hbm:s3], $0xF7A  }
0x26: {  	[smem:$0x3F93] =	sst s1;
	(tag) =	ssettag s2;
	_ =	strace s9  }
0x27: {  	s1 =	sld [smem:$0x3FA3]  }
0x28: {  	s2 =	sld [smem:$0x3FA4]  }
0x29: {  	s4 =	sld [smem:$0x3FA6]  }
0x2a: {  	p0 =	seq.s32 s5, $0x0;
	s5 =	sld [smem:$0x3FA7]  }
0x2b: {  	s6 =	sld [smem:$0x3FA8]  }
0x2c: {  	s7 =	sld [smem:$0x3FA9]  }
0x2d: {  	s3 =	simm.s32 $0x108;
	s8 =	sld [smem:$0x3FAA]  }
0x2e: {  	s3 =	simm.s32 @!p0 $0x1082;
	s9 =	sld [smem:$0x3FAB]  }
0x2f: {  	lr =	sadd.s32 s0, s3;
	s0 =	sld [smem:$0x3FA2]  }
0x30: {  	s3 =	sld [smem:$0x3FA5]  }
0x31: {  	[smem:$0x3FAE] =	sst s10  }
0x32: {  	s10 =	sld [smem:$0x3FAC];
	_ =	sdelay $0x3  }
0x33: {  	p0 =	seq.s32 s10, $0x1;
	s10 =	sld [smem:$0x3FAE];
	_ =	sdelay $0x3  }
0x34: {  	[smem:$0x3FAE] =	sst s10  }
0x35: {  	s10 =	sld [smem:$0x3FAD];
	_ =	sdelay $0x3  }
0x36: {  	p1 =	seq.s32 s10, $0x1;
	s10 =	sld [smem:$0x3FAE];
	_ =	sdelay $0x3  }
0x37: {  	[smem:$0x3FAE] =	sst s10  }
0x38: {  	s10 =	sld [smem:$0x3FAF]  }
0x39: {  	_ = 	snop;
	(pc) =	sbr.ind lr, $3  }
0x3a: {  	_ = 	snop  }
0x3b: {  	_ = 	snop  }
0x3c: {  	p2 =	seq.s32 s10, $0x1;
	s10 =	sld [smem:$0x3FAE]  }
0x3d: {  	_ =	shalt  }
0x3e: {  	_ =	shalt  }
0x3f: {  	_ =	shalt  }
0x40: {  	_ =	shalt  }
0x41: {  	_ =	shalt  }
0x42: {  	_ =	shalt  }
0x43: {  	_ =	shalt  }
0x44: {  	_ =	shalt  }
0x45: {  	_ =	shalt  }
0x46: {  	_ =	shalt  }
0x47: {  	_ =	shalt  }
0x48: {  	_ =	shalt  }
0x49: {  	_ =	shalt  }
0x4a: {  	_ =	shalt  }
0x4b: {  	_ =	shalt  }
0x4c: {  	_ =	shalt  }
0x4d: {  	_ =	shalt  }
0x4e: {  	_ =	shalt  }
0x4f: {  	_ =	shalt  }
0x50: {  	_ =	shalt  }
0x51: {  	_ =	shalt  }
0x52: {  	_ =	shalt  }
0x53: {  	_ =	shalt  }
0x54: {  	_ =	shalt  }
0x55: {  	_ =	shalt  }
0x56: {  	_ =	shalt  }
0x57: {  	_ =	shalt  }
0x58: {  	_ =	shalt  }
0x59: {  	_ =	shalt  }
0x5a: {  	_ =	shalt  }
0x5b: {  	_ =	shalt  }
0x5c: {  	_ =	shalt  }
0x5d: {  	_ =	shalt  }
0x5e: {  	_ =	shalt  }
0x5f: {  	_ =	shalt  }
0x60: {  	_ =	shalt  }
0x61: {  	_ =	shalt  }
0x62: {  	_ =	shalt  }
0x63: {  	_ =	shalt  }
0x64: {  	_ =	shalt  }
0x65: {  	_ =	shalt  }
0x66: {  	_ =	shalt  }
0x67: {  	_ =	shalt  }
0x68: {  	_ =	shalt  }
0x69: {  	_ =	shalt  }
0x6a: {  	_ =	shalt  }
0x6b: {  	_ =	shalt  }
0x6c: {  	_ =	shalt  }
0x6d: {  	_ =	shalt  }
0x6e: {  	_ =	shalt  }
0x6f: {  	_ =	shalt  }
0x70: {  	_ =	shalt  }
0x71: {  	_ =	shalt  }
0x72: {  	_ =	shalt  }
0x73: {  	_ =	shalt  }
0x74: {  	_ =	shalt  }
0x75: {  	_ =	shalt  }
0x76: {  	_ =	shalt  }
0x77: {  	_ =	shalt  }
0x78: {  	_ =	shalt  }
0x79: {  	_ =	shalt  }
0x7a: {  	_ =	shalt  }
0x7b: {  	_ =	shalt  }
0x7c: {  	_ =	shalt  }
0x7d: {  	_ =	shalt  }
0x7e: {  	_ =	shalt  }
0x7f: {  	_ =	shalt  }
0x80: {  	_ =	shalt  }
0x81: {  	_ =	shalt  }
0x82: {  	_ =	shalt  }
0x83: {  	_ =	shalt  }
0x84: {  	_ =	shalt  }
0x85: {  	_ =	shalt  }
0x86: {  	_ =	shalt  }
0x87: {  	_ =	shalt  }
.Lfunc_end0:
.L_simem_size_0:
called_computation.1_lowered:
.L_overlay_start_0:
0x88: {  	s2 =	sld [smem:$0x3FD9]  }
0x89: {  	s3 =	sld [smem:$0x3FFE];
	_ =	sdelay $0x1  }
0x8a: {  	s1 =	srdreg.scid  }
0x8b: {  	s0 =	sand.u32 $0x1, s1  }
0x8c: {  	s17 =	sshll.u32 s0, $0xA;
	s2 =	sadd.s32 s3, s2  }
0x8d: {  	s2 =	sadd.s32 s2, s17  }
0x8e: {  	[smem:$0x3FBA] =	sst s2  }
0x8f: {  	_ = 	snop  }
0x90: {  	s2 =	sld [smem:$0x3FD0];
	(tm) =	ssettm $0x1  }
0x91: {  	s18 =	sld [smem:$0x3FFB];
	_ =	sdelay $0x3  }
0x92: {  	_ =	strace s18  }
0x93: {  	s3 =	sld [smem:$0x3FFC];
	_ =	sdelay $0x3  }
0x94: {  	_ =	strace s3  }
0x95: {  	s3 =	sld [smem:$0x3FFD];
	_ =	sdelay $0x3  }
0x96: {  	_ =	strace s3  }
0x97: {  	_ =	strace $0x8FFFFFFF  }
0x98: {  	s19 =	sld [smem:$0x3FDB];
	_ =	sdelay $0x1  }
0x99: {  	s4 =	simm.s32 $_scs_section_size  }
0x9a: {  	s5 =	simm.s32 $_size__tile_overlayer_lowered;
	s6 =	simm.s32 $_tile_overlayer_lowered  }
0x9b: {  	s22 =	simm.s32 $0x1BFF;
	s21 =	sshll.u32 s6, $0x1;
	s3 =	sadd.s32 s4, s19  }
0x9c: {  	s7 =	simm.s32 $0x0;
	s20 =	sshll.u32 s5, $0x1;
	s5 =	sadd.s32 s21, s3  }
0x9d: {  	[timem:s7], [sflag:s22] =	dma.local [hbm:s5], s20  }
0x9e: {  	_ =	swait.ge [sflag:s22], s20  }
0x9f: {  	s4 =	ssub.s32 $0x0, s20;
	[sflag:s22] =	ssyncset.done $0x0  }
0xa0: {  	[sflag:s22] =	ssyncadd.s32 s4;
	_ =	sdelay $0x1  }
0xa1: {  	s23 =	simm.s32 $0x1B8B  }
0xa2: {  	_ =	swait.ge [sflag:s23], $0x1  }
0xa3: {  	[sflag:s23] =	ssyncset.done $0x0  }
0xa4: {  	s25 =	simm.s32 $0x1B8E;
	s24 =	sld [smem:$0x3FFE];
	[sflag:s23] =	ssyncadd.s32 $0xFFFFFFFF  }
0xa5: {  	s26 =	simm.s32 $execute0_lowered;
	[smem:$0x3FD2] =	sst s25  }
0xa6: {  	s5 =	sshll.u32 s26, $0x1;
	_ =	strace $0x80000049;
	[dreg:$0x1] =	wrdreg $0xFFFFFFFF  }
0xa7: {  	s28 =	simm.s32 $_size_execute0_lowered;
	s3 =	sadd.s32 s3, s5;
	[dreg:$0x0] =	wrdreg $0x0  }
0xa8: {  	s5 =	sshll.u32 s28, $0x1;
	[dreg:$0x2] =	wrdreg s3  }
0xa9: {  	[dreg:$0x3] =	wrdreg s5  }
0xaa: {  	[dreg:$0x4] =	wrdreg $0xC0  }
0xab: {  	_ =	task [dreg:s7], $0x5FFFF  }
0xac: {  	[dreg:$0x1] =	wrdreg $0xFFFFFFFF  }
0xad: {  	[dreg:$0x0] =	wrdreg $0x60  }
0xae: {  	[dreg:$0x2] =	wrdreg s24  }
0xaf: {  	[dreg:$0x3] =	wrdreg s2  }
0xb0: {  	[dreg:$0x4] =	wrdreg $0x0  }
0xb1: {  	[dreg:$0x5] =	wrdreg $0x9  }
0xb2: {  	_ =	task.clear_ibuf [dreg:s7], $0x6FFFF;
	_ =	strace $0x90000049  }
0xb3: {  	s29 =	simm.s32 $0x9;
	_ =	strace $0x8000004B  }
0xb4: {  	_ =	swait.ge [sflag:s29], $0x1  }
0xb5: {  	[sflag:s29] =	ssyncadd.s32 $0xFFFFFFFF  }
0xb6: {  	_ =	strace $0x9000004B  }
0xb7: {  	_ =	sfence  }
0xb8: {  	s30 =	sld [smem:$0x0];
	_ =	sdelay $0x2  }
0xb9: {  	s31 =	sshll.u32 s1, $0xD;
	s1 =	sshrl.u32 s1, $0x2  }
0xba: {  	s3 =	sand.u32 $0x4000, s31;
	s1 =	sadd.s32 s1, s30  }
0xbb: {  	s0 =	sor.u32 s3, s0;
	s1 =	sshll.u32 s1, $0x11  }
0xbc: {  	s0 =	sor.u32 s1, s0  }
0xbd: {  	s0 =	sadd.s32 $0x8F2B, s0  }
0xbe: {  	[sflag:s0] =	ssyncadd.remote.s32 $0x1  }
0xbf: {  	_ =	sfence.sel $0xFFFF  }
0xc0: {  	[dreg:$0x0] =	wrdreg $0xFFFFFFFF;
	(pc) =	sbr.abs _section_cstart, $3  }
0xc1: {  	[dreg:$0x1] =	wrdreg $0xFFFFFFFF  }
0xc2: {  	_ =	task.clear_ibuf [dreg:s7], $0x2FFFF;
	_ =	strace $0x9FFFFFFF  }
0xc3: {  	(tm) =	ssettm $0x7FFFFFFF  }
tec
execute0_lowered:
.L_overlay_start_1:
0x0: {  	(tag) =	ssettag $0x1  }
0x1: {  	s0 =	rddreg [dreg:$0x0]  }
0x2: {  	s2 =	rddreg [dreg:$0x2];
	s3 =	simm.s32 $0x0  }
0x3: {  	s1 =	srdreg.scid;
	s15 =	stileid.u32;
	s28 =	simm.s32 $0x2710  }
0x4: {  	s29 =	simm.s32 $0x4E20;
	s30 =	simm.s32 $0x0;
	[smem:$0x7FF] =	sst s3  }
0x5: {  	s4 =	sadd.s32 $0xC200, s0;
	s6 =	sadd.s32 $0x2400, s0;
	s5 =	sadd.s32 $0x16600, s0  }
0x6: {  	s1 =	sand.u32 $0x1, s1;
	s18 =	sadd.s32 $0x16000, s0;
	s10 =	sadd.s32 $0x5AA800, s0  }
0x7: {  	s9 =	sadd.s32 $0x16C00, s0;
	s7 =	smul.u32 $0x3E80, s15;
	s11 =	sadd.s32 $0x5A0A00, s0  }
0x8: {  	s12 =	sadd.s32 $0x596C00, s0;
	s14 =	smul.u32 $0xFA00, s15;
	s8 =	sshll.u32 s1, $0x4  }
0x9: {  	_ =	strace $0x8000004A;
	s19 =	smul.u32 $0x27100, s1;
	s8 =	sor.u32 s15, s8  }
0xa: {  	[dreg:$0x4] =	wrdreg s5;
	s1 =	ssub.s32 $0x2, s1;
	s13 =	smul.u32 $0x2710, s8  }
0xb: {  	p0 =	sgt.u32 s15, $0x9;
	[dreg:$0x5] =	wrdreg s18;
	s20 =	sshrl.u32 s1, $0x1  }
0xc: {  	s21 =	sshrl.u32 s14, $0x2;
	s5 =	sadd.s32 s7, s19;
	s22 =	sshrl.u32 s13, $0x3  }
0xd: {  	s1 =	ssub.s32 s1, s20;
	s7 =	sadd.s32 s7, s2;
	s23 =	sadd.s32 s4, s22  }
0xe: {  	s5 =	sshrl.u32 s5, $0x3;
	s24 =	sadd.s32 s6, s22;
	[dreg:$0x6] =	wrdreg s23  }
0xf: {  	s0 =	sadd.s32 s5, s0;
	s25 =	sadd.s32 s9, s22;
	[dreg:$0x7] =	wrdreg s24  }
0x10: {  	s5 =	sadd.s32 s21, s2;
	s26 =	sadd.s32 s10, s22;
	[dreg:$0x8] =	wrdreg s25  }
0x11: {  	s31 =	sadd.s32 s11, s22;
	s8 =	sadd.s32 s12, s22;
	[dreg:$0x9] =	wrdreg s26  }
0x12: {  	s20 =	sadd.s32 $0x20A00, s0;
	s0 =	sshll.u32 @!p0 s15, $0x6;
	[dreg:$0xa] =	wrdreg s31  }
0x13: {  	s21 =	smax.u32 s1, $0x1;
	[dreg:$0xb] =	wrdreg s8;
	s22 =	sor.u32 @!p0 $0x1C02, s0  }
0x14: {  	v0 =	vlaneseq.u32;
	s23 =	sshrl.u32 @!p0 s5, $0x3;
	s24 =	simm.s32 $0xD2F0;
	s25 =	sshrl.u32 @!p0 s7, $0x3  }
0x15: {  	v0 =	vmul.u32 $0x10, v0;
	s26 =	simm.s32 $0x2;
	s0 =	simm.s32 $0x1;
	s5 =	simm.s32 $0x7D0  }
.LBB2_1:
0x16: {  	s7 =	rddreg [dreg:$0x1];
	s1 =	simm.s32 @!p0 $0x2  }
0x17: {  	[spmem:s23], [sflag:s22] =	dma.local @!p0 [hbm:s7], $0x7D0  }
0x18: {  	_ =	swait.ge @!p0 [sflag:s1], $0x7D0  }
0x19: {  	[sflag:s1] =	ssyncset.done @!p0 $0x0  }
0x1a: {  	[sflag:s1] =	ssyncadd.s32 @!p0 $0xFFFFF830  }
0x1b: {  	[tilespmem:s24], [sflag:$0x2] =	stream.linear.gather [hbm4b:s7+s3], $0x7D00, $0x38;
	[tilespmem:$0x14FF0] =	vst v63  }
0x1c: {  	_ =	swait.ge [sflag:s26], $0x7D00  }
0x1d: {  	[sflag:s26] =	ssyncset.done $0x0  }
0x1e: {  	s14 =	rddreg [dreg:$0x4];
	[sflag:s26] =	ssyncadd.s32 $0xFFFF8300  }
0x1f: {  	[tilespmem:s28], [sflag:$0x2] =	stream.linear.gather [hbm4b:s14+s3], $0x2710, $0x38;
	[tilespmem:$0x14FF0] =	vst v63  }
0x20: {  	_ =	swait.ge [sflag:s26], $0x2710  }
0x21: {  	[sflag:s26] =	ssyncset.done $0x0  }
0x22: {  	s15 =	rddreg [dreg:$0x5];
	[sflag:s26] =	ssyncadd.s32 $0xFFFFD8F0  }
0x23: {  	[tilespmem:s29], [sflag:$0x2] =	stream.linear.gather [hbm4b:s15+s3], $0x2710, $0x38;
	[tilespmem:$0x14FF0] =	vst v63  }
0x24: {  	_ =	swait.ge [sflag:s26], $0x2710  }
0x25: {  	[sflag:s26] =	ssyncset.done $0x0  }
0x26: {  	[sflag:s26] =	ssyncadd.s32 $0xFFFFD8F0  }
0x27: {  	[bflag:$0x0] =	sbarrier.arrive $0xFFFF  }
0x28: {  	s17 =	simm.s32 $0x7530;
	s16 =	rddreg [dreg:$0x6]  }
0x29: {  	[tilespmem:s17], [sflag:$0x1] =	stream.linear.gather [hbm4b:s16+s3], $0x7D0, $0x38;
	[tilespmem:$0x14FF0] =	vst v63  }
0x2a: {  	s19 =	simm.s32 $0x84D0;
	s18 =	rddreg [dreg:$0x7]  }
0x2b: {  	[tilespmem:s19], [sflag:$0x1] =	stream.linear.gather [hbm4b:s18+s3], $0x7D0, $0x38;
	[tilespmem:$0x14FF0] =	vst v63  }
0x2c: {  	s8 =	simm.s32 $0x9470;
	s7 =	rddreg [dreg:$0x8]  }
0x2d: {  	[tilespmem:s8], [sflag:$0x1] =	stream.linear.gather [hbm4b:s7+s3], $0x7D0, $0x38;
	[tilespmem:$0x14FF0] =	vst v63  }
0x2e: {  	s15 =	simm.s32 $0xA410;
	s14 =	rddreg [dreg:$0x9]  }
0x2f: {  	[tilespmem:s15], [sflag:$0x1] =	stream.linear.gather [hbm4b:s14+s3], $0x7D0, $0x38;
	[tilespmem:$0x14FF0] =	vst v63  }
0x30: {  	p1 =	por $0x0, $0x0;
	s16 =	rddreg [dreg:$0xa];
	s17 =	simm.s32 $0xB3B0  }
0x31: {  	[tilespmem:s17], [sflag:$0x1] =	stream.linear.gather [hbm4b:s16+s3], $0x7D0, $0x38;
	[tilespmem:$0x14FF0] =	vst v63  }
0x32: {  	s31 =	simm.s32 $0x0;
	s18 =	rddreg [dreg:$0xb];
	s19 =	simm.s32 $0xC350  }
0x33: {  	[tilespmem:s19], [sflag:$0x1] =	stream.linear.gather [hbm4b:s18+s3], $0x7D0, $0x38;
	[tilespmem:$0x14FF0] =	vst v63  }
.LBB2_2:
0x34: {  	_ =	swait.ge [sflag:s0], $0x7D0  }
0x35: {  	[sflag:s0] =	ssyncset.done $0x0  }
0x36: {  	[sflag:s0] =	ssyncadd.s32 $0xFFFFF830  }
0x37: {  	_ =	swait.ge [sflag:s0], $0x7D0  }
0x38: {  	[sflag:s0] =	ssyncset.done $0x0  }
0x39: {  	[sflag:s0] =	ssyncadd.s32 $0xFFFFF830  }
0x3a: {  	_ =	swait.ge [sflag:s0], $0x7D0  }
0x3b: {  	[sflag:s0] =	ssyncset.done $0x0  }
0x3c: {  	[sflag:s0] =	ssyncadd.s32 $0xFFFFF830  }
0x3d: {  	_ =	swait.ge [sflag:s0], $0x7D0  }
0x3e: {  	[sflag:s0] =	ssyncset.done $0x0  }
0x3f: {  	s1 =	smov.u32 s31;
	s31 =	sadd.s32 $0x1, s31;
	[sflag:s0] =	ssyncadd.s32 $0xFFFFF830  }
0x40: {  	s8 =	simm.s32 $0x1;
	p2 =	seq.s32 s1, $0x4;
	_ =	swait.ge [sflag:s0], $0x7D0  }
0x41: {  	s7 =	sand.u32 $0x1, s1;
	s1 =	smul.u32 @!p2 $0x7D0, s31;
	[sflag:s0] =	ssyncset.done $0x0  }
0x42: {  	s8 =	simm.s32 @!p1 $0x0;
	s14 =	sxor.u32 @!p2 $0x1, s7;
	[sflag:s0] =	ssyncadd.s32 $0xFFFFF830  }
0x43: {  	s14 =	smul.u32 @!p2 $0x7D0, s14;
	s1 =	sadd.s32 @!p2 s13, s1;
	_ =	swait.ge [sflag:s0], $0x7D0  }
0x44: {  	s17 =	simm.s32 @!p2 $0x0;
	s1 =	sshrl.u32 @!p2 s1, $0x3;
	[sflag:s0] =	ssyncset.done $0x0  }
0x45: {  	s15 =	sadd.s32 @!p2 $0x7530, s14;
	s16 =	sadd.s32 @!p2 s4, s1;
	[sflag:s0] =	ssyncadd.s32 $0xFFFFF830  }
0x46: {  	[tilespmem:s15], [sflag:$0x1] =	stream.linear.gather @!p2 [hbm4b:s16+s17], $0x7D0, $0x38;
	[tilespmem:$0x14FF0] =	vst v63  }
0x47: {  	s8 =	smul.u32 $0x1F40, s8;
	s15 =	sadd.s32 @!p2 $0x84D0, s14;
	s16 =	sadd.s32 @!p2 s6, s1  }
0x48: {  	[tilespmem:s15], [sflag:$0x1] =	stream.linear.gather @!p2 [hbm4b:s16+s17], $0x7D0, $0x38;
	[tilespmem:$0x14FF0] =	vst v63  }
0x49: {  	s8 =	sshrl.u32 s8, $0x2;
	s15 =	sadd.s32 @!p2 $0x9470, s14;
	s16 =	sadd.s32 @!p2 s9, s1  }
0x4a: {  	[tilespmem:s15], [sflag:$0x1] =	stream.linear.gather @!p2 [hbm4b:s16+s17], $0x7D0, $0x38;
	[tilespmem:$0x14FF0] =	vst v63  }
0x4b: {  	s18 =	sadd.s32 @!p2 s10, s1;
	s15 =	sadd.s32 $0x84D0, s8;
	s16 =	sadd.s32 @!p2 $0xA410, s14  }
0x4c: {  	[tilespmem:s16], [sflag:$0x1] =	stream.linear.gather @!p2 [hbm4b:s18+s17], $0x7D0, $0x38;
	[tilespmem:$0x14FF0] =	vst v63  }
0x4d: {  	v1 =	vmov s15;
	s16 =	sadd.s32 $0x7530, s8  }
0x4e: {  	s19 =	sadd.s32 @!p2 s11, s1;
	s18 =	sadd.s32 @!p2 $0xB3B0, s14;
	v2 =	vmov s16  }
0x4f: {  	[tilespmem:s18], [sflag:$0x1] =	stream.linear.gather @!p2 [hbm4b:s19+s17], $0x7D0, $0x38;
	[tilespmem:$0x14FF0] =	vst v63  }
0x50: {  	s1 =	sadd.s32 @!p2 s12, s1;
	s14 =	sadd.s32 @!p2 $0xC350, s14;
	s16 =	simm.s32 $0x0  }
0x51: {  	[tilespmem:s14], [sflag:$0x1] =	stream.linear.gather @!p2 [hbm4b:s1+s17], $0x7D0, $0x38;
	[tilespmem:$0x14FF0] =	vst v63  }
0x52: {  	v5 =	vld.idx.msk [tilespmem:v1+s16+$0x0 ss:$0x1], $0xffff  }
0x53: {  	v6 =	vld.idx.msk [tilespmem:v2+s16+$0x0 ss:$0x1], $0xffff;
	_ =	sdelay $0x3  }
0x54: {  	s17 =	sadd.s32 $0x9470, s8  }
0x55: {  	v3 =	vmov s17  }
0x56: {  	s18 =	sadd.s32 $0xA410, s8  }
0x57: {  	v4 =	vmov s18;
	v5 =	vld.idx.msk [tilespmem:v5+s28+$0x0], $0xffff  }
0x58: {  	v6 =	vld.idx.msk [tilespmem:v6+s29+$0x0], $0xffff;
	_ =	sdelay $0x1  }
0x59: {  	v7 =	vld.idx.msk [tilespmem:v3+s16+$0x0 ss:$0x1], $0xffff  }
0x5a: {  	s1 =	simm.s32 $0x0  }
0x5b: {  	v9 =	vmov s1;
	v8 =	vld.idx.msk [tilespmem:v4+s16+$0x0 ss:$0x1], $0xffff  }
0x5c: {  	v9 =	vshll.u32 v9, $0x4;
	v6 =	vadd.f32 v6, v5  }
0x5d: {  	s19 =	sadd.s32 $0xB3B0, s8;
	v9 =	vor.u32 v0, v9  }
0x5e: {  	v5 =	vmov s19;
	v10 =	vadd.f32 v7, v6;
	_ =	sdelay $0x1  }
0x5f: {  	v6 =	vmul.f32 v10, v8;
	_ =	sdelay $0x1  }
0x60: {  	[tilespmem:v9+s24+$0x0] =	vst.idx.msk $0xffff, v6  }
0x61: {  	v7 =	vld.idx.msk [tilespmem:v5+s16+$0x0 ss:$0x1], $0xffff;
	_ =	sdelay $0x1  }
0x62: {  	s8 =	sadd.s32 $0xC350, s8;
	v8 =	vor.u32 $0x1, v9  }
0x63: {  	v6 =	vmov s8;
	_ =	sdelay $0x1  }
0x64: {  	v7 =	vmul.f32 v7, v10;
	_ =	sdelay $0x1  }
0x65: {  	[tilespmem:v8+s24+$0x0] =	vst.idx.msk $0xffff, v7  }
0x66: {  	v8 =	vld.idx.msk [tilespmem:v6+s16+$0x0 ss:$0x1], $0xffff;
	_ =	sdelay $0x2  }
0x67: {  	s7 =	smul.u32 $0x7D0, s7;
	v7 =	vor.u32 $0x2, v9;
	_ =	sdelay $0x1  }
0x68: {  	s7 =	sadd.s32 $0x84D0, s7;
	s8 =	simm.s32 $0x40;
	v8 =	vmul.f32 v8, v10  }
.LBB2_3:
0x69: {  	p2 =	sne.s32 s8, $0x1F00  }
0x6a: {  	s1 =	sadd.s32 $0x10, s1;
	s14 =	smov.u32 s8;
	s8 =	sadd.s32 $0x40, s8  }
0x6b: {  	s14 =	sshra.s32 s14, $0x2;
	[tilespmem:v7+s24+$0x0] =	vst.idx.msk $0xffff, v8  }
0x6c: {  	v7 =	vld.idx.msk [tilespmem:v1+s14+$0x0 ss:$0x1], $0xffff  }
0x6d: {  	v8 =	vld.idx.msk [tilespmem:v2+s14+$0x0 ss:$0x1], $0xffff;
	_ =	sdelay $0x6  }
0x6e: {  	v7 =	vld.idx.msk [tilespmem:v7+s28+$0x0], $0xffff  }
0x6f: {  	v8 =	vld.idx.msk [tilespmem:v8+s29+$0x0], $0xffff  }
0x70: {  	v9 =	vld.idx.msk [tilespmem:v3+s14+$0x0 ss:$0x1], $0xffff;
	_ =	sdelay $0x1  }
0x71: {  	v10 =	vld.idx.msk [tilespmem:v4+s14+$0x0 ss:$0x1], $0xffff  }
0x72: {  	v11 =	vmov s1  }
0x73: {  	v11 =	vshll.u32 v11, $0x4  }
0x74: {  	v7 =	vadd.f32 v8, v7;
	v8 =	vor.u32 v0, v11;
	_ =	sdelay $0x1  }
0x75: {  	v9 =	vadd.f32 v9, v7;
	_ =	sdelay $0x1  }
0x76: {  	v7 =	vmul.f32 v9, v10;
	_ =	sdelay $0x1  }
0x77: {  	[tilespmem:v8+s24+$0x0] =	vst.idx.msk $0xffff, v7  }
0x78: {  	v7 =	vld.idx.msk [tilespmem:v5+s14+$0x0 ss:$0x1], $0xffff;
	_ =	sdelay $0x1  }
0x79: {  	v10 =	vor.u32 $0x1, v8;
	_ =	sdelay $0x3  }
0x7a: {  	v7 =	vmul.f32 v7, v9;
	_ =	sdelay $0x1  }
0x7b: {  	[tilespmem:v10+s24+$0x0] =	vst.idx.msk $0xffff, v7  }
0x7c: {  	v10 =	vld.idx.msk [tilespmem:v6+s14+$0x0 ss:$0x1], $0xffff;
	_ =	sdelay $0x1  }
.Ltmp0:
0x7d: {  	v7 =	vor.u32 $0x2, v8;
	(pc) =	sbr.rel @p2 .LBB2_3-.Ltmp0, $2  }
0x7e: {  	_ =	sdelay $0x2  }
0x7f: {  	v8 =	vmul.f32 v10, v9  }
0x80: {  	_ =	sdelay $0x2  }
0x81: {  	p2 =	sne.s32 s31, $0x5  }
.Ltmp1:
0x82: {  	[tilespmem:v7+s24+$0x0] =	vst.idx.msk $0xffff, v8;
	(pc) =	sbr.rel @p2 .LBB2_2-.Ltmp1, $4  }
0x83: {  	[spmem:s2] =	stream.indirect.scatter.add.f32 [tilespmem:s24], [sflag:$0x2], $0x10, s7, s5, $0xb8;
	[tilespmem:$0x14FF0] =	vst v63  }
0x84: {  	_ =	swait.ge [sflag:s26], $0x7D00  }
0x85: {  	[sflag:s26] =	ssyncset.done $0x0  }
0x86: {  	p1 =	por !p1, !p1;
	[sflag:s26] =	ssyncadd.s32 $0xFFFF8300  }
0x87: {  	s30 =	sadd.s32 $0x1, s30  }
0x88: {  	p1 =	sne.s32 s30, s21  }
.Ltmp2:
0x89: {  	[bflag:$0x0] =	sbarrier.arrive $0xFFFF;
	s1 =	simm.s32 @!p0 $0x2;
	(pc) =	sbr.rel @p1 .LBB2_1-.Ltmp2, $4  }
0x8a: {  	[hbm:s20], [sflag:s22] =	dma.local @!p0 [spmem:s25], $0x7D0  }
0x8b: {  	_ =	swait.ge @!p0 [sflag:s1], $0x7D0  }
0x8c: {  	[sflag:s1] =	ssyncset.done @!p0 $0x0  }
0x8d: {  	[sflag:s1] =	ssyncadd.s32 @!p0 $0xFFFFF830  }
0x8e: {  	_ =	sfence.sel $0x180000  }
0x8f: {  	[bflag:$0x0] =	sbarrier.arrive $0xFFFF  }
0x90: {  	_ =	strace $0x9000004A  }
0x91: {  	s0 =	stileid.u32;
	[bflag:$0x2] =	sbarrier.arrive $0xFFFF  }
0x92: {  	p0 =	sne.s32 s0, $0x0;
	s0 =	rddreg [dreg:$0x3]  }
0x93: {  	s0 =	sadd.s32 @!p0 $0x100000, s0  }
0x94: {  	[sflag:s0] =	ssyncadd.tile.s32 @!p0 $0x1;
	_ =	shalt  }
.Lfunc_end2:
_tile_overlayer_lowered:
.L_overlay_start_2:
0x95: {  	(tag) =	ssettag $0x2  }
0x96: {  	s0 =	rddreg [dreg:$0x0];
	s2 =	stileid.u32  }
0x97: {  	s1 =	rddreg [dreg:$0x1];
	p0 =	sne.s32 s2, $0x0  }
0x98: {  	s3 =	rddreg [dreg:$0x2];
	[bflag:$0x3] =	sbarrier.arrive $0xFFFF;
	s2 =	simm.s32 @!p0 $0x1C02  }
0x99: {  	[timem:s3], [sflag:s2] =	dma.local @!p0 [hbm:s0], s1  }
0x9a: {  	s0 =	simm.s32 @!p0 $0x2  }
0x9b: {  	_ =	swait.ge @!p0 [sflag:s0], s1  }
0x9c: {  	s1 =	ssub.s32 @!p0 $0x0, s1;
	[sflag:s0] =	ssyncset.done @!p0 $0x0  }
0x9d: {  	[sflag:s0] =	ssyncadd.s32 @!p0 s1  }
0x9e: {  	[bflag:$0x3] =	sbarrier.arrive $0xFFFF  }
0x9f: {  	_ =	shalt  }

// kernel: kernel.7.cloned.1.call-start
scs
__scs_entry_jumppad:
0x0: {  	(pc) =	sbr.rel $0x88, $3  }
0x1: {  	(tag) =	ssettag $0x0;
	lr =	simm.s32 $0x1  }
0x2: {  	[smem:$0x3F93] =	sst lr;
	_ =	strace $0xD0000000  }
0x3: {  	_ = 	snop  }
0x4: {  	_ = 	snop  }
0x5: {  	_ = 	snop  }
0x6: {  	_ = 	snop  }
0x7: {  	_ = 	snop  }
__scs_overlays_trampoline_lowered:
0x8: {  	[smem:$0x3FA2] =	sst s0  }
0x9: {  	[smem:$0x3FA3] =	sst s1  }
0xa: {  	[smem:$0x3FA4] =	sst s2  }
0xb: {  	[smem:$0x3FA5] =	sst s3  }
0xc: {  	[smem:$0x3FA6] =	sst s4  }
0xd: {  	[smem:$0x3FA7] =	sst s5  }
0xe: {  	[smem:$0x3FA8] =	sst s6  }
0xf: {  	[smem:$0x3FA9] =	sst s7  }
0x10: {  	[smem:$0x3FAA] =	sst s8  }
0x11: {  	[smem:$0x3FAB] =	sst s9;
	s0 =	simm.s32 @!p0 $0x0  }
0x12: {  	s1 =	sld [smem:$0x3F91];
	s0 =	simm.s32 @p0 $0x1  }
0x13: {  	[smem:$0x3FAC] =	sst s0;
	s0 =	simm.s32 @!p1 $0x0  }
0x14: {  	s2 =	sld [smem:$0x3F90];
	s0 =	simm.s32 @p1 $0x1  }
0x15: {  	[smem:$0x3FAD] =	sst s0;
	s0 =	simm.s32 @!p2 $0x0  }
0x16: {  	s3 =	sld [smem:$0x3FDB];
	s0 =	simm.s32 @p2 $0x1  }
0x17: {  	s4 =	simm.s32 $0x1BF5;
	[smem:$0x3FAF] =	sst s0  }
0x18: {  	s0 =	sld [smem:$0x3F92];
	_ =	swait.ge [sflag:s4], $0x0  }
0x19: {  	s7 =	sld [smem:$0x3F93]  }
0x1a: {  	s8 =	sadd.s32 $0xFFFFE003, lr  }
0x1b: {  	s9 =	sadd.s32 $0xFFFFFEF7, lr;
	s5 =	simm.s32 $0xFFFFFFFF;
	p2 =	slt.u32 s8, $0xFFFFF086  }
0x1c: {  	p1 =	slt.u32 s9, $0xF7A;
	s5 =	simm.s32 @!p2 $0x0  }
0x1d: {  	s5 =	simm.s32 @p1 $0x1;
	p0 =	seq.s32 s7, s2  }
0x1e: {  	s7 =	smul.u32 @!p0 $0xF7A, s2;
	p2 =	seq.s32 @!p0 s5, $0x0  }
0x1f: {  	s9 =	smul.u32 $0xF7A, s1;
	s8 =	simm.s32 @!p0 $0x1BF5;
	p2 =	por !p2, p0  }
0x20: {  	[sflag:s8] =	ssyncset.s32 @!p0 $0xFFFFF086;
	s6 =	sadd.s32 @!p0 s3, s7;
	s7 =	simm.s32 @!p0 $0x108  }
0x21: {  	s3 =	sadd.s32 s3, s9;
	s6 =	sadd.s32 @!p0 $0x88, s6;
	s7 =	simm.s32 @p2 $0x1082  }
0x22: {  	[simem:s7], [sflag:s8] =	dma.local @!p0 [hbm:s6], $0xF7A  }
0x23: {  	s9 =	sor.u32 $0xD0000000, s2;
	s6 =	simm.s32 $0x108;
	_ =	swait.ge @!p0 [sflag:s8], $0x0  }
0x24: {  	s3 =	sadd.s32 $0x88, s3;
	s6 =	simm.s32 @!p1 $0x1082;
	[sflag:s4] =	ssyncset.s32 $0xFFFFF086  }
0x25: {  	[simem:s6], [sflag:s4] =	dma.local [hbm:s3], $0xF7A  }
0x26: {  	[smem:$0x3F93] =	sst s1;
	(tag) =	ssettag s2;
	_ =	strace s9  }
0x27: {  	s1 =	sld [smem:$0x3FA3]  }
0x28: {  	s2 =	sld [smem:$0x3FA4]  }
0x29: {  	s4 =	sld [smem:$0x3FA6]  }
0x2a: {  	p0 =	seq.s32 s5, $0x0;
	s5 =	sld [smem:$0x3FA7]  }
0x2b: {  	s6 =	sld [smem:$0x3FA8]  }
0x2c: {  	s7 =	sld [smem:$0x3FA9]  }
0x2d: {  	s3 =	simm.s32 $0x108;
	s8 =	sld [smem:$0x3FAA]  }
0x2e: {  	s3 =	simm.s32 @!p0 $0x1082;
	s9 =	sld [smem:$0x3FAB]  }
0x2f: {  	lr =	sadd.s32 s0, s3;
	s0 =	sld [smem:$0x3FA2]  }
0x30: {  	s3 =	sld [smem:$0x3FA5]  }
0x31: {  	[smem:$0x3FAE] =	sst s10  }
0x32: {  	s10 =	sld [smem:$0x3FAC];
	_ =	sdelay $0x3  }
0x33: {  	p0 =	seq.s32 s10, $0x1;
	s10 =	sld [smem:$0x3FAE];
	_ =	sdelay $0x3  }
0x34: {  	[smem:$0x3FAE] =	sst s10  }
0x35: {  	s10 =	sld [smem:$0x3FAD];
	_ =	sdelay $0x3  }
0x36: {  	p1 =	seq.s32 s10, $0x1;
	s10 =	sld [smem:$0x3FAE];
	_ =	sdelay $0x3  }
0x37: {  	[smem:$0x3FAE] =	sst s10  }
0x38: {  	s10 =	sld [smem:$0x3FAF]  }
0x39: {  	_ = 	snop;
	(pc) =	sbr.ind lr, $3  }
0x3a: {  	_ = 	snop  }
0x3b: {  	_ = 	snop  }
0x3c: {  	p2 =	seq.s32 s10, $0x1;
	s10 =	sld [smem:$0x3FAE]  }
0x3d: {  	_ =	shalt  }
0x3e: {  	_ =	shalt  }
0x3f: {  	_ =	shalt  }
0x40: {  	_ =	shalt  }
0x41: {  	_ =	shalt  }
0x42: {  	_ =	shalt  }
0x43: {  	_ =	shalt  }
0x44: {  	_ =	shalt  }
0x45: {  	_ =	shalt  }
0x46: {  	_ =	shalt  }
0x47: {  	_ =	shalt  }
0x48: {  	_ =	shalt  }
0x49: {  	_ =	shalt  }
0x4a: {  	_ =	shalt  }
0x4b: {  	_ =	shalt  }
0x4c: {  	_ =	shalt  }
0x4d: {  	_ =	shalt  }
0x4e: {  	_ =	shalt  }
0x4f: {  	_ =	shalt  }
0x50: {  	_ =	shalt  }
0x51: {  	_ =	shalt  }
0x52: {  	_ =	shalt  }
0x53: {  	_ =	shalt  }
0x54: {  	_ =	shalt  }
0x55: {  	_ =	shalt  }
0x56: {  	_ =	shalt  }
0x57: {  	_ =	shalt  }
0x58: {  	_ =	shalt  }
0x59: {  	_ =	shalt  }
0x5a: {  	_ =	shalt  }
0x5b: {  	_ =	shalt  }
0x5c: {  	_ =	shalt  }
0x5d: {  	_ =	shalt  }
0x5e: {  	_ =	shalt  }
0x5f: {  	_ =	shalt  }
0x60: {  	_ =	shalt  }
0x61: {  	_ =	shalt  }
0x62: {  	_ =	shalt  }
0x63: {  	_ =	shalt  }
0x64: {  	_ =	shalt  }
0x65: {  	_ =	shalt  }
0x66: {  	_ =	shalt  }
0x67: {  	_ =	shalt  }
0x68: {  	_ =	shalt  }
0x69: {  	_ =	shalt  }
0x6a: {  	_ =	shalt  }
0x6b: {  	_ =	shalt  }
0x6c: {  	_ =	shalt  }
0x6d: {  	_ =	shalt  }
0x6e: {  	_ =	shalt  }
0x6f: {  	_ =	shalt  }
0x70: {  	_ =	shalt  }
0x71: {  	_ =	shalt  }
0x72: {  	_ =	shalt  }
0x73: {  	_ =	shalt  }
0x74: {  	_ =	shalt  }
0x75: {  	_ =	shalt  }
0x76: {  	_ =	shalt  }
0x77: {  	_ =	shalt  }
0x78: {  	_ =	shalt  }
0x79: {  	_ =	shalt  }
0x7a: {  	_ =	shalt  }
0x7b: {  	_ =	shalt  }
0x7c: {  	_ =	shalt  }
0x7d: {  	_ =	shalt  }
0x7e: {  	_ =	shalt  }
0x7f: {  	_ =	shalt  }
0x80: {  	_ =	shalt  }
0x81: {  	_ =	shalt  }
0x82: {  	_ =	shalt  }
0x83: {  	_ =	shalt  }
0x84: {  	_ =	shalt  }
0x85: {  	_ =	shalt  }
0x86: {  	_ =	shalt  }
0x87: {  	_ =	shalt  }
.Lfunc_end0:
.L_simem_size_0:
called_computation_lowered:
.L_overlay_start_0:
0x88: {  	s2 =	sld [smem:$0x3FD9]  }
0x89: {  	s3 =	sld [smem:$0x3FFE];
	_ =	sdelay $0x1  }
0x8a: {  	s1 =	srdreg.scid  }
0x8b: {  	s0 =	sand.u32 $0x1, s1  }
0x8c: {  	s17 =	sshll.u32 s0, $0xA;
	s2 =	sadd.s32 s3, s2  }
0x8d: {  	s2 =	sadd.s32 s2, s17  }
0x8e: {  	[smem:$0x3FBA] =	sst s2  }
0x8f: {  	_ = 	snop  }
0x90: {  	s2 =	sld [smem:$0x3FD0];
	(tm) =	ssettm $0x1  }
0x91: {  	s18 =	sld [smem:$0x3FFB];
	_ =	sdelay $0x3  }
0x92: {  	_ =	strace s18  }
0x93: {  	s3 =	sld [smem:$0x3FFC];
	_ =	sdelay $0x3  }
0x94: {  	_ =	strace s3  }
0x95: {  	s3 =	sld [smem:$0x3FFD];
	_ =	sdelay $0x3  }
0x96: {  	_ =	strace s3  }
0x97: {  	_ =	strace $0x8FFFFFFF  }
0x98: {  	s19 =	sld [smem:$0x3FDB];
	_ =	sdelay $0x1  }
0x99: {  	s4 =	simm.s32 $_scs_section_size  }
0x9a: {  	s5 =	simm.s32 $_size__tile_overlayer_lowered;
	s6 =	simm.s32 $_tile_overlayer_lowered  }
0x9b: {  	s22 =	simm.s32 $0x1BFF;
	s21 =	sshll.u32 s6, $0x1;
	s3 =	sadd.s32 s4, s19  }
0x9c: {  	s7 =	simm.s32 $0x0;
	s20 =	sshll.u32 s5, $0x1;
	s5 =	sadd.s32 s21, s3  }
0x9d: {  	[timem:s7], [sflag:s22] =	dma.local [hbm:s5], s20  }
0x9e: {  	_ =	swait.ge [sflag:s22], s20  }
0x9f: {  	s4 =	ssub.s32 $0x0, s20;
	[sflag:s22] =	ssyncset.done $0x0  }
0xa0: {  	[sflag:s22] =	ssyncadd.s32 s4;
	_ =	sdelay $0x1  }
0xa1: {  	s23 =	simm.s32 $0x1B8B  }
0xa2: {  	_ =	swait.ge [sflag:s23], $0x1  }
0xa3: {  	[sflag:s23] =	ssyncset.done $0x0  }
0xa4: {  	s25 =	simm.s32 $0x1B8E;
	s24 =	sld [smem:$0x3FFE];
	[sflag:s23] =	ssyncadd.s32 $0xFFFFFFFF  }
0xa5: {  	s26 =	simm.s32 $execute0_lowered;
	[smem:$0x3FD2] =	sst s25  }
0xa6: {  	s5 =	sshll.u32 s26, $0x1;
	_ =	strace $0x80000046;
	[dreg:$0x1] =	wrdreg $0xFFFFFFFF  }
0xa7: {  	s28 =	simm.s32 $_size_execute0_lowered;
	s3 =	sadd.s32 s3, s5;
	[dreg:$0x0] =	wrdreg $0x0  }
0xa8: {  	s5 =	sshll.u32 s28, $0x1;
	[dreg:$0x2] =	wrdreg s3  }
0xa9: {  	[dreg:$0x3] =	wrdreg s5  }
0xaa: {  	[dreg:$0x4] =	wrdreg $0xC0  }
0xab: {  	_ =	task [dreg:s7], $0x5FFFF  }
0xac: {  	[dreg:$0x1] =	wrdreg $0xFFFFFFFF  }
0xad: {  	[dreg:$0x0] =	wrdreg $0x60  }
0xae: {  	[dreg:$0x2] =	wrdreg s24  }
0xaf: {  	[dreg:$0x3] =	wrdreg s2  }
0xb0: {  	[dreg:$0x4] =	wrdreg $0x0  }
0xb1: {  	[dreg:$0x5] =	wrdreg $0x9C400  }
0xb2: {  	[dreg:$0x6] =	wrdreg $0xC3500  }
0xb3: {  	[dreg:$0x7] =	wrdreg $0x9  }
0xb4: {  	_ =	task.clear_ibuf [dreg:s7], $0x8FFFF;
	_ =	strace $0x90000046  }
0xb5: {  	s29 =	simm.s32 $0x9;
	_ =	strace $0x80000048  }
0xb6: {  	_ =	swait.ge [sflag:s29], $0x1  }
0xb7: {  	[sflag:s29] =	ssyncadd.s32 $0xFFFFFFFF  }
0xb8: {  	_ =	strace $0x90000048  }
0xb9: {  	_ =	sfence  }
0xba: {  	s30 =	sld [smem:$0x0];
	_ =	sdelay $0x2  }
0xbb: {  	s31 =	sshll.u32 s1, $0xD;
	s1 =	sshrl.u32 s1, $0x2  }
0xbc: {  	s3 =	sand.u32 $0x4000, s31;
	s1 =	sadd.s32 s1, s30  }
0xbd: {  	s0 =	sor.u32 s3, s0;
	s1 =	sshll.u32 s1, $0x11  }
0xbe: {  	s0 =	sor.u32 s1, s0  }
0xbf: {  	s0 =	sadd.s32 $0x8F2B, s0  }
0xc0: {  	[sflag:s0] =	ssyncadd.remote.s32 $0x1  }
0xc1: {  	_ =	sfence.sel $0xFFFF  }
0xc2: {  	[dreg:$0x0] =	wrdreg $0xFFFFFFFF;
	(pc) =	sbr.abs _section_cstart, $3  }
0xc3: {  	[dreg:$0x1] =	wrdreg $0xFFFFFFFF  }
0xc4: {  	_ =	task.clear_ibuf [dreg:s7], $0x2FFFF;
	_ =	strace $0x9FFFFFFF  }
0xc5: {  	(tm) =	ssettm $0x7FFFFFFF  }
tec
execute0_lowered:
.L_overlay_start_1:
0x0: {  	(tag) =	ssettag $0x1  }
0x1: {  	s0 =	rddreg [dreg:$0x0]  }
0x2: {  	s2 =	rddreg [dreg:$0x2]  }
0x3: {  	s3 =	rddreg [dreg:$0x3]  }
0x4: {  	s4 =	rddreg [dreg:$0x4]  }
0x5: {  	s1 =	srdreg.scid;
	s6 =	simm.s32 $0x0;
	s19 =	stileid.u32  }
0x6: {  	s29 =	simm.s32 $0x1;
	s30 =	simm.s32 $0x190;
	s31 =	simm.s32 $0x2  }
0x7: {  	s1 =	sand.u32 $0x1, s1;
	[smem:$0x7FF] =	sst s6;
	s11 =	smul.u32 $0x1F400, s19  }
0x8: {  	s7 =	sadd.s32 $0xC200, s0;
	s14 =	smul.u32 $0x7D00, s19;
	s8 =	sadd.s32 $0x2400, s0  }
0x9: {  	s9 =	sadd.s32 $0x18000, s0;
	s10 =	sadd.s32 $0x66200, s0;
	s16 =	smul.u32 $0x3E800, s19  }
0xa: {  	s12 =	sadd.s32 $0x16000, s0;
	p0 =	sgt.u32 s19, $0x9;
	s5 =	smul.u32 $0x138800, s1  }
0xb: {  	_ =	strace $0x80000047;
	s13 =	smul.u32 $0x4E200, s1;
	[dreg:$0x6] =	wrdreg s12  }
0xc: {  	s12 =	sadd.s32 $0x79C00, s0;
	s15 =	sshll.u32 s1, $0x4;
	s1 =	ssub.s32 $0x2, s1  }
0xd: {  	s15 =	sor.u32 s19, s15;
	s17 =	sshrl.u32 s1, $0x1;
	s20 =	sshrl.u32 s16, $0x2  }
0xe: {  	s25 =	sshrl.u32 s11, $0x1;
	s5 =	sadd.s32 s11, s5;
	s13 =	sadd.s32 s14, s13  }
0xf: {  	s1 =	ssub.s32 s1, s17;
	s14 =	sshrl.u32 s14, $0x1;
	s17 =	simm.s32 $0x4  }
0x10: {  	s5 =	sshrl.u32 s5, $0x4;
	s13 =	sshrl.u32 s13, $0x4;
	s21 =	sadd.s32 s14, s3  }
0x11: {  	s14 =	sadd.s32 s14, s4;
	s28 =	smax.u32 s1, $0x1;
	[dreg:$0x7] =	wrdreg s21  }
0x12: {  	s5 =	sadd.s32 s5, s0;
	s0 =	sadd.s32 s13, s0;
	[dreg:$0x8] =	wrdreg s14  }
0x13: {  	s13 =	smul.u32 $0x2710, s15;
	[dreg:$0xe] =	wrdreg s28;
	s5 =	sadd.s32 $0x79E00, s5  }
0x14: {  	s15 =	sadd.s32 s20, s2;
	s26 =	sadd.s32 $0xA1000, s0;
	[dreg:$0xb] =	wrdreg s5  }
0x15: {  	s0 =	sadd.s32 $0xAAE00, s0;
	s22 =	sshrl.u32 s13, $0x3;
	[dreg:$0xc] =	wrdreg s26  }
.Ltmp0:
0x16: {  	[dreg:$0xd] =	wrdreg s0;
	s0 =	sshrl.u32 @!p0 s15, $0x3;
	(pc) =	sbr.rel .LBB2_1-.Ltmp0, $4  }
0x17: {  	s18 =	sadd.s32 s9, s13;
	s23 =	sadd.s32 s7, s22;
	[dreg:$0xf] =	wrdreg s0  }
0x18: {  	s5 =	sadd.s32 s25, s2;
	s24 =	sadd.s32 s8, s22;
	[dreg:$0x9] =	wrdreg s23  }
0x19: {  	s0 =	sshrl.u32 @!p0 s5, $0x3;
	s5 =	simm.s32 $0x0;
	[dreg:$0xa] =	wrdreg s24  }
0x1a: {  	[dreg:$0x10] =	wrdreg s0;
	s0 =	simm.s32 $0x3;
	s24 =	simm.s32 $0x0  }
.LBB2_13:
0x1b: {  	_ =	swait.ge [sflag:s0], $0x6400  }
0x1c: {  	[sflag:s0] =	ssyncset.done $0x0  }
0x1d: {  	[sflag:s0] =	ssyncadd.s32 $0xFFFF9C00  }
0x1e: {  	_ =	swait.ge [sflag:s0], $0x1900  }
0x1f: {  	[sflag:s0] =	ssyncset.done $0x0  }
0x20: {  	[sflag:s0] =	ssyncadd.s32 $0xFFFFE700  }
0x21: {  	_ =	swait.ge [sflag:s0], $0x1900  }
0x22: {  	[sflag:s0] =	ssyncset.done $0x0  }
0x23: {  	[sflag:s0] =	ssyncadd.s32 $0xFFFFE700  }
0x24: {  	_ =	swait.ge [sflag:s0], $0x6400  }
0x25: {  	[sflag:s0] =	ssyncset.done $0x0  }
0x26: {  	[sflag:s0] =	ssyncadd.s32 $0xFFFF9C00  }
0x27: {  	_ =	swait.ge [sflag:s0], $0x1900  }
0x28: {  	[sflag:s0] =	ssyncset.done $0x0  }
0x29: {  	[sflag:s0] =	ssyncadd.s32 $0xFFFFE700  }
0x2a: {  	_ =	swait.ge [sflag:s0], $0x1900  }
0x2b: {  	[sflag:s0] =	ssyncset.done $0x0  }
0x2c: {  	[sflag:s0] =	ssyncadd.s32 $0xFFFFE700  }
0x2d: {  	[bflag:$0x0] =	sbarrier.arrive $0xFFFF  }
0x2e: {  	s11 =	rddreg [dreg:$0xb]  }
0x2f: {  	s14 =	rddreg [dreg:$0x10]  }
0x30: {  	[hbm:s11], [sflag:s26] =	dma.local @!p0 [spmem:s14], $0x1F40  }
0x31: {  	s11 =	simm.s32 @!p0 $0x4  }
0x32: {  	_ =	swait.ge @!p0 [sflag:s11], $0x1F40  }
0x33: {  	[sflag:s11] =	ssyncset.done @!p0 $0x0  }
0x34: {  	s14 =	rddreg [dreg:$0xc];
	[sflag:s11] =	ssyncadd.s32 @!p0 $0xFFFFE0C0  }
0x35: {  	[hbm:s14], [sflag:s26] =	dma.local @!p0 [spmem:s28], $0x7D0  }
0x36: {  	_ =	swait.ge @!p0 [sflag:s11], $0x7D0  }
0x37: {  	[sflag:s11] =	ssyncset.done @!p0 $0x0  }
0x38: {  	s14 =	rddreg [dreg:$0xd];
	[sflag:s11] =	ssyncadd.s32 @!p0 $0xFFFFF830  }
0x39: {  	[hbm:s14], [sflag:s26] =	dma.local @!p0 [spmem:s1], $0x7D0  }
0x3a: {  	_ =	swait.ge @!p0 [sflag:s11], $0x7D0  }
0x3b: {  	s5 =	sadd.s32 $0x1, s5;
	s28 =	rddreg [dreg:$0xe]  }
0x3c: {  	p1 =	sne.s32 s5, s28  }
.Ltmp1:
0x3d: {  	_ = 	snop;
	(pc) =	sbr.rel @!p1 .LBB2_14-.Ltmp1, $3  }
0x3e: {  	_ =	sdelay $0x1  }
0x3f: {  	[sflag:s11] =	ssyncset.done @!p0 $0x0  }
0x40: {  	s17 =	simm.s32 $0x4;
	[sflag:s11] =	ssyncadd.s32 @!p0 $0xFFFFF830  }
.LBB2_1:
0x41: {  	s1 =	stileid.u32  }
0x42: {  	s11 =	rddreg [dreg:$0xf];
	s1 =	sshll.u32 @!p0 s1, $0x6  }
0x43: {  	s26 =	sor.u32 @!p0 $0x1C04, s1;
	s1 =	rddreg [dreg:$0x6]  }
0x44: {  	[spmem:s11], [sflag:s26] =	dma.local @!p0 [hbm:s1], $0x1F40  }
0x45: {  	s11 =	simm.s32 @!p0 $0x4  }
0x46: {  	_ =	swait.ge @!p0 [sflag:s11], $0x1F40  }
0x47: {  	[sflag:s11] =	ssyncset.done @!p0 $0x0  }
0x48: {  	s1 =	rddreg [dreg:$0x7];
	[sflag:s11] =	ssyncadd.s32 @!p0 $0xFFFFE0C0  }
0x49: {  	s28 =	sshrl.u32 @!p0 s1, $0x3;
	s14 =	rddreg [dreg:$0x1]  }
0x4a: {  	[spmem:s28], [sflag:s26] =	dma.local @!p0 [hbm:s14], $0x7D0  }
0x4b: {  	_ =	swait.ge @!p0 [sflag:s11], $0x7D0  }
0x4c: {  	[sflag:s11] =	ssyncset.done @!p0 $0x0;
	s1 =	rddreg [dreg:$0x8]  }
0x4d: {  	[sflag:s11] =	ssyncadd.s32 @!p0 $0xFFFFF830;
	s1 =	sshrl.u32 @!p0 s1, $0x3  }
0x4e: {  	[spmem:s1], [sflag:s26] =	dma.local @!p0 [hbm:s14], $0x7D0  }
0x4f: {  	_ =	swait.ge @!p0 [sflag:s11], $0x7D0  }
0x50: {  	s16 =	sadd.s32 $0x0, s12;
	s15 =	simm.s32 $0x1B8B8;
	[sflag:s11] =	ssyncset.done @!p0 $0x0  }
0x51: {  	s14 =	simm.s32 $0x1;
	[sflag:s11] =	ssyncadd.s32 @!p0 $0xFFFFF830;
	s11 =	simm.s32 $0x1B8A8  }
.LBB2_2:
0x52: {  	[tilespmem:s11], [sflag:$0x4] =	stream.linear.gather [hbm4b:s16+s6], $0x8, $0x38;
	[tilespmem:$0x1EAA0] =	vst v63  }
0x53: {  	s16 =	smov.u32 s14;
	s11 =	smov.u32 s15;
	p1 =	sne.s32 s14, $0x18F  }
.Ltmp2:
0x54: {  	s14 =	sadd.s32 $0x1, s14;
	(pc) =	sbr.rel @p1 .LBB2_2-.Ltmp2, $2  }
0x55: {  	_ =	sdelay $0x2  }
0x56: {  	s15 =	sadd.s32 $0x10, s15;
	s16 =	sadd.s32 s16, s12  }
0x57: {  	[tilespmem:s11], [sflag:$0x4] =	stream.linear.gather [hbm4b:s16+s6], $0x8, $0x38;
	[tilespmem:$0x1EAA0] =	vst v63  }
0x58: {  	_ =	swait.ge [sflag:s17], $0xC80  }
0x59: {  	s11 =	simm.s32 $0x1D1A8;
	s14 =	simm.s32 $0x1;
	[sflag:s17] =	ssyncset.done $0x0  }
0x5a: {  	s16 =	sadd.s32 $0x0, s12;
	s15 =	simm.s32 $0x1D1B8;
	[sflag:s17] =	ssyncadd.s32 $0xFFFFF380  }
.LBB2_4:
0x5b: {  	[tilespmem:s11], [sflag:$0x4] =	stream.linear.gather [hbm4b:s16+s6], $0x8, $0x38;
	[tilespmem:$0x1EAA0] =	vst v63  }
0x5c: {  	s16 =	smov.u32 s14;
	s11 =	smov.u32 s15;
	p1 =	sne.s32 s14, $0x18F  }
.Ltmp3:
0x5d: {  	s14 =	sadd.s32 $0x1, s14;
	(pc) =	sbr.rel @p1 .LBB2_4-.Ltmp3, $2  }
0x5e: {  	_ =	sdelay $0x2  }
0x5f: {  	s15 =	sadd.s32 $0x10, s15;
	s16 =	sadd.s32 s16, s12  }
0x60: {  	[tilespmem:s11], [sflag:$0x4] =	stream.linear.gather [hbm4b:s16+s6], $0x8, $0x38;
	[tilespmem:$0x1EAA0] =	vst v63  }
0x61: {  	_ =	swait.ge [sflag:s17], $0xC80  }
0x62: {  	[sflag:s17] =	ssyncset.done $0x0  }
0x63: {  	[sflag:s17] =	ssyncadd.s32 $0xFFFFF380  }
0x64: {  	s11 =	simm.s32 $0x0;
	[bflag:$0x0] =	sbarrier.arrive $0xFFFF  }
0x65: {  	s15 =	simm.s32 $0xEA60;
	s25 =	simm.s32 $0xED80;
	s14 =	rddreg [dreg:$0x9]  }
0x66: {  	[tilespmem:s15], [sflag:$0x1] =	stream.linear.gather [hbm4b:s14+s11], $0x190, $0x38;
	[tilespmem:$0x1EAA0] =	vst v63  }
0x67: {  	s23 =	rddreg [dreg:$0xa];
	s14 =	simm.s32 $0x1B8A0;
	s15 =	simm.s32 $0x0  }
0x68: {  	[tilespmem:s25], [sflag:$0x1] =	stream.linear.gather [hbm4b:s23+s11], $0x190, $0x38;
	[tilespmem:$0x1EAA0] =	vst v63  }
.LBB2_6:
0x69: {  	p1 =	sne.s32 s15, $0x18F  }
.Ltmp4:
0x6a: {  	_ = 	snop;
	(pc) =	sbr.rel @p1 .LBB2_6-.Ltmp4, $4  }
0x6b: {  	_ = 	snop  }
0x6c: {  	s16 =	sadd.s32 s15, s18  }
0x6d: {  	[tilespmem:s14], [sflag:$0x1] =	stream.linear.gather [hbm4b:s16+s11], $0x8, $0x38;
	[tilespmem:$0x1EAA0] =	vst v63  }
0x6e: {  	s15 =	sadd.s32 $0x1, s15;
	s14 =	sadd.s32 $0x10, s14  }
.Ltmp5:
0x6f: {  	(pc) =	sbr.rel .LBB2_8-.Ltmp5, $2  }
0x70: {  	_ =	sdelay $0x2  }
0x71: {  	p1 =	por $0x1, $0x1  }
.LBB2_12:
0x72: {  	_ =	swait.ge [sflag:s31], $0x6400  }
0x73: {  	s16 =	sadd.s32 $0xED80, s16;
	[sflag:s31] =	ssyncset.done $0x0  }
0x74: {  	s14 =	smul.u32 $0x6400, s14;
	p2 =	sne.s32 s11, $0x19;
	[sflag:s31] =	ssyncadd.s32 $0xFFFF9C00  }
0x75: {  	[spmem:s2] =	stream.indirect.scatter.add.bf16 [tilespmem:s17], [sflag:$0x3], $0x40, s16, s30, $0xb8;
	[tilespmem:$0x1EAA0] =	vst v63  }
.Ltmp6:
0x76: {  	s14 =	sshrl.u32 s14, $0x2;
	(pc) =	sbr.rel @!p2 .LBB2_13-.Ltmp6, $4  }
0x77: {  	s14 =	sadd.s32 $0x1B8A0, s14  }
0x78: {  	[spmem:s3] =	stream.indirect.scatter.add.bf16 [tilespmem:s14], [sflag:$0x3], $0x10, s16, s30, $0xb8;
	[tilespmem:$0x1EAA0] =	vst v63  }
0x79: {  	p1 =	por !p1, !p1  }
0x7a: {  	[spmem:s4] =	stream.indirect.scatter.add.bf16 [tilespmem:s14], [sflag:$0x3], $0x10, s15, s30, $0xb8;
	[tilespmem:$0x1EAA0] =	vst v63  }
.LBB2_8:
0x7b: {  	p2 =	slt.u32 s11, $0x2  }
0x7c: {  	s14 =	simm.s32 @!p2 $0x3  }
0x7d: {  	_ =	swait.ge @!p2 [sflag:s14], $0x6400  }
0x7e: {  	[sflag:s14] =	ssyncset.done @!p2 $0x0  }
0x7f: {  	[sflag:s14] =	ssyncadd.s32 @!p2 $0xFFFF9C00  }
0x80: {  	_ =	swait.ge @!p2 [sflag:s14], $0x1900  }
0x81: {  	[sflag:s14] =	ssyncset.done @!p2 $0x0  }
0x82: {  	[sflag:s14] =	ssyncadd.s32 @!p2 $0xFFFFE700  }
0x83: {  	_ =	swait.ge @!p2 [sflag:s14], $0x1900  }
0x84: {  	[sflag:s14] =	ssyncset.done @!p2 $0x0  }
0x85: {  	[sflag:s14] =	ssyncadd.s32 @!p2 $0xFFFFE700  }
0x86: {  	_ =	swait.ge [sflag:s29], $0x190  }
0x87: {  	[sflag:s29] =	ssyncset.done $0x0  }
0x88: {  	[sflag:s29] =	ssyncadd.s32 $0xFFFFFE70  }
0x89: {  	s14 =	sand.u32 $0x1, s11;
	_ =	swait.ge [sflag:s29], $0x190  }
0x8a: {  	p2 =	seq.s32 s11, $0x18;
	s15 =	smul.u32 $0x19000, s14;
	[sflag:s29] =	ssyncset.done $0x0  }
.Ltmp7:
0x8b: {  	[sflag:s29] =	ssyncadd.s32 $0xFFFFFE70;
	(pc) =	sbr.rel @p2 .LBB2_12-.Ltmp7, $4  }
0x8c: {  	s16 =	smul.u32 $0x190, s14;
	_ =	swait.ge [sflag:s29], $0xC80  }
0x8d: {  	s11 =	sadd.s32 $0x1, s11;
	s17 =	sshrl.u32 s15, $0x2;
	[sflag:s29] =	ssyncset.done $0x0  }
0x8e: {  	s15 =	sadd.s32 $0xEA60, s16;
	s17 =	sadd.s32 $0xF0A0, s17;
	[sflag:s29] =	ssyncadd.s32 $0xFFFFF380  }
0x8f: {  	[tilespmem:s17], [sflag:$0x2] =	stream.indirect.gather [hbm4b:s10+s30], $0x40, s15, s30, $0xb8;
	[tilespmem:$0x1EAA0] =	vst v63  }
0x90: {  	s19 =	smul.u32 $0x190, s11  }
0x91: {  	s21 =	sxor.u32 $0x1, s14  }
0x92: {  	s20 =	simm.s32 $0x1;
	s22 =	sadd.s32 s13, s19;
	s19 =	smul.u32 $0x190, s21  }
0x93: {  	s20 =	simm.s32 @!p1 $0x0;
	s21 =	sshrl.u32 s22, $0x3  }
0x94: {  	s20 =	smul.u32 $0x6400, s20;
	s23 =	sadd.s32 $0xEA60, s19;
	s25 =	sadd.s32 s7, s21  }
0x95: {  	[tilespmem:s23], [sflag:$0x1] =	stream.linear.gather [hbm4b:s25+s24], $0x190, $0x38;
	[tilespmem:$0x1EAA0] =	vst v63  }
0x96: {  	s20 =	sshrl.u32 s20, $0x2;
	s19 =	sadd.s32 $0xED80, s19;
	s21 =	sadd.s32 s8, s21  }
0x97: {  	[tilespmem:s19], [sflag:$0x1] =	stream.linear.gather [hbm4b:s21+s24], $0x190, $0x38;
	[tilespmem:$0x1EAA0] =	vst v63  }
0x98: {  	s19 =	sadd.s32 $0x1B8A0, s20;
	s20 =	sadd.s32 s9, s22  }
0x99: {  	s21 =	simm.s32 $0x1;
	s23 =	sadd.s32 $0x0, s20;
	s22 =	sadd.s32 $0x10, s19  }
.LBB2_10:
0x9a: {  	[tilespmem:s19], [sflag:$0x1] =	stream.linear.gather [hbm4b:s23+s6], $0x8, $0x38;
	[tilespmem:$0x1EAA0] =	vst v63  }
0x9b: {  	s23 =	smov.u32 s21;
	s19 =	smov.u32 s22;
	p2 =	sne.s32 s21, $0x18F  }
.Ltmp8:
0x9c: {  	s21 =	sadd.s32 $0x1, s21;
	(pc) =	sbr.rel @p2 .LBB2_10-.Ltmp8, $2  }
0x9d: {  	_ =	sdelay $0x2  }
0x9e: {  	s22 =	sadd.s32 $0x10, s22;
	s23 =	sadd.s32 s23, s20  }
.Ltmp9:
0x9f: {  	(pc) =	sbr.rel .LBB2_12-.Ltmp9, $2  }
0xa0: {  	_ =	sdelay $0x2  }
0xa1: {  	[tilespmem:s19], [sflag:$0x1] =	stream.linear.gather [hbm4b:s23+s6], $0x8, $0x38;
	[tilespmem:$0x1EAA0] =	vst v63  }
.LBB2_14:
0xa2: {  	_ =	sfence.sel $0x180000  }
0xa3: {  	[bflag:$0x0] =	sbarrier.arrive $0xFFFF  }
0xa4: {  	_ =	strace $0x90000047  }
0xa5: {  	s0 =	stileid.u32;
	[bflag:$0x2] =	sbarrier.arrive $0xFFFF  }
0xa6: {  	p0 =	sne.s32 s0, $0x0;
	s0 =	rddreg [dreg:$0x5]  }
0xa7: {  	s0 =	sadd.s32 @!p0 $0x100000, s0  }
0xa8: {  	[sflag:s0] =	ssyncadd.tile.s32 @!p0 $0x1;
	_ =	shalt  }
.Lfunc_end2:
_tile_overlayer_lowered:
.L_overlay_start_2:
0xa9: {  	(tag) =	ssettag $0x2  }
0xaa: {  	s0 =	rddreg [dreg:$0x0];
	s2 =	stileid.u32  }
0xab: {  	s1 =	rddreg [dreg:$0x1];
	p0 =	sne.s32 s2, $0x0  }
0xac: {  	s3 =	rddreg [dreg:$0x2];
	[bflag:$0x3] =	sbarrier.arrive $0xFFFF;
	s2 =	simm.s32 @!p0 $0x1C04  }
0xad: {  	[timem:s3], [sflag:s2] =	dma.local @!p0 [hbm:s0], s1  }
0xae: {  	s0 =	simm.s32 @!p0 $0x4  }
0xaf: {  	_ =	swait.ge @!p0 [sflag:s0], s1  }
0xb0: {  	s1 =	ssub.s32 @!p0 $0x0, s1;
	[sflag:s0] =	ssyncset.done @!p0 $0x0  }
0xb1: {  	[sflag:s0] =	ssyncadd.s32 @!p0 s1  }
0xb2: {  	[bflag:$0x3] =	sbarrier.arrive $0xFFFF  }
0xb3: {  	_ =	shalt  }

</sc_bundles>
